<compile_context>
chip_gen: v7x
topology: tpu7x:2x2x1
jax: 0.10.2.dev20260603
libtpu: 0.0.44.dev20260713+nightly
codegen_flags: <defaults>
</compile_context>

<pallas_src>
import functools

import jax
import jax.numpy as jnp
from jax import lax
from jax.experimental import pallas as pl
from jax.experimental.pallas import tpu as pltpu
from jax.experimental.pallas import tpu_sc as plsc

N = 10000
D = 128
NE = 320000

NC = 2
NS = 16
NW = NC * NS

EPT = NE // NW
CH = 80
NIT = EPT // CH
RPT = 1000
NZW = N // RPT
ZR = 40
ZBUF1 = 1008

_MESH = plsc.VectorSubcoreMesh(
    core_axis_name="c", subcore_axis_name="s", num_cores=NC, num_subcores=NS
)

_f32 = jnp.float32


def _sc_deg_body(dst_hbm, out_hbm, idx_v, ones_v, zbuf, acc, sem):
    c = lax.axis_index("c")
    s = lax.axis_index("s")

    def fill_ones(i, _):
        ones_v[pl.ds(i * 16, 16)] = jnp.ones((16,), _f32)
        return 0

    lax.fori_loop(0, CH // 16, fill_ones, 0)

    def fill_zero(i, _):
        zbuf[pl.ds(i * 16, 16)] = jnp.zeros((16,), _f32)
        return 0

    lax.fori_loop(0, ZBUF1 // 16, fill_zero, 0)
    pltpu.sync_copy(dst_hbm.at[pl.ds((c * NS + s) * EPT, EPT)], idx_v)

    @pl.when(s < NZW)
    def _zero():
        pltpu.sync_copy(zbuf.at[pl.ds(0, RPT)], acc.at[pl.ds(s * RPT, RPT)])

    plsc.subcore_barrier()

    def fire(j, _):
        pltpu.async_copy(ones_v, acc.at[idx_v.at[pl.ds(j * CH, CH)]], sem, add=True)
        return 0

    lax.fori_loop(0, NIT, fire, 0)

    def drain(j, _):
        pltpu.make_async_copy(ones_v, acc.at[idx_v.at[pl.ds(0, CH)]], sem).wait()
        return 0

    lax.fori_loop(0, NIT, drain, 0)
    plsc.subcore_barrier()

    @pl.when(s < NZW)
    def _writeout():
        pltpu.sync_copy(acc.at[pl.ds(s * RPT, RPT)], zbuf.at[pl.ds(0, RPT)])
        pltpu.sync_copy(zbuf.at[pl.ds(0, RPT)], out_hbm.at[pl.ds(c * N + s * RPT, RPT)])


SCH = 40
SNIT = EPT // SCH
NBUF = 5
SRNDS = SNIT // NBUF


def _sc_segsum_body(
    g_hbm, src_hbm, dst_hbm, out_hbm,
    src_v, dst_v, b0, b1, b2, b3, b4, acc,
    g0, g1, g2, g3, g4, s0, s1, s2, s3, s4,
):
    bufs = [b0, b1, b2, b3, b4]
    gsems = [g0, g1, g2, g3, g4]
    ssems = [s0, s1, s2, s3, s4]
    c = lax.axis_index("c")
    s = lax.axis_index("s")

    ebase = (c * NS + s) * EPT
    d_idx_s = pltpu.async_copy(src_hbm.at[pl.ds(ebase, EPT)], src_v, g0)
    d_idx_d = pltpu.async_copy(dst_hbm.at[pl.ds(ebase, EPT)], dst_v, g1)

    def fill_zero(i, _):
        def inner(j, _):
            b0[i, pl.ds(j * 16, 16)] = jnp.zeros((16,), _f32)
            return 0

        lax.fori_loop(0, D // 16, inner, 0)
        return 0

    lax.fori_loop(0, SCH, fill_zero, 0)

    @pl.when(s < NZW)
    def _zero():
        for r in range(RPT // SCH):
            pltpu.sync_copy(b0, acc.at[pl.ds(s * RPT + r * SCH, SCH), :])

    d_idx_s.wait()
    d_idx_d.wait()
    plsc.subcore_barrier()

    def gfire(j, b):
        pltpu.async_copy(g_hbm.at[src_v.at[pl.ds(j * SCH, SCH)]], bufs[b], gsems[b])

    def gwait(b):
        pltpu.make_async_copy(
            g_hbm.at[src_v.at[pl.ds(0, SCH)]], bufs[b], gsems[b]
        ).wait()

    def sfire(j, b):
        pltpu.async_copy(
            bufs[b], acc.at[dst_v.at[pl.ds(j * SCH, SCH)]], ssems[b], add=True
        )

    def swait(b):
        pltpu.make_async_copy(
            bufs[b], acc.at[dst_v.at[pl.ds(0, SCH)]], ssems[b]
        ).wait()

    for b in range(NBUF):
        gfire(b, b)

    def body(g, _):
        j0 = g * NBUF
        for b in range(NBUF):
            gwait(b)
            sfire(j0 + b, b)
        for b in range(NBUF):
            swait(b)
            gfire(j0 + NBUF + b, b)
        return 0

    lax.fori_loop(0, SRNDS - 1, body, 0)
    j0 = (SRNDS - 1) * NBUF
    for b in range(NBUF):
        gwait(b)
        sfire(j0 + b, b)
    for b in range(NBUF):
        swait(b)
    plsc.subcore_barrier()

    @pl.when(s < NZW)
    def _writeout():
        pltpu.sync_copy(
            acc.at[pl.ds(s * RPT, RPT), :], out_hbm.at[c, pl.ds(s * RPT, RPT), :]
        )


def _make_sc_deg(interpret=False):
    return pl.kernel(
        _sc_deg_body,
        out_type=jax.ShapeDtypeStruct((NC * N,), _f32),
        mesh=_MESH,
        scratch_types=[
            pltpu.VMEM((EPT,), jnp.int32),
            pltpu.VMEM((CH,), _f32),
            pltpu.VMEM((ZBUF1,), _f32),
            pltpu.VMEM_SHARED((N,), _f32),
            pltpu.SemaphoreType.DMA,
        ],
        interpret=interpret,
    )


def _make_sc_segsum(interpret=False):
    return pl.kernel(
        _sc_segsum_body,
        out_type=jax.ShapeDtypeStruct((NC, N, D), _f32),
        mesh=_MESH,
        scratch_types=(
            [
                pltpu.VMEM((EPT,), jnp.int32),
                pltpu.VMEM((EPT,), jnp.int32),
            ]
            + [pltpu.VMEM((SCH, D), _f32) for _ in range(NBUF)]
            + [pltpu.VMEM_SHARED((N, D), _f32)]
            + [pltpu.SemaphoreType.DMA for _ in range(2 * NBUF)]
        ),
        interpret=interpret,
    )


_sc_deg = _make_sc_deg()
_sc_segsum = _make_sc_segsum()


_TCB = 2000
_GRID = N // _TCB


def _tc1_body(x_ref, w_ref, dp_ref, z_ref, n_ref):
    deg = jnp.maximum(jnp.sum(dp_ref[...], axis=0), 1.0)
    norm = lax.rsqrt(deg)
    z = jnp.dot(x_ref[...], w_ref[...], preferred_element_type=_f32)
    z_ref[...] = z * norm
    n_ref[...] = norm


def _tc1(x, w1, dp):
    return pl.pallas_call(
        _tc1_body,
        grid=(_GRID,),
        in_specs=[
            pl.BlockSpec((_TCB, D), lambda i: (i, 0)),
            pl.BlockSpec((D, D), lambda i: (0, 0)),
            pl.BlockSpec((NC, _TCB, 1), lambda i: (0, i, 0)),
        ],
        out_specs=[
            pl.BlockSpec((_TCB, D), lambda i: (i, 0)),
            pl.BlockSpec((_TCB, 1), lambda i: (i, 0)),
        ],
        out_shape=[
            jax.ShapeDtypeStruct((N, D), _f32),
            jax.ShapeDtypeStruct((N, 1), _f32),
        ],
    )(x, w1, dp)


def _tc2_body(p0_ref, p1_ref, n_ref, b_ref, w_ref, z_ref):
    norm = n_ref[...]
    h = jnp.maximum((p0_ref[...] + p1_ref[...]) * norm + b_ref[...], 0.0)
    z_ref[...] = jnp.dot(h, w_ref[...], preferred_element_type=_f32) * norm


def _tc2(p0, p1, norm, b1, w2):
    return pl.pallas_call(
        _tc2_body,
        grid=(_GRID,),
        in_specs=[
            pl.BlockSpec((_TCB, D), lambda i: (i, 0)),
            pl.BlockSpec((_TCB, D), lambda i: (i, 0)),
            pl.BlockSpec((_TCB, 1), lambda i: (i, 0)),
            pl.BlockSpec((1, D), lambda i: (0, 0)),
            pl.BlockSpec((D, D), lambda i: (0, 0)),
        ],
        out_specs=pl.BlockSpec((_TCB, D), lambda i: (i, 0)),
        out_shape=jax.ShapeDtypeStruct((N, D), _f32),
    )(p0, p1, norm, b1, w2)


def _tc3_body(p0_ref, p1_ref, n_ref, b_ref, o_ref):
    o_ref[...] = (p0_ref[...] + p1_ref[...]) * n_ref[...] + b_ref[...]


def _tc3(p0, p1, norm, b2):
    return pl.pallas_call(
        _tc3_body,
        grid=(_GRID,),
        in_specs=[
            pl.BlockSpec((_TCB, D), lambda i: (i, 0)),
            pl.BlockSpec((_TCB, D), lambda i: (i, 0)),
            pl.BlockSpec((_TCB, 1), lambda i: (i, 0)),
            pl.BlockSpec((1, D), lambda i: (0, 0)),
        ],
        out_specs=pl.BlockSpec((_TCB, D), lambda i: (i, 0)),
        out_shape=jax.ShapeDtypeStruct((N, D), _f32),
    )(p0, p1, norm, b2)


def kernel(V, E, X, W1, b1, W2, b2):
    src = E[0]
    dst = E[1]
    degp = _sc_deg(dst).reshape(NC, N, 1)
    z1, norm = _tc1(X, W1, degp)
    p1 = _sc_segsum(z1, src, dst)
    z2 = _tc2(p1[0], p1[1], norm, b1.reshape(1, D), W2)
    p2 = _sc_segsum(z2, src, dst)
    return _tc3(p2[0], p2[1], norm, b2.reshape(1, D))

# --- scband reference (transcript-rebuilt; emitter-appended) ---
"""Pipeline reference for scband-gcn-2-3246995276080 (READ-ONLY COPY).

The authoritative reference and input builder live on the scoring server;
editing this copy changes nothing except your own understanding.
"""

import jax, jax.numpy as jnp
import numpy as np

N = 10000
D_IN = 128
D_HID = 128
D_OUT = 128
NUM_EDGES = 320000


def gcn_layer(V, E, X, W, b):
    # Standard GCN message passing with symmetric degree normalization:
    # H = D^{-1/2} A D^{-1/2} X W + b, implemented as gather -> scale -> scatter-add.
    src = E[0]
    dst = E[1]
    n = X.shape[0]
    deg = jnp.zeros((n,), dtype=X.dtype).at[dst].add(1.0)
    deg = jnp.maximum(deg, 1.0)
    norm = jax.lax.rsqrt(deg)
    coef = norm[src] * norm[dst]
    msg = X[src] * coef[:, None]
    agg = jnp.zeros((n, X.shape[1]), dtype=X.dtype).at[dst].add(msg)
    return agg @ W + b


def setup_inputs(seed: int = 0) -> dict:
    key = jax.random.key(seed)
    k1, k2, k3, k4, k5 = jax.random.split(key, 5)
    V = jnp.arange(N, dtype=jnp.int32)
    E = jax.random.randint(k1, (2, NUM_EDGES), 0, N, dtype=jnp.int32)
    X = jax.random.normal(k2, (N, D_IN), dtype=jnp.float32)
    W1 = jax.random.normal(k3, (D_IN, D_HID), dtype=jnp.float32) * (1.0 / np.sqrt(D_IN))
    b1 = jnp.zeros((D_HID,), dtype=jnp.float32)
    W2 = jax.random.normal(k4, (D_HID, D_OUT), dtype=jnp.float32) * (1.0 / np.sqrt(D_HID))
    b2 = jnp.zeros((D_OUT,), dtype=jnp.float32)
    return {"V": V, "E": E, "X": X, "W1": W1, "b1": b1, "W2": W2, "b2": b2}


def reference(V, E, X, W1, b1, W2, b2):
    # num_layers == 2: H = relu(layer0(V, E, X)); return layer1(V, E, H)
    H = jax.nn.relu(gcn_layer(V, E, X, W1, b1))
    out = gcn_layer(V, E, H, W2, b2)
    return out

if __name__ == "__main__":
    import jax
    _d = setup_inputs()
    print(jax.jit(kernel)(*tuple(_d.values())))

</pallas_src>

<mosaic_0001>
#map = affine_map<(d0, d1) -> (0, 0)>
#map1 = affine_map<(d0, d1) -> (0)>
#map2 = affine_map<(d0, d1) -> (0, 0, 0)>
module attributes {stable_mosaic.version = 14 : i64} {
  func.func @_sc_segsum_body(%arg0: i32, %arg1: i32, %arg2: memref<10000x128xf32, #tpu.memory_space<hbm>>, %arg3: memref<320000xi32, #tpu.memory_space<hbm>>, %arg4: memref<320000xi32, #tpu.memory_space<hbm>>, %arg5: memref<2x10000x128xf32, #tpu.memory_space<hbm>>, %arg6: memref<10000xi32, #tpu.memory_space<vmem>>, %arg7: memref<10000xi32, #tpu.memory_space<vmem>>, %arg8: memref<40x128xf32, #tpu.memory_space<vmem>>, %arg9: memref<40x128xf32, #tpu.memory_space<vmem>>, %arg10: memref<40x128xf32, #tpu.memory_space<vmem>>, %arg11: memref<40x128xf32, #tpu.memory_space<vmem>>, %arg12: memref<40x128xf32, #tpu.memory_space<vmem>>, %arg13: memref<10000x128xf32, #tpu.memory_space<vmem_shared>>, %arg14: memref<!tpu.dma_semaphore, #tpu.memory_space<semaphore_mem>>, %arg15: memref<!tpu.dma_semaphore, #tpu.memory_space<semaphore_mem>>, %arg16: memref<!tpu.dma_semaphore, #tpu.memory_space<semaphore_mem>>, %arg17: memref<!tpu.dma_semaphore, #tpu.memory_space<semaphore_mem>>, %arg18: memref<!tpu.dma_semaphore, #tpu.memory_space<semaphore_mem>>, %arg19: memref<!tpu.dma_semaphore, #tpu.memory_space<semaphore_mem>>, %arg20: memref<!tpu.dma_semaphore, #tpu.memory_space<semaphore_mem>>, %arg21: memref<!tpu.dma_semaphore, #tpu.memory_space<semaphore_mem>>, %arg22: memref<!tpu.dma_semaphore, #tpu.memory_space<semaphore_mem>>, %arg23: memref<!tpu.dma_semaphore, #tpu.memory_space<semaphore_mem>>) attributes {dimension_semantics = [#tpu.dimension_semantics<core_parallel>, #tpu.dimension_semantics<subcore_parallel>], iteration_bounds = array<i64: 2, 16>, scalar_prefetch = 0 : i64, scratch_operands = 18 : i64, tpu.core_type = #tpu.core_type<sc_vector_subcore>, window_params = [{transform_indices = #map}, {transform_indices = #map1}, {transform_indices = #map1}, {transform_indices = #map2}]} {
    %mul3A = arith.constant 16 : i32
    %mul3A_0 = arith.muli %arg0, %mul3A : i32
    %add3A = arith.addi %mul3A_0, %arg1 : i32
    %mul3A_1 = arith.constant 10000 : i32
    %mul3A_2 = arith.muli %add3A, %mul3A_1 : i32
    %dma_start3A = tpu.memref_slice %arg3[%mul3A_2] : memref<320000xi32, #tpu.memory_space<hbm>> -> memref<10000xi32, #tpu.memory_space<hbm>>
    %dma_start3A_3 = tpu.memref_slice %arg3[%mul3A_2] : memref<320000xi32, #tpu.memory_space<hbm>> -> memref<10000xi32, #tpu.memory_space<hbm>>
    tpu.enqueue_dma source(%dma_start3A_3 : memref<10000xi32, #tpu.memory_space<hbm>>) target(%arg6 : memref<10000xi32, #tpu.memory_space<vmem>>) target_semaphore(%arg14 : memref<!tpu.dma_semaphore, #tpu.memory_space<semaphore_mem>>)
    %dma_start3A_4 = tpu.memref_slice %arg4[%mul3A_2] : memref<320000xi32, #tpu.memory_space<hbm>> -> memref<10000xi32, #tpu.memory_space<hbm>>
    %dma_start3A_5 = tpu.memref_slice %arg4[%mul3A_2] : memref<320000xi32, #tpu.memory_space<hbm>> -> memref<10000xi32, #tpu.memory_space<hbm>>
    tpu.enqueue_dma source(%dma_start3A_5 : memref<10000xi32, #tpu.memory_space<hbm>>) target(%arg7 : memref<10000xi32, #tpu.memory_space<vmem>>) target_semaphore(%arg15 : memref<!tpu.dma_semaphore, #tpu.memory_space<semaphore_mem>>)
    %scan3A = arith.constant 0 : i32
    %scan3A_6 = arith.constant 0 : i32
    %scan3A_7 = arith.constant 40 : i32
    %scan3A_8 = arith.addi %scan3A_6, %scan3A_7 : i32
    %scan3A_9 = arith.constant 1 : i32
    %scan3A_10 = scf.for %scan3A_130 = %scan3A_6 to %scan3A_8 step %scan3A_9 iter_args(%scan3A_131 = %scan3A) -> (i32)  : i32 {
      %scan3A_132 = arith.constant 0 : i32
      %scan3A_133 = arith.constant 0 : i32
      %scan3A_134 = arith.constant 8 : i32
      %scan3A_135 = arith.addi %scan3A_133, %scan3A_134 : i32
      %scan3A_136 = arith.constant 1 : i32
      %scan3A_137 = scf.for %scan3A_140 = %scan3A_133 to %scan3A_135 step %scan3A_136 iter_args(%scan3A_141 = %scan3A_132) -> (i32)  : i32 {
        %broadcast_in_dim3A = arith.constant 0.000000e+00 : f32
        %broadcast_in_dim3A_142 = vector.broadcast %broadcast_in_dim3A : f32 to vector<16xf32>
        %mul3A_143 = arith.constant 16 : i32
        %mul3A_144 = arith.muli %scan3A_140, %mul3A_143 : i32
        %swap3A = arith.index_cast %scan3A_130 : i32 to index
        %swap3A_145 = arith.index_cast %mul3A_144 : i32 to index
        %swap3A_146 = tpu.vector_load %arg8[%swap3A, %swap3A_145] {strides = array<i32>} : memref<40x128xf32, #tpu.memory_space<vmem>>, vector<1x16xf32>,
        %swap3A_147 = vector.shape_cast %swap3A_146 : vector<1x16xf32> to vector<16xf32>
        %swap3A_148 = vector.shape_cast %broadcast_in_dim3A_142 : vector<16xf32> to vector<1x16xf32>
        tpu.vector_store %arg8[%swap3A, %swap3A_145], %swap3A_148 {strides = array<i32>} : memref<40x128xf32, #tpu.memory_space<vmem>>, vector<1x16xf32>,
        %scan3A_149 = arith.constant 0 : i32
        scf.yield %scan3A_149 : i32
      }
      %scan3A_138 = arith.constant 8 : i32
      %scan3A_139 = arith.constant 0 : i32
      scf.yield %scan3A_139 : i32
    }
    %scan3A_11 = arith.constant 40 : i32
    %lt3A = arith.constant 10 : i32
    %lt3A_12 = arith.cmpi slt, %arg1, %lt3A : i32
    %convert_element_type3A = arith.extui %lt3A_12 : i1 to i32
    %cond3A = arith.constant 0 : i32
    %cond3A_13 = arith.cmpi ne, %convert_element_type3A, %cond3A : i32
    scf.if %cond3A_13 {
      %mul3A_130 = arith.constant 1000 : i32
      %mul3A_131 = arith.muli %arg1, %mul3A_130 : i32
      %add3A_132 = arith.constant 0 : i32
      %add3A_133 = arith.addi %mul3A_131, %add3A_132 : i32
      "tpu.region"() ({
        %run_scoped3A = tpu.sem_alloc : memref<!tpu.dma_semaphore, #tpu.memory_space<semaphore_mem>>
        %dma_start3A_230 = arith.constant 0 : i32
        %dma_start3A_231 = tpu.memref_slice %arg13[%add3A_133, %dma_start3A_230] : memref<10000x128xf32, #tpu.memory_space<vmem_shared>> -> memref<40x128xf32, #tpu.memory_space<vmem_shared>>
        %dma_start3A_232 = arith.constant 0 : i32
        %dma_start3A_233 = tpu.memref_slice %arg13[%add3A_133, %dma_start3A_232] : memref<10000x128xf32, #tpu.memory_space<vmem_shared>> -> memref<40x128xf32, #tpu.memory_space<vmem_shared>>
        tpu.enqueue_dma source(%arg8 : memref<40x128xf32, #tpu.memory_space<vmem>>) target(%dma_start3A_233 : memref<40x128xf32, #tpu.memory_space<vmem_shared>>) target_semaphore(%run_scoped3A : memref<!tpu.dma_semaphore, #tpu.memory_space<semaphore_mem>>)
        %dma_wait3A_234 = arith.constant 0 : i32
        %dma_wait3A_235 = tpu.memref_slice %arg13[%add3A_133, %dma_wait3A_234] : memref<10000x128xf32, #tpu.memory_space<vmem_shared>> -> memref<40x128xf32, #tpu.memory_space<vmem_shared>>
        %dma_wait3A_236 = arith.constant 0 : i32
        %dma_wait3A_237 = tpu.memref_slice %arg13[%add3A_133, %dma_wait3A_236] : memref<10000x128xf32, #tpu.memory_space<vmem_shared>> -> memref<40x128xf32, #tpu.memory_space<vmem_shared>>
        tpu.wait_dma2 semaphore(%run_scoped3A : memref<!tpu.dma_semaphore, #tpu.memory_space<semaphore_mem>>) src(%arg8 : memref<40x128xf32, #tpu.memory_space<vmem>>) dst(%dma_wait3A_237 : memref<40x128xf32, #tpu.memory_space<vmem_shared>>)
        tpu.yield
      }) : () -> ()
      %mul3A_134 = arith.constant 1000 : i32
      %mul3A_135 = arith.muli %arg1, %mul3A_134 : i32
      %add3A_136 = arith.constant 40 : i32
      %add3A_137 = arith.addi %mul3A_135, %add3A_136 : i32
      "tpu.region"() ({
        %run_scoped3A = tpu.sem_alloc : memref<!tpu.dma_semaphore, #tpu.memory_space<semaphore_mem>>
        %dma_start3A_230 = arith.constant 0 : i32
        %dma_start3A_231 = tpu.memref_slice %arg13[%add3A_137, %dma_start3A_230] : memref<10000x128xf32, #tpu.memory_space<vmem_shared>> -> memref<40x128xf32, #tpu.memory_space<vmem_shared>>
        %dma_start3A_232 = arith.constant 0 : i32
        %dma_start3A_233 = tpu.memref_slice %arg13[%add3A_137, %dma_start3A_232] : memref<10000x128xf32, #tpu.memory_space<vmem_shared>> -> memref<40x128xf32, #tpu.memory_space<vmem_shared>>
        tpu.enqueue_dma source(%arg8 : memref<40x128xf32, #tpu.memory_space<vmem>>) target(%dma_start3A_233 : memref<40x128xf32, #tpu.memory_space<vmem_shared>>) target_semaphore(%run_scoped3A : memref<!tpu.dma_semaphore, #tpu.memory_space<semaphore_mem>>)
        %dma_wait3A_234 = arith.constant 0 : i32
        %dma_wait3A_235 = tpu.memref_slice %arg13[%add3A_137, %dma_wait3A_234] : memref<10000x128xf32, #tpu.memory_space<vmem_shared>> -> memref<40x128xf32, #tpu.memory_space<vmem_shared>>
        %dma_wait3A_236 = arith.constant 0 : i32
        %dma_wait3A_237 = tpu.memref_slice %arg13[%add3A_137, %dma_wait3A_236] : memref<10000x128xf32, #tpu.memory_space<vmem_shared>> -> memref<40x128xf32, #tpu.memory_space<vmem_shared>>
        tpu.wait_dma2 semaphore(%run_scoped3A : memref<!tpu.dma_semaphore, #tpu.memory_space<semaphore_mem>>) src(%arg8 : memref<40x128xf32, #tpu.memory_space<vmem>>) dst(%dma_wait3A_237 : memref<40x128xf32, #tpu.memory_space<vmem_shared>>)
        tpu.yield
      }) : () -> ()
      %mul3A_138 = arith.constant 1000 : i32
      %mul3A_139 = arith.muli %arg1, %mul3A_138 : i32
      %add3A_140 = arith.constant 80 : i32
      %add3A_141 = arith.addi %mul3A_139, %add3A_140 : i32
      "tpu.region"() ({
        %run_scoped3A = tpu.sem_alloc : memref<!tpu.dma_semaphore, #tpu.memory_space<semaphore_mem>>
        %dma_start3A_230 = arith.constant 0 : i32
        %dma_start3A_231 = tpu.memref_slice %arg13[%add3A_141, %dma_start3A_230] : memref<10000x128xf32, #tpu.memory_space<vmem_shared>> -> memref<40x128xf32, #tpu.memory_space<vmem_shared>>
        %dma_start3A_232 = arith.constant 0 : i32
        %dma_start3A_233 = tpu.memref_slice %arg13[%add3A_141, %dma_start3A_232] : memref<10000x128xf32, #tpu.memory_space<vmem_shared>> -> memref<40x128xf32, #tpu.memory_space<vmem_shared>>
        tpu.enqueue_dma source(%arg8 : memref<40x128xf32, #tpu.memory_space<vmem>>) target(%dma_start3A_233 : memref<40x128xf32, #tpu.memory_space<vmem_shared>>) target_semaphore(%run_scoped3A : memref<!tpu.dma_semaphore, #tpu.memory_space<semaphore_mem>>)
        %dma_wait3A_234 = arith.constant 0 : i32
        %dma_wait3A_235 = tpu.memref_slice %arg13[%add3A_141, %dma_wait3A_234] : memref<10000x128xf32, #tpu.memory_space<vmem_shared>> -> memref<40x128xf32, #tpu.memory_space<vmem_shared>>
        %dma_wait3A_236 = arith.constant 0 : i32
        %dma_wait3A_237 = tpu.memref_slice %arg13[%add3A_141, %dma_wait3A_236] : memref<10000x128xf32, #tpu.memory_space<vmem_shared>> -> memref<40x128xf32, #tpu.memory_space<vmem_shared>>
        tpu.wait_dma2 semaphore(%run_scoped3A : memref<!tpu.dma_semaphore, #tpu.memory_space<semaphore_mem>>) src(%arg8 : memref<40x128xf32, #tpu.memory_space<vmem>>) dst(%dma_wait3A_237 : memref<40x128xf32, #tpu.memory_space<vmem_shared>>)
        tpu.yield
      }) : () -> ()
      %mul3A_142 = arith.constant 1000 : i32
      %mul3A_143 = arith.muli %arg1, %mul3A_142 : i32
      %add3A_144 = arith.constant 120 : i32
      %add3A_145 = arith.addi %mul3A_143, %add3A_144 : i32
      "tpu.region"() ({
        %run_scoped3A = tpu.sem_alloc : memref<!tpu.dma_semaphore, #tpu.memory_space<semaphore_mem>>
        %dma_start3A_230 = arith.constant 0 : i32
        %dma_start3A_231 = tpu.memref_slice %arg13[%add3A_145, %dma_start3A_230] : memref<10000x128xf32, #tpu.memory_space<vmem_shared>> -> memref<40x128xf32, #tpu.memory_space<vmem_shared>>
        %dma_start3A_232 = arith.constant 0 : i32
        %dma_start3A_233 = tpu.memref_slice %arg13[%add3A_145, %dma_start3A_232] : memref<10000x128xf32, #tpu.memory_space<vmem_shared>> -> memref<40x128xf32, #tpu.memory_space<vmem_shared>>
        tpu.enqueue_dma source(%arg8 : memref<40x128xf32, #tpu.memory_space<vmem>>) target(%dma_start3A_233 : memref<40x128xf32, #tpu.memory_space<vmem_shared>>) target_semaphore(%run_scoped3A : memref<!tpu.dma_semaphore, #tpu.memory_space<semaphore_mem>>)
        %dma_wait3A_234 = arith.constant 0 : i32
        %dma_wait3A_235 = tpu.memref_slice %arg13[%add3A_145, %dma_wait3A_234] : memref<10000x128xf32, #tpu.memory_space<vmem_shared>> -> memref<40x128xf32, #tpu.memory_space<vmem_shared>>
        %dma_wait3A_236 = arith.constant 0 : i32
        %dma_wait3A_237 = tpu.memref_slice %arg13[%add3A_145, %dma_wait3A_236] : memref<10000x128xf32, #tpu.memory_space<vmem_shared>> -> memref<40x128xf32, #tpu.memory_space<vmem_shared>>
        tpu.wait_dma2 semaphore(%run_scoped3A : memref<!tpu.dma_semaphore, #tpu.memory_space<semaphore_mem>>) src(%arg8 : memref<40x128xf32, #tpu.memory_space<vmem>>) dst(%dma_wait3A_237 : memref<40x128xf32, #tpu.memory_space<vmem_shared>>)
        tpu.yield
      }) : () -> ()
      %mul3A_146 = arith.constant 1000 : i32
      %mul3A_147 = arith.muli %arg1, %mul3A_146 : i32
      %add3A_148 = arith.constant 160 : i32
      %add3A_149 = arith.addi %mul3A_147, %add3A_148 : i32
      "tpu.region"() ({
        %run_scoped3A = tpu.sem_alloc : memref<!tpu.dma_semaphore, #tpu.memory_space<semaphore_mem>>
        %dma_start3A_230 = arith.constant 0 : i32
        %dma_start3A_231 = tpu.memref_slice %arg13[%add3A_149, %dma_start3A_230] : memref<10000x128xf32, #tpu.memory_space<vmem_shared>> -> memref<40x128xf32, #tpu.memory_space<vmem_shared>>
        %dma_start3A_232 = arith.constant 0 : i32
        %dma_start3A_233 = tpu.memref_slice %arg13[%add3A_149, %dma_start3A_232] : memref<10000x128xf32, #tpu.memory_space<vmem_shared>> -> memref<40x128xf32, #tpu.memory_space<vmem_shared>>
        tpu.enqueue_dma source(%arg8 : memref<40x128xf32, #tpu.memory_space<vmem>>) target(%dma_start3A_233 : memref<40x128xf32, #tpu.memory_space<vmem_shared>>) target_semaphore(%run_scoped3A : memref<!tpu.dma_semaphore, #tpu.memory_space<semaphore_mem>>)
        %dma_wait3A_234 = arith.constant 0 : i32
        %dma_wait3A_235 = tpu.memref_slice %arg13[%add3A_149, %dma_wait3A_234] : memref<10000x128xf32, #tpu.memory_space<vmem_shared>> -> memref<40x128xf32, #tpu.memory_space<vmem_shared>>
        %dma_wait3A_236 = arith.constant 0 : i32
        %dma_wait3A_237 = tpu.memref_slice %arg13[%add3A_149, %dma_wait3A_236] : memref<10000x128xf32, #tpu.memory_space<vmem_shared>> -> memref<40x128xf32, #tpu.memory_space<vmem_shared>>
        tpu.wait_dma2 semaphore(%run_scoped3A : memref<!tpu.dma_semaphore, #tpu.memory_space<semaphore_mem>>) src(%arg8 : memref<40x128xf32, #tpu.memory_space<vmem>>) dst(%dma_wait3A_237 : memref<40x128xf32, #tpu.memory_space<vmem_shared>>)
        tpu.yield
      }) : () -> ()
      %mul3A_150 = arith.constant 1000 : i32
      %mul3A_151 = arith.muli %arg1, %mul3A_150 : i32
      %add3A_152 = arith.constant 200 : i32
      %add3A_153 = arith.addi %mul3A_151, %add3A_152 : i32
      "tpu.region"() ({
        %run_scoped3A = tpu.sem_alloc : memref<!tpu.dma_semaphore, #tpu.memory_space<semaphore_mem>>
        %dma_start3A_230 = arith.constant 0 : i32
        %dma_start3A_231 = tpu.memref_slice %arg13[%add3A_153, %dma_start3A_230] : memref<10000x128xf32, #tpu.memory_space<vmem_shared>> -> memref<40x128xf32, #tpu.memory_space<vmem_shared>>
        %dma_start3A_232 = arith.constant 0 : i32
        %dma_start3A_233 = tpu.memref_slice %arg13[%add3A_153, %dma_start3A_232] : memref<10000x128xf32, #tpu.memory_space<vmem_shared>> -> memref<40x128xf32, #tpu.memory_space<vmem_shared>>
        tpu.enqueue_dma source(%arg8 : memref<40x128xf32, #tpu.memory_space<vmem>>) target(%dma_start3A_233 : memref<40x128xf32, #tpu.memory_space<vmem_shared>>) target_semaphore(%run_scoped3A : memref<!tpu.dma_semaphore, #tpu.memory_space<semaphore_mem>>)
        %dma_wait3A_234 = arith.constant 0 : i32
        %dma_wait3A_235 = tpu.memref_slice %arg13[%add3A_153, %dma_wait3A_234] : memref<10000x128xf32, #tpu.memory_space<vmem_shared>> -> memref<40x128xf32, #tpu.memory_space<vmem_shared>>
        %dma_wait3A_236 = arith.constant 0 : i32
        %dma_wait3A_237 = tpu.memref_slice %arg13[%add3A_153, %dma_wait3A_236] : memref<10000x128xf32, #tpu.memory_space<vmem_shared>> -> memref<40x128xf32, #tpu.memory_space<vmem_shared>>
        tpu.wait_dma2 semaphore(%run_scoped3A : memref<!tpu.dma_semaphore, #tpu.memory_space<semaphore_mem>>) src(%arg8 : memref<40x128xf32, #tpu.memory_space<vmem>>) dst(%dma_wait3A_237 : memref<40x128xf32, #tpu.memory_space<vmem_shared>>)
        tpu.yield
      }) : () -> ()
      %mul3A_154 = arith.constant 1000 : i32
      %mul3A_155 = arith.muli %arg1, %mul3A_154 : i32
      %add3A_156 = arith.constant 240 : i32
      %add3A_157 = arith.addi %mul3A_155, %add3A_156 : i32
      "tpu.region"() ({
        %run_scoped3A = tpu.sem_alloc : memref<!tpu.dma_semaphore, #tpu.memory_space<semaphore_mem>>
        %dma_start3A_230 = arith.constant 0 : i32
        %dma_start3A_231 = tpu.memref_slice %arg13[%add3A_157, %dma_start3A_230] : memref<10000x128xf32, #tpu.memory_space<vmem_shared>> -> memref<40x128xf32, #tpu.memory_space<vmem_shared>>
        %dma_start3A_232 = arith.constant 0 : i32
        %dma_start3A_233 = tpu.memref_slice %arg13[%add3A_157, %dma_start3A_232] : memref<10000x128xf32, #tpu.memory_space<vmem_shared>> -> memref<40x128xf32, #tpu.memory_space<vmem_shared>>
        tpu.enqueue_dma source(%arg8 : memref<40x128xf32, #tpu.memory_space<vmem>>) target(%dma_start3A_233 : memref<40x128xf32, #tpu.memory_space<vmem_shared>>) target_semaphore(%run_scoped3A : memref<!tpu.dma_semaphore, #tpu.memory_space<semaphore_mem>>)
        %dma_wait3A_234 = arith.constant 0 : i32
        %dma_wait3A_235 = tpu.memref_slice %arg13[%add3A_157, %dma_wait3A_234] : memref<10000x128xf32, #tpu.memory_space<vmem_shared>> -> memref<40x128xf32, #tpu.memory_space<vmem_shared>>
        %dma_wait3A_236 = arith.constant 0 : i32
        %dma_wait3A_237 = tpu.memref_slice %arg13[%add3A_157, %dma_wait3A_236] : memref<10000x128xf32, #tpu.memory_space<vmem_shared>> -> memref<40x128xf32, #tpu.memory_space<vmem_shared>>
        tpu.wait_dma2 semaphore(%run_scoped3A : memref<!tpu.dma_semaphore, #tpu.memory_space<semaphore_mem>>) src(%arg8 : memref<40x128xf32, #tpu.memory_space<vmem>>) dst(%dma_wait3A_237 : memref<40x128xf32, #tpu.memory_space<vmem_shared>>)
        tpu.yield
      }) : () -> ()
      %mul3A_158 = arith.constant 1000 : i32
      %mul3A_159 = arith.muli %arg1, %mul3A_158 : i32
      %add3A_160 = arith.constant 280 : i32
      %add3A_161 = arith.addi %mul3A_159, %add3A_160 : i32
      "tpu.region"() ({
        %run_scoped3A = tpu.sem_alloc : memref<!tpu.dma_semaphore, #tpu.memory_space<semaphore_mem>>
        %dma_start3A_230 = arith.constant 0 : i32
        %dma_start3A_231 = tpu.memref_slice %arg13[%add3A_161, %dma_start3A_230] : memref<10000x128xf32, #tpu.memory_space<vmem_shared>> -> memref<40x128xf32, #tpu.memory_space<vmem_shared>>
        %dma_start3A_232 = arith.constant 0 : i32
        %dma_start3A_233 = tpu.memref_slice %arg13[%add3A_161, %dma_start3A_232] : memref<10000x128xf32, #tpu.memory_space<vmem_shared>> -> memref<40x128xf32, #tpu.memory_space<vmem_shared>>
        tpu.enqueue_dma source(%arg8 : memref<40x128xf32, #tpu.memory_space<vmem>>) target(%dma_start3A_233 : memref<40x128xf32, #tpu.memory_space<vmem_shared>>) target_semaphore(%run_scoped3A : memref<!tpu.dma_semaphore, #tpu.memory_space<semaphore_mem>>)
        %dma_wait3A_234 = arith.constant 0 : i32
        %dma_wait3A_235 = tpu.memref_slice %arg13[%add3A_161, %dma_wait3A_234] : memref<10000x128xf32, #tpu.memory_space<vmem_shared>> -> memref<40x128xf32, #tpu.memory_space<vmem_shared>>
        %dma_wait3A_236 = arith.constant 0 : i32
        %dma_wait3A_237 = tpu.memref_slice %arg13[%add3A_161, %dma_wait3A_236] : memref<10000x128xf32, #tpu.memory_space<vmem_shared>> -> memref<40x128xf32, #tpu.memory_space<vmem_shared>>
        tpu.wait_dma2 semaphore(%run_scoped3A : memref<!tpu.dma_semaphore, #tpu.memory_space<semaphore_mem>>) src(%arg8 : memref<40x128xf32, #tpu.memory_space<vmem>>) dst(%dma_wait3A_237 : memref<40x128xf32, #tpu.memory_space<vmem_shared>>)
        tpu.yield
      }) : () -> ()
      %mul3A_162 = arith.constant 1000 : i32
      %mul3A_163 = arith.muli %arg1, %mul3A_162 : i32
      %add3A_164 = arith.constant 320 : i32
      %add3A_165 = arith.addi %mul3A_163, %add3A_164 : i32
      "tpu.region"() ({
        %run_scoped3A = tpu.sem_alloc : memref<!tpu.dma_semaphore, #tpu.memory_space<semaphore_mem>>
        %dma_start3A_230 = arith.constant 0 : i32
        %dma_start3A_231 = tpu.memref_slice %arg13[%add3A_165, %dma_start3A_230] : memref<10000x128xf32, #tpu.memory_space<vmem_shared>> -> memref<40x128xf32, #tpu.memory_space<vmem_shared>>
        %dma_start3A_232 = arith.constant 0 : i32
        %dma_start3A_233 = tpu.memref_slice %arg13[%add3A_165, %dma_start3A_232] : memref<10000x128xf32, #tpu.memory_space<vmem_shared>> -> memref<40x128xf32, #tpu.memory_space<vmem_shared>>
        tpu.enqueue_dma source(%arg8 : memref<40x128xf32, #tpu.memory_space<vmem>>) target(%dma_start3A_233 : memref<40x128xf32, #tpu.memory_space<vmem_shared>>) target_semaphore(%run_scoped3A : memref<!tpu.dma_semaphore, #tpu.memory_space<semaphore_mem>>)
        %dma_wait3A_234 = arith.constant 0 : i32
        %dma_wait3A_235 = tpu.memref_slice %arg13[%add3A_165, %dma_wait3A_234] : memref<10000x128xf32, #tpu.memory_space<vmem_shared>> -> memref<40x128xf32, #tpu.memory_space<vmem_shared>>
        %dma_wait3A_236 = arith.constant 0 : i32
        %dma_wait3A_237 = tpu.memref_slice %arg13[%add3A_165, %dma_wait3A_236] : memref<10000x128xf32, #tpu.memory_space<vmem_shared>> -> memref<40x128xf32, #tpu.memory_space<vmem_shared>>
        tpu.wait_dma2 semaphore(%run_scoped3A : memref<!tpu.dma_semaphore, #tpu.memory_space<semaphore_mem>>) src(%arg8 : memref<40x128xf32, #tpu.memory_space<vmem>>) dst(%dma_wait3A_237 : memref<40x128xf32, #tpu.memory_space<vmem_shared>>)
        tpu.yield
      }) : () -> ()
      %mul3A_166 = arith.constant 1000 : i32
      %mul3A_167 = arith.muli %arg1, %mul3A_166 : i32
      %add3A_168 = arith.constant 360 : i32
      %add3A_169 = arith.addi %mul3A_167, %add3A_168 : i32
      "tpu.region"() ({
        %run_scoped3A = tpu.sem_alloc : memref<!tpu.dma_semaphore, #tpu.memory_space<semaphore_mem>>
        %dma_start3A_230 = arith.constant 0 : i32
        %dma_start3A_231 = tpu.memref_slice %arg13[%add3A_169, %dma_start3A_230] : memref<10000x128xf32, #tpu.memory_space<vmem_shared>> -> memref<40x128xf32, #tpu.memory_space<vmem_shared>>
        %dma_start3A_232 = arith.constant 0 : i32
        %dma_start3A_233 = tpu.memref_slice %arg13[%add3A_169, %dma_start3A_232] : memref<10000x128xf32, #tpu.memory_space<vmem_shared>> -> memref<40x128xf32, #tpu.memory_space<vmem_shared>>
        tpu.enqueue_dma source(%arg8 : memref<40x128xf32, #tpu.memory_space<vmem>>) target(%dma_start3A_233 : memref<40x128xf32, #tpu.memory_space<vmem_shared>>) target_semaphore(%run_scoped3A : memref<!tpu.dma_semaphore, #tpu.memory_space<semaphore_mem>>)
        %dma_wait3A_234 = arith.constant 0 : i32
        %dma_wait3A_235 = tpu.memref_slice %arg13[%add3A_169, %dma_wait3A_234] : memref<10000x128xf32, #tpu.memory_space<vmem_shared>> -> memref<40x128xf32, #tpu.memory_space<vmem_shared>>
        %dma_wait3A_236 = arith.constant 0 : i32
        %dma_wait3A_237 = tpu.memref_slice %arg13[%add3A_169, %dma_wait3A_236] : memref<10000x128xf32, #tpu.memory_space<vmem_shared>> -> memref<40x128xf32, #tpu.memory_space<vmem_shared>>
        tpu.wait_dma2 semaphore(%run_scoped3A : memref<!tpu.dma_semaphore, #tpu.memory_space<semaphore_mem>>) src(%arg8 : memref<40x128xf32, #tpu.memory_space<vmem>>) dst(%dma_wait3A_237 : memref<40x128xf32, #tpu.memory_space<vmem_shared>>)
        tpu.yield
      }) : () -> ()
      %mul3A_170 = arith.constant 1000 : i32
      %mul3A_171 = arith.muli %arg1, %mul3A_170 : i32
      %add3A_172 = arith.constant 400 : i32
      %add3A_173 = arith.addi %mul3A_171, %add3A_172 : i32
      "tpu.region"() ({
        %run_scoped3A = tpu.sem_alloc : memref<!tpu.dma_semaphore, #tpu.memory_space<semaphore_mem>>
        %dma_start3A_230 = arith.constant 0 : i32
        %dma_start3A_231 = tpu.memref_slice %arg13[%add3A_173, %dma_start3A_230] : memref<10000x128xf32, #tpu.memory_space<vmem_shared>> -> memref<40x128xf32, #tpu.memory_space<vmem_shared>>
        %dma_start3A_232 = arith.constant 0 : i32
        %dma_start3A_233 = tpu.memref_slice %arg13[%add3A_173, %dma_start3A_232] : memref<10000x128xf32, #tpu.memory_space<vmem_shared>> -> memref<40x128xf32, #tpu.memory_space<vmem_shared>>
        tpu.enqueue_dma source(%arg8 : memref<40x128xf32, #tpu.memory_space<vmem>>) target(%dma_start3A_233 : memref<40x128xf32, #tpu.memory_space<vmem_shared>>) target_semaphore(%run_scoped3A : memref<!tpu.dma_semaphore, #tpu.memory_space<semaphore_mem>>)
        %dma_wait3A_234 = arith.constant 0 : i32
        %dma_wait3A_235 = tpu.memref_slice %arg13[%add3A_173, %dma_wait3A_234] : memref<10000x128xf32, #tpu.memory_space<vmem_shared>> -> memref<40x128xf32, #tpu.memory_space<vmem_shared>>
        %dma_wait3A_236 = arith.constant 0 : i32
        %dma_wait3A_237 = tpu.memref_slice %arg13[%add3A_173, %dma_wait3A_236] : memref<10000x128xf32, #tpu.memory_space<vmem_shared>> -> memref<40x128xf32, #tpu.memory_space<vmem_shared>>
        tpu.wait_dma2 semaphore(%run_scoped3A : memref<!tpu.dma_semaphore, #tpu.memory_space<semaphore_mem>>) src(%arg8 : memref<40x128xf32, #tpu.memory_space<vmem>>) dst(%dma_wait3A_237 : memref<40x128xf32, #tpu.memory_space<vmem_shared>>)
        tpu.yield
      }) : () -> ()
      %mul3A_174 = arith.constant 1000 : i32
      %mul3A_175 = arith.muli %arg1, %mul3A_174 : i32
      %add3A_176 = arith.constant 440 : i32
      %add3A_177 = arith.addi %mul3A_175, %add3A_176 : i32
      "tpu.region"() ({
        %run_scoped3A = tpu.sem_alloc : memref<!tpu.dma_semaphore, #tpu.memory_space<semaphore_mem>>
        %dma_start3A_230 = arith.constant 0 : i32
        %dma_start3A_231 = tpu.memref_slice %arg13[%add3A_177, %dma_start3A_230] : memref<10000x128xf32, #tpu.memory_space<vmem_shared>> -> memref<40x128xf32, #tpu.memory_space<vmem_shared>>
        %dma_start3A_232 = arith.constant 0 : i32
        %dma_start3A_233 = tpu.memref_slice %arg13[%add3A_177, %dma_start3A_232] : memref<10000x128xf32, #tpu.memory_space<vmem_shared>> -> memref<40x128xf32, #tpu.memory_space<vmem_shared>>
        tpu.enqueue_dma source(%arg8 : memref<40x128xf32, #tpu.memory_space<vmem>>) target(%dma_start3A_233 : memref<40x128xf32, #tpu.memory_space<vmem_shared>>) target_semaphore(%run_scoped3A : memref<!tpu.dma_semaphore, #tpu.memory_space<semaphore_mem>>)
        %dma_wait3A_234 = arith.constant 0 : i32
        %dma_wait3A_235 = tpu.memref_slice %arg13[%add3A_177, %dma_wait3A_234] : memref<10000x128xf32, #tpu.memory_space<vmem_shared>> -> memref<40x128xf32, #tpu.memory_space<vmem_shared>>
        %dma_wait3A_236 = arith.constant 0 : i32
        %dma_wait3A_237 = tpu.memref_slice %arg13[%add3A_177, %dma_wait3A_236] : memref<10000x128xf32, #tpu.memory_space<vmem_shared>> -> memref<40x128xf32, #tpu.memory_space<vmem_shared>>
        tpu.wait_dma2 semaphore(%run_scoped3A : memref<!tpu.dma_semaphore, #tpu.memory_space<semaphore_mem>>) src(%arg8 : memref<40x128xf32, #tpu.memory_space<vmem>>) dst(%dma_wait3A_237 : memref<40x128xf32, #tpu.memory_space<vmem_shared>>)
        tpu.yield
      }) : () -> ()
      %mul3A_178 = arith.constant 1000 : i32
      %mul3A_179 = arith.muli %arg1, %mul3A_178 : i32
      %add3A_180 = arith.constant 480 : i32
      %add3A_181 = arith.addi %mul3A_179, %add3A_180 : i32
      "tpu.region"() ({
        %run_scoped3A = tpu.sem_alloc : memref<!tpu.dma_semaphore, #tpu.memory_space<semaphore_mem>>
        %dma_start3A_230 = arith.constant 0 : i32
        %dma_start3A_231 = tpu.memref_slice %arg13[%add3A_181, %dma_start3A_230] : memref<10000x128xf32, #tpu.memory_space<vmem_shared>> -> memref<40x128xf32, #tpu.memory_space<vmem_shared>>
        %dma_start3A_232 = arith.constant 0 : i32
        %dma_start3A_233 = tpu.memref_slice %arg13[%add3A_181, %dma_start3A_232] : memref<10000x128xf32, #tpu.memory_space<vmem_shared>> -> memref<40x128xf32, #tpu.memory_space<vmem_shared>>
        tpu.enqueue_dma source(%arg8 : memref<40x128xf32, #tpu.memory_space<vmem>>) target(%dma_start3A_233 : memref<40x128xf32, #tpu.memory_space<vmem_shared>>) target_semaphore(%run_scoped3A : memref<!tpu.dma_semaphore, #tpu.memory_space<semaphore_mem>>)
        %dma_wait3A_234 = arith.constant 0 : i32
        %dma_wait3A_235 = tpu.memref_slice %arg13[%add3A_181, %dma_wait3A_234] : memref<10000x128xf32, #tpu.memory_space<vmem_shared>> -> memref<40x128xf32, #tpu.memory_space<vmem_shared>>
        %dma_wait3A_236 = arith.constant 0 : i32
        %dma_wait3A_237 = tpu.memref_slice %arg13[%add3A_181, %dma_wait3A_236] : memref<10000x128xf32, #tpu.memory_space<vmem_shared>> -> memref<40x128xf32, #tpu.memory_space<vmem_shared>>
        tpu.wait_dma2 semaphore(%run_scoped3A : memref<!tpu.dma_semaphore, #tpu.memory_space<semaphore_mem>>) src(%arg8 : memref<40x128xf32, #tpu.memory_space<vmem>>) dst(%dma_wait3A_237 : memref<40x128xf32, #tpu.memory_space<vmem_shared>>)
        tpu.yield
      }) : () -> ()
      %mul3A_182 = arith.constant 1000 : i32
      %mul3A_183 = arith.muli %arg1, %mul3A_182 : i32
      %add3A_184 = arith.constant 520 : i32
      %add3A_185 = arith.addi %mul3A_183, %add3A_184 : i32
      "tpu.region"() ({
        %run_scoped3A = tpu.sem_alloc : memref<!tpu.dma_semaphore, #tpu.memory_space<semaphore_mem>>
        %dma_start3A_230 = arith.constant 0 : i32
        %dma_start3A_231 = tpu.memref_slice %arg13[%add3A_185, %dma_start3A_230] : memref<10000x128xf32, #tpu.memory_space<vmem_shared>> -> memref<40x128xf32, #tpu.memory_space<vmem_shared>>
        %dma_start3A_232 = arith.constant 0 : i32
        %dma_start3A_233 = tpu.memref_slice %arg13[%add3A_185, %dma_start3A_232] : memref<10000x128xf32, #tpu.memory_space<vmem_shared>> -> memref<40x128xf32, #tpu.memory_space<vmem_shared>>
        tpu.enqueue_dma source(%arg8 : memref<40x128xf32, #tpu.memory_space<vmem>>) target(%dma_start3A_233 : memref<40x128xf32, #tpu.memory_space<vmem_shared>>) target_semaphore(%run_scoped3A : memref<!tpu.dma_semaphore, #tpu.memory_space<semaphore_mem>>)
        %dma_wait3A_234 = arith.constant 0 : i32
        %dma_wait3A_235 = tpu.memref_slice %arg13[%add3A_185, %dma_wait3A_234] : memref<10000x128xf32, #tpu.memory_space<vmem_shared>> -> memref<40x128xf32, #tpu.memory_space<vmem_shared>>
        %dma_wait3A_236 = arith.constant 0 : i32
        %dma_wait3A_237 = tpu.memref_slice %arg13[%add3A_185, %dma_wait3A_236] : memref<10000x128xf32, #tpu.memory_space<vmem_shared>> -> memref<40x128xf32, #tpu.memory_space<vmem_shared>>
        tpu.wait_dma2 semaphore(%run_scoped3A : memref<!tpu.dma_semaphore, #tpu.memory_space<semaphore_mem>>) src(%arg8 : memref<40x128xf32, #tpu.memory_space<vmem>>) dst(%dma_wait3A_237 : memref<40x128xf32, #tpu.memory_space<vmem_shared>>)
        tpu.yield
      }) : () -> ()
      %mul3A_186 = arith.constant 1000 : i32
      %mul3A_187 = arith.muli %arg1, %mul3A_186 : i32
      %add3A_188 = arith.constant 560 : i32
      %add3A_189 = arith.addi %mul3A_187, %add3A_188 : i32
      "tpu.region"() ({
        %run_scoped3A = tpu.sem_alloc : memref<!tpu.dma_semaphore, #tpu.memory_space<semaphore_mem>>
        %dma_start3A_230 = arith.constant 0 : i32
        %dma_start3A_231 = tpu.memref_slice %arg13[%add3A_189, %dma_start3A_230] : memref<10000x128xf32, #tpu.memory_space<vmem_shared>> -> memref<40x128xf32, #tpu.memory_space<vmem_shared>>
        %dma_start3A_232 = arith.constant 0 : i32
        %dma_start3A_233 = tpu.memref_slice %arg13[%add3A_189, %dma_start3A_232] : memref<10000x128xf32, #tpu.memory_space<vmem_shared>> -> memref<40x128xf32, #tpu.memory_space<vmem_shared>>
        tpu.enqueue_dma source(%arg8 : memref<40x128xf32, #tpu.memory_space<vmem>>) target(%dma_start3A_233 : memref<40x128xf32, #tpu.memory_space<vmem_shared>>) target_semaphore(%run_scoped3A : memref<!tpu.dma_semaphore, #tpu.memory_space<semaphore_mem>>)
        %dma_wait3A_234 = arith.constant 0 : i32
        %dma_wait3A_235 = tpu.memref_slice %arg13[%add3A_189, %dma_wait3A_234] : memref<10000x128xf32, #tpu.memory_space<vmem_shared>> -> memref<40x128xf32, #tpu.memory_space<vmem_shared>>
        %dma_wait3A_236 = arith.constant 0 : i32
        %dma_wait3A_237 = tpu.memref_slice %arg13[%add3A_189, %dma_wait3A_236] : memref<10000x128xf32, #tpu.memory_space<vmem_shared>> -> memref<40x128xf32, #tpu.memory_space<vmem_shared>>
        tpu.wait_dma2 semaphore(%run_scoped3A : memref<!tpu.dma_semaphore, #tpu.memory_space<semaphore_mem>>) src(%arg8 : memref<40x128xf32, #tpu.memory_space<vmem>>) dst(%dma_wait3A_237 : memref<40x128xf32, #tpu.memory_space<vmem_shared>>)
        tpu.yield
      }) : () -> ()
      %mul3A_190 = arith.constant 1000 : i32
      %mul3A_191 = arith.muli %arg1, %mul3A_190 : i32
      %add3A_192 = arith.constant 600 : i32
      %add3A_193 = arith.addi %mul3A_191, %add3A_192 : i32
      "tpu.region"() ({
        %run_scoped3A = tpu.sem_alloc : memref<!tpu.dma_semaphore, #tpu.memory_space<semaphore_mem>>
        %dma_start3A_230 = arith.constant 0 : i32
        %dma_start3A_231 = tpu.memref_slice %arg13[%add3A_193, %dma_start3A_230] : memref<10000x128xf32, #tpu.memory_space<vmem_shared>> -> memref<40x128xf32, #tpu.memory_space<vmem_shared>>
        %dma_start3A_232 = arith.constant 0 : i32
        %dma_start3A_233 = tpu.memref_slice %arg13[%add3A_193, %dma_start3A_232] : memref<10000x128xf32, #tpu.memory_space<vmem_shared>> -> memref<40x128xf32, #tpu.memory_space<vmem_shared>>
        tpu.enqueue_dma source(%arg8 : memref<40x128xf32, #tpu.memory_space<vmem>>) target(%dma_start3A_233 : memref<40x128xf32, #tpu.memory_space<vmem_shared>>) target_semaphore(%run_scoped3A : memref<!tpu.dma_semaphore, #tpu.memory_space<semaphore_mem>>)
        %dma_wait3A_234 = arith.constant 0 : i32
        %dma_wait3A_235 = tpu.memref_slice %arg13[%add3A_193, %dma_wait3A_234] : memref<10000x128xf32, #tpu.memory_space<vmem_shared>> -> memref<40x128xf32, #tpu.memory_space<vmem_shared>>
        %dma_wait3A_236 = arith.constant 0 : i32
        %dma_wait3A_237 = tpu.memref_slice %arg13[%add3A_193, %dma_wait3A_236] : memref<10000x128xf32, #tpu.memory_space<vmem_shared>> -> memref<40x128xf32, #tpu.memory_space<vmem_shared>>
        tpu.wait_dma2 semaphore(%run_scoped3A : memref<!tpu.dma_semaphore, #tpu.memory_space<semaphore_mem>>) src(%arg8 : memref<40x128xf32, #tpu.memory_space<vmem>>) dst(%dma_wait3A_237 : memref<40x128xf32, #tpu.memory_space<vmem_shared>>)
        tpu.yield
      }) : () -> ()
      %mul3A_194 = arith.constant 1000 : i32
      %mul3A_195 = arith.muli %arg1, %mul3A_194 : i32
      %add3A_196 = arith.constant 640 : i32
      %add3A_197 = arith.addi %mul3A_195, %add3A_196 : i32
      "tpu.region"() ({
        %run_scoped3A = tpu.sem_alloc : memref<!tpu.dma_semaphore, #tpu.memory_space<semaphore_mem>>
        %dma_start3A_230 = arith.constant 0 : i32
        %dma_start3A_231 = tpu.memref_slice %arg13[%add3A_197, %dma_start3A_230] : memref<10000x128xf32, #tpu.memory_space<vmem_shared>> -> memref<40x128xf32, #tpu.memory_space<vmem_shared>>
        %dma_start3A_232 = arith.constant 0 : i32
        %dma_start3A_233 = tpu.memref_slice %arg13[%add3A_197, %dma_start3A_232] : memref<10000x128xf32, #tpu.memory_space<vmem_shared>> -> memref<40x128xf32, #tpu.memory_space<vmem_shared>>
        tpu.enqueue_dma source(%arg8 : memref<40x128xf32, #tpu.memory_space<vmem>>) target(%dma_start3A_233 : memref<40x128xf32, #tpu.memory_space<vmem_shared>>) target_semaphore(%run_scoped3A : memref<!tpu.dma_semaphore, #tpu.memory_space<semaphore_mem>>)
        %dma_wait3A_234 = arith.constant 0 : i32
        %dma_wait3A_235 = tpu.memref_slice %arg13[%add3A_197, %dma_wait3A_234] : memref<10000x128xf32, #tpu.memory_space<vmem_shared>> -> memref<40x128xf32, #tpu.memory_space<vmem_shared>>
        %dma_wait3A_236 = arith.constant 0 : i32
        %dma_wait3A_237 = tpu.memref_slice %arg13[%add3A_197, %dma_wait3A_236] : memref<10000x128xf32, #tpu.memory_space<vmem_shared>> -> memref<40x128xf32, #tpu.memory_space<vmem_shared>>
        tpu.wait_dma2 semaphore(%run_scoped3A : memref<!tpu.dma_semaphore, #tpu.memory_space<semaphore_mem>>) src(%arg8 : memref<40x128xf32, #tpu.memory_space<vmem>>) dst(%dma_wait3A_237 : memref<40x128xf32, #tpu.memory_space<vmem_shared>>)
        tpu.yield
      }) : () -> ()
      %mul3A_198 = arith.constant 1000 : i32
      %mul3A_199 = arith.muli %arg1, %mul3A_198 : i32
      %add3A_200 = arith.constant 680 : i32
      %add3A_201 = arith.addi %mul3A_199, %add3A_200 : i32
      "tpu.region"() ({
        %run_scoped3A = tpu.sem_alloc : memref<!tpu.dma_semaphore, #tpu.memory_space<semaphore_mem>>
        %dma_start3A_230 = arith.constant 0 : i32
        %dma_start3A_231 = tpu.memref_slice %arg13[%add3A_201, %dma_start3A_230] : memref<10000x128xf32, #tpu.memory_space<vmem_shared>> -> memref<40x128xf32, #tpu.memory_space<vmem_shared>>
        %dma_start3A_232 = arith.constant 0 : i32
        %dma_start3A_233 = tpu.memref_slice %arg13[%add3A_201, %dma_start3A_232] : memref<10000x128xf32, #tpu.memory_space<vmem_shared>> -> memref<40x128xf32, #tpu.memory_space<vmem_shared>>
        tpu.enqueue_dma source(%arg8 : memref<40x128xf32, #tpu.memory_space<vmem>>) target(%dma_start3A_233 : memref<40x128xf32, #tpu.memory_space<vmem_shared>>) target_semaphore(%run_scoped3A : memref<!tpu.dma_semaphore, #tpu.memory_space<semaphore_mem>>)
        %dma_wait3A_234 = arith.constant 0 : i32
        %dma_wait3A_235 = tpu.memref_slice %arg13[%add3A_201, %dma_wait3A_234] : memref<10000x128xf32, #tpu.memory_space<vmem_shared>> -> memref<40x128xf32, #tpu.memory_space<vmem_shared>>
        %dma_wait3A_236 = arith.constant 0 : i32
        %dma_wait3A_237 = tpu.memref_slice %arg13[%add3A_201, %dma_wait3A_236] : memref<10000x128xf32, #tpu.memory_space<vmem_shared>> -> memref<40x128xf32, #tpu.memory_space<vmem_shared>>
        tpu.wait_dma2 semaphore(%run_scoped3A : memref<!tpu.dma_semaphore, #tpu.memory_space<semaphore_mem>>) src(%arg8 : memref<40x128xf32, #tpu.memory_space<vmem>>) dst(%dma_wait3A_237 : memref<40x128xf32, #tpu.memory_space<vmem_shared>>)
        tpu.yield
      }) : () -> ()
      %mul3A_202 = arith.constant 1000 : i32
      %mul3A_203 = arith.muli %arg1, %mul3A_202 : i32
      %add3A_204 = arith.constant 720 : i32
      %add3A_205 = arith.addi %mul3A_203, %add3A_204 : i32
      "tpu.region"() ({
        %run_scoped3A = tpu.sem_alloc : memref<!tpu.dma_semaphore, #tpu.memory_space<semaphore_mem>>
        %dma_start3A_230 = arith.constant 0 : i32
        %dma_start3A_231 = tpu.memref_slice %arg13[%add3A_205, %dma_start3A_230] : memref<10000x128xf32, #tpu.memory_space<vmem_shared>> -> memref<40x128xf32, #tpu.memory_space<vmem_shared>>
        %dma_start3A_232 = arith.constant 0 : i32
        %dma_start3A_233 = tpu.memref_slice %arg13[%add3A_205, %dma_start3A_232] : memref<10000x128xf32, #tpu.memory_space<vmem_shared>> -> memref<40x128xf32, #tpu.memory_space<vmem_shared>>
        tpu.enqueue_dma source(%arg8 : memref<40x128xf32, #tpu.memory_space<vmem>>) target(%dma_start3A_233 : memref<40x128xf32, #tpu.memory_space<vmem_shared>>) target_semaphore(%run_scoped3A : memref<!tpu.dma_semaphore, #tpu.memory_space<semaphore_mem>>)
        %dma_wait3A_234 = arith.constant 0 : i32
        %dma_wait3A_235 = tpu.memref_slice %arg13[%add3A_205, %dma_wait3A_234] : memref<10000x128xf32, #tpu.memory_space<vmem_shared>> -> memref<40x128xf32, #tpu.memory_space<vmem_shared>>
        %dma_wait3A_236 = arith.constant 0 : i32
        %dma_wait3A_237 = tpu.memref_slice %arg13[%add3A_205, %dma_wait3A_236] : memref<10000x128xf32, #tpu.memory_space<vmem_shared>> -> memref<40x128xf32, #tpu.memory_space<vmem_shared>>
        tpu.wait_dma2 semaphore(%run_scoped3A : memref<!tpu.dma_semaphore, #tpu.memory_space<semaphore_mem>>) src(%arg8 : memref<40x128xf32, #tpu.memory_space<vmem>>) dst(%dma_wait3A_237 : memref<40x128xf32, #tpu.memory_space<vmem_shared>>)
        tpu.yield
      }) : () -> ()
      %mul3A_206 = arith.constant 1000 : i32
      %mul3A_207 = arith.muli %arg1, %mul3A_206 : i32
      %add3A_208 = arith.constant 760 : i32
      %add3A_209 = arith.addi %mul3A_207, %add3A_208 : i32
      "tpu.region"() ({
        %run_scoped3A = tpu.sem_alloc : memref<!tpu.dma_semaphore, #tpu.memory_space<semaphore_mem>>
        %dma_start3A_230 = arith.constant 0 : i32
        %dma_start3A_231 = tpu.memref_slice %arg13[%add3A_209, %dma_start3A_230] : memref<10000x128xf32, #tpu.memory_space<vmem_shared>> -> memref<40x128xf32, #tpu.memory_space<vmem_shared>>
        %dma_start3A_232 = arith.constant 0 : i32
        %dma_start3A_233 = tpu.memref_slice %arg13[%add3A_209, %dma_start3A_232] : memref<10000x128xf32, #tpu.memory_space<vmem_shared>> -> memref<40x128xf32, #tpu.memory_space<vmem_shared>>
        tpu.enqueue_dma source(%arg8 : memref<40x128xf32, #tpu.memory_space<vmem>>) target(%dma_start3A_233 : memref<40x128xf32, #tpu.memory_space<vmem_shared>>) target_semaphore(%run_scoped3A : memref<!tpu.dma_semaphore, #tpu.memory_space<semaphore_mem>>)
        %dma_wait3A_234 = arith.constant 0 : i32
        %dma_wait3A_235 = tpu.memref_slice %arg13[%add3A_209, %dma_wait3A_234] : memref<10000x128xf32, #tpu.memory_space<vmem_shared>> -> memref<40x128xf32, #tpu.memory_space<vmem_shared>>
        %dma_wait3A_236 = arith.constant 0 : i32
        %dma_wait3A_237 = tpu.memref_slice %arg13[%add3A_209, %dma_wait3A_236] : memref<10000x128xf32, #tpu.memory_space<vmem_shared>> -> memref<40x128xf32, #tpu.memory_space<vmem_shared>>
        tpu.wait_dma2 semaphore(%run_scoped3A : memref<!tpu.dma_semaphore, #tpu.memory_space<semaphore_mem>>) src(%arg8 : memref<40x128xf32, #tpu.memory_space<vmem>>) dst(%dma_wait3A_237 : memref<40x128xf32, #tpu.memory_space<vmem_shared>>)
        tpu.yield
      }) : () -> ()
      %mul3A_210 = arith.constant 1000 : i32
      %mul3A_211 = arith.muli %arg1, %mul3A_210 : i32
      %add3A_212 = arith.constant 800 : i32
      %add3A_213 = arith.addi %mul3A_211, %add3A_212 : i32
      "tpu.region"() ({
        %run_scoped3A = tpu.sem_alloc : memref<!tpu.dma_semaphore, #tpu.memory_space<semaphore_mem>>
        %dma_start3A_230 = arith.constant 0 : i32
        %dma_start3A_231 = tpu.memref_slice %arg13[%add3A_213, %dma_start3A_230] : memref<10000x128xf32, #tpu.memory_space<vmem_shared>> -> memref<40x128xf32, #tpu.memory_space<vmem_shared>>
        %dma_start3A_232 = arith.constant 0 : i32
        %dma_start3A_233 = tpu.memref_slice %arg13[%add3A_213, %dma_start3A_232] : memref<10000x128xf32, #tpu.memory_space<vmem_shared>> -> memref<40x128xf32, #tpu.memory_space<vmem_shared>>
        tpu.enqueue_dma source(%arg8 : memref<40x128xf32, #tpu.memory_space<vmem>>) target(%dma_start3A_233 : memref<40x128xf32, #tpu.memory_space<vmem_shared>>) target_semaphore(%run_scoped3A : memref<!tpu.dma_semaphore, #tpu.memory_space<semaphore_mem>>)
        %dma_wait3A_234 = arith.constant 0 : i32
        %dma_wait3A_235 = tpu.memref_slice %arg13[%add3A_213, %dma_wait3A_234] : memref<10000x128xf32, #tpu.memory_space<vmem_shared>> -> memref<40x128xf32, #tpu.memory_space<vmem_shared>>
        %dma_wait3A_236 = arith.constant 0 : i32
        %dma_wait3A_237 = tpu.memref_slice %arg13[%add3A_213, %dma_wait3A_236] : memref<10000x128xf32, #tpu.memory_space<vmem_shared>> -> memref<40x128xf32, #tpu.memory_space<vmem_shared>>
        tpu.wait_dma2 semaphore(%run_scoped3A : memref<!tpu.dma_semaphore, #tpu.memory_space<semaphore_mem>>) src(%arg8 : memref<40x128xf32, #tpu.memory_space<vmem>>) dst(%dma_wait3A_237 : memref<40x128xf32, #tpu.memory_space<vmem_shared>>)
        tpu.yield
      }) : () -> ()
      %mul3A_214 = arith.constant 1000 : i32
      %mul3A_215 = arith.muli %arg1, %mul3A_214 : i32
      %add3A_216 = arith.constant 840 : i32
      %add3A_217 = arith.addi %mul3A_215, %add3A_216 : i32
      "tpu.region"() ({
        %run_scoped3A = tpu.sem_alloc : memref<!tpu.dma_semaphore, #tpu.memory_space<semaphore_mem>>
        %dma_start3A_230 = arith.constant 0 : i32
        %dma_start3A_231 = tpu.memref_slice %arg13[%add3A_217, %dma_start3A_230] : memref<10000x128xf32, #tpu.memory_space<vmem_shared>> -> memref<40x128xf32, #tpu.memory_space<vmem_shared>>
        %dma_start3A_232 = arith.constant 0 : i32
        %dma_start3A_233 = tpu.memref_slice %arg13[%add3A_217, %dma_start3A_232] : memref<10000x128xf32, #tpu.memory_space<vmem_shared>> -> memref<40x128xf32, #tpu.memory_space<vmem_shared>>
        tpu.enqueue_dma source(%arg8 : memref<40x128xf32, #tpu.memory_space<vmem>>) target(%dma_start3A_233 : memref<40x128xf32, #tpu.memory_space<vmem_shared>>) target_semaphore(%run_scoped3A : memref<!tpu.dma_semaphore, #tpu.memory_space<semaphore_mem>>)
        %dma_wait3A_234 = arith.constant 0 : i32
        %dma_wait3A_235 = tpu.memref_slice %arg13[%add3A_217, %dma_wait3A_234] : memref<10000x128xf32, #tpu.memory_space<vmem_shared>> -> memref<40x128xf32, #tpu.memory_space<vmem_shared>>
        %dma_wait3A_236 = arith.constant 0 : i32
        %dma_wait3A_237 = tpu.memref_slice %arg13[%add3A_217, %dma_wait3A_236] : memref<10000x128xf32, #tpu.memory_space<vmem_shared>> -> memref<40x128xf32, #tpu.memory_space<vmem_shared>>
        tpu.wait_dma2 semaphore(%run_scoped3A : memref<!tpu.dma_semaphore, #tpu.memory_space<semaphore_mem>>) src(%arg8 : memref<40x128xf32, #tpu.memory_space<vmem>>) dst(%dma_wait3A_237 : memref<40x128xf32, #tpu.memory_space<vmem_shared>>)
        tpu.yield
      }) : () -> ()
      %mul3A_218 = arith.constant 1000 : i32
      %mul3A_219 = arith.muli %arg1, %mul3A_218 : i32
      %add3A_220 = arith.constant 880 : i32
      %add3A_221 = arith.addi %mul3A_219, %add3A_220 : i32
      "tpu.region"() ({
        %run_scoped3A = tpu.sem_alloc : memref<!tpu.dma_semaphore, #tpu.memory_space<semaphore_mem>>
        %dma_start3A_230 = arith.constant 0 : i32
        %dma_start3A_231 = tpu.memref_slice %arg13[%add3A_221, %dma_start3A_230] : memref<10000x128xf32, #tpu.memory_space<vmem_shared>> -> memref<40x128xf32, #tpu.memory_space<vmem_shared>>
        %dma_start3A_232 = arith.constant 0 : i32
        %dma_start3A_233 = tpu.memref_slice %arg13[%add3A_221, %dma_start3A_232] : memref<10000x128xf32, #tpu.memory_space<vmem_shared>> -> memref<40x128xf32, #tpu.memory_space<vmem_shared>>
        tpu.enqueue_dma source(%arg8 : memref<40x128xf32, #tpu.memory_space<vmem>>) target(%dma_start3A_233 : memref<40x128xf32, #tpu.memory_space<vmem_shared>>) target_semaphore(%run_scoped3A : memref<!tpu.dma_semaphore, #tpu.memory_space<semaphore_mem>>)
        %dma_wait3A_234 = arith.constant 0 : i32
        %dma_wait3A_235 = tpu.memref_slice %arg13[%add3A_221, %dma_wait3A_234] : memref<10000x128xf32, #tpu.memory_space<vmem_shared>> -> memref<40x128xf32, #tpu.memory_space<vmem_shared>>
        %dma_wait3A_236 = arith.constant 0 : i32
        %dma_wait3A_237 = tpu.memref_slice %arg13[%add3A_221, %dma_wait3A_236] : memref<10000x128xf32, #tpu.memory_space<vmem_shared>> -> memref<40x128xf32, #tpu.memory_space<vmem_shared>>
        tpu.wait_dma2 semaphore(%run_scoped3A : memref<!tpu.dma_semaphore, #tpu.memory_space<semaphore_mem>>) src(%arg8 : memref<40x128xf32, #tpu.memory_space<vmem>>) dst(%dma_wait3A_237 : memref<40x128xf32, #tpu.memory_space<vmem_shared>>)
        tpu.yield
      }) : () -> ()
      %mul3A_222 = arith.constant 1000 : i32
      %mul3A_223 = arith.muli %arg1, %mul3A_222 : i32
      %add3A_224 = arith.constant 920 : i32
      %add3A_225 = arith.addi %mul3A_223, %add3A_224 : i32
      "tpu.region"() ({
        %run_scoped3A = tpu.sem_alloc : memref<!tpu.dma_semaphore, #tpu.memory_space<semaphore_mem>>
        %dma_start3A_230 = arith.constant 0 : i32
        %dma_start3A_231 = tpu.memref_slice %arg13[%add3A_225, %dma_start3A_230] : memref<10000x128xf32, #tpu.memory_space<vmem_shared>> -> memref<40x128xf32, #tpu.memory_space<vmem_shared>>
        %dma_start3A_232 = arith.constant 0 : i32
        %dma_start3A_233 = tpu.memref_slice %arg13[%add3A_225, %dma_start3A_232] : memref<10000x128xf32, #tpu.memory_space<vmem_shared>> -> memref<40x128xf32, #tpu.memory_space<vmem_shared>>
        tpu.enqueue_dma source(%arg8 : memref<40x128xf32, #tpu.memory_space<vmem>>) target(%dma_start3A_233 : memref<40x128xf32, #tpu.memory_space<vmem_shared>>) target_semaphore(%run_scoped3A : memref<!tpu.dma_semaphore, #tpu.memory_space<semaphore_mem>>)
        %dma_wait3A_234 = arith.constant 0 : i32
        %dma_wait3A_235 = tpu.memref_slice %arg13[%add3A_225, %dma_wait3A_234] : memref<10000x128xf32, #tpu.memory_space<vmem_shared>> -> memref<40x128xf32, #tpu.memory_space<vmem_shared>>
        %dma_wait3A_236 = arith.constant 0 : i32
        %dma_wait3A_237 = tpu.memref_slice %arg13[%add3A_225, %dma_wait3A_236] : memref<10000x128xf32, #tpu.memory_space<vmem_shared>> -> memref<40x128xf32, #tpu.memory_space<vmem_shared>>
        tpu.wait_dma2 semaphore(%run_scoped3A : memref<!tpu.dma_semaphore, #tpu.memory_space<semaphore_mem>>) src(%arg8 : memref<40x128xf32, #tpu.memory_space<vmem>>) dst(%dma_wait3A_237 : memref<40x128xf32, #tpu.memory_space<vmem_shared>>)
        tpu.yield
      }) : () -> ()
      %mul3A_226 = arith.constant 1000 : i32
      %mul3A_227 = arith.muli %arg1, %mul3A_226 : i32
      %add3A_228 = arith.constant 960 : i32
      %add3A_229 = arith.addi %mul3A_227, %add3A_228 : i32
      "tpu.region"() ({
        %run_scoped3A = tpu.sem_alloc : memref<!tpu.dma_semaphore, #tpu.memory_space<semaphore_mem>>
        %dma_start3A_230 = arith.constant 0 : i32
        %dma_start3A_231 = tpu.memref_slice %arg13[%add3A_229, %dma_start3A_230] : memref<10000x128xf32, #tpu.memory_space<vmem_shared>> -> memref<40x128xf32, #tpu.memory_space<vmem_shared>>
        %dma_start3A_232 = arith.constant 0 : i32
        %dma_start3A_233 = tpu.memref_slice %arg13[%add3A_229, %dma_start3A_232] : memref<10000x128xf32, #tpu.memory_space<vmem_shared>> -> memref<40x128xf32, #tpu.memory_space<vmem_shared>>
        tpu.enqueue_dma source(%arg8 : memref<40x128xf32, #tpu.memory_space<vmem>>) target(%dma_start3A_233 : memref<40x128xf32, #tpu.memory_space<vmem_shared>>) target_semaphore(%run_scoped3A : memref<!tpu.dma_semaphore, #tpu.memory_space<semaphore_mem>>)
        %dma_wait3A_234 = arith.constant 0 : i32
        %dma_wait3A_235 = tpu.memref_slice %arg13[%add3A_229, %dma_wait3A_234] : memref<10000x128xf32, #tpu.memory_space<vmem_shared>> -> memref<40x128xf32, #tpu.memory_space<vmem_shared>>
        %dma_wait3A_236 = arith.constant 0 : i32
        %dma_wait3A_237 = tpu.memref_slice %arg13[%add3A_229, %dma_wait3A_236] : memref<10000x128xf32, #tpu.memory_space<vmem_shared>> -> memref<40x128xf32, #tpu.memory_space<vmem_shared>>
        tpu.wait_dma2 semaphore(%run_scoped3A : memref<!tpu.dma_semaphore, #tpu.memory_space<semaphore_mem>>) src(%arg8 : memref<40x128xf32, #tpu.memory_space<vmem>>) dst(%dma_wait3A_237 : memref<40x128xf32, #tpu.memory_space<vmem_shared>>)
        tpu.yield
      }) : () -> ()
    } else {
    }
    %dma_wait3A = tpu.memref_slice %arg3[%mul3A_2] : memref<320000xi32, #tpu.memory_space<hbm>> -> memref<10000xi32, #tpu.memory_space<hbm>>
    %dma_wait3A_14 = tpu.memref_slice %arg3[%mul3A_2] : memref<320000xi32, #tpu.memory_space<hbm>> -> memref<10000xi32, #tpu.memory_space<hbm>>
    tpu.wait_dma2 semaphore(%arg14 : memref<!tpu.dma_semaphore, #tpu.memory_space<semaphore_mem>>) src(%dma_wait3A_14 : memref<10000xi32, #tpu.memory_space<hbm>>) dst(%arg6 : memref<10000xi32, #tpu.memory_space<vmem>>)
    %dma_wait3A_15 = tpu.memref_slice %arg4[%mul3A_2] : memref<320000xi32, #tpu.memory_space<hbm>> -> memref<10000xi32, #tpu.memory_space<hbm>>
    %dma_wait3A_16 = tpu.memref_slice %arg4[%mul3A_2] : memref<320000xi32, #tpu.memory_space<hbm>> -> memref<10000xi32, #tpu.memory_space<hbm>>
    tpu.wait_dma2 semaphore(%arg15 : memref<!tpu.dma_semaphore, #tpu.memory_space<semaphore_mem>>) src(%dma_wait3A_16 : memref<10000xi32, #tpu.memory_space<hbm>>) dst(%arg7 : memref<10000xi32, #tpu.memory_space<vmem>>)
    %barrier3A = arith.constant 0 : index
    tpu.barrier barrier_id(%barrier3A)
    %dma_start3A_17 = arith.constant 0 : i32
    %dma_start3A_18 = tpu.memref_slice %arg6[%dma_start3A_17] : memref<10000xi32, #tpu.memory_space<vmem>> -> memref<40xi32, #tpu.memory_space<vmem>>
    %dma_start3A_19 = arith.constant 0 : i32
    %dma_start3A_20 = arith.constant 0 : i32
    %dma_start3A_21 = tpu.memref_slice %arg2[%dma_start3A_19, %dma_start3A_20] : memref<10000x128xf32, #tpu.memory_space<hbm>> -> memref<10000x128xf32, #tpu.memory_space<hbm>>
    tpu.enqueue_indirect_dma source(%dma_start3A_21 : memref<10000x128xf32, #tpu.memory_space<hbm>>) target(%arg8 : memref<40x128xf32, #tpu.memory_space<vmem>>) offsets(%dma_start3A_18 : memref<40xi32, #tpu.memory_space<vmem>>) semaphore(%arg14 : memref<!tpu.dma_semaphore, #tpu.memory_space<semaphore_mem>>)
    %dma_start3A_22 = arith.constant 40 : i32
    %dma_start3A_23 = tpu.memref_slice %arg6[%dma_start3A_22] : memref<10000xi32, #tpu.memory_space<vmem>> -> memref<40xi32, #tpu.memory_space<vmem>>
    %dma_start3A_24 = arith.constant 0 : i32
    %dma_start3A_25 = arith.constant 0 : i32
    %dma_start3A_26 = tpu.memref_slice %arg2[%dma_start3A_24, %dma_start3A_25] : memref<10000x128xf32, #tpu.memory_space<hbm>> -> memref<10000x128xf32, #tpu.memory_space<hbm>>
    tpu.enqueue_indirect_dma source(%dma_start3A_26 : memref<10000x128xf32, #tpu.memory_space<hbm>>) target(%arg9 : memref<40x128xf32, #tpu.memory_space<vmem>>) offsets(%dma_start3A_23 : memref<40xi32, #tpu.memory_space<vmem>>) semaphore(%arg15 : memref<!tpu.dma_semaphore, #tpu.memory_space<semaphore_mem>>)
    %dma_start3A_27 = arith.constant 80 : i32
    %dma_start3A_28 = tpu.memref_slice %arg6[%dma_start3A_27] : memref<10000xi32, #tpu.memory_space<vmem>> -> memref<40xi32, #tpu.memory_space<vmem>>
    %dma_start3A_29 = arith.constant 0 : i32
    %dma_start3A_30 = arith.constant 0 : i32
    %dma_start3A_31 = tpu.memref_slice %arg2[%dma_start3A_29, %dma_start3A_30] : memref<10000x128xf32, #tpu.memory_space<hbm>> -> memref<10000x128xf32, #tpu.memory_space<hbm>>
    tpu.enqueue_indirect_dma source(%dma_start3A_31 : memref<10000x128xf32, #tpu.memory_space<hbm>>) target(%arg10 : memref<40x128xf32, #tpu.memory_space<vmem>>) offsets(%dma_start3A_28 : memref<40xi32, #tpu.memory_space<vmem>>) semaphore(%arg16 : memref<!tpu.dma_semaphore, #tpu.memory_space<semaphore_mem>>)
    %dma_start3A_32 = arith.constant 120 : i32
    %dma_start3A_33 = tpu.memref_slice %arg6[%dma_start3A_32] : memref<10000xi32, #tpu.memory_space<vmem>> -> memref<40xi32, #tpu.memory_space<vmem>>
    %dma_start3A_34 = arith.constant 0 : i32
    %dma_start3A_35 = arith.constant 0 : i32
    %dma_start3A_36 = tpu.memref_slice %arg2[%dma_start3A_34, %dma_start3A_35] : memref<10000x128xf32, #tpu.memory_space<hbm>> -> memref<10000x128xf32, #tpu.memory_space<hbm>>
    tpu.enqueue_indirect_dma source(%dma_start3A_36 : memref<10000x128xf32, #tpu.memory_space<hbm>>) target(%arg11 : memref<40x128xf32, #tpu.memory_space<vmem>>) offsets(%dma_start3A_33 : memref<40xi32, #tpu.memory_space<vmem>>) semaphore(%arg17 : memref<!tpu.dma_semaphore, #tpu.memory_space<semaphore_mem>>)
    %dma_start3A_37 = arith.constant 160 : i32
    %dma_start3A_38 = tpu.memref_slice %arg6[%dma_start3A_37] : memref<10000xi32, #tpu.memory_space<vmem>> -> memref<40xi32, #tpu.memory_space<vmem>>
    %dma_start3A_39 = arith.constant 0 : i32
    %dma_start3A_40 = arith.constant 0 : i32
    %dma_start3A_41 = tpu.memref_slice %arg2[%dma_start3A_39, %dma_start3A_40] : memref<10000x128xf32, #tpu.memory_space<hbm>> -> memref<10000x128xf32, #tpu.memory_space<hbm>>
    tpu.enqueue_indirect_dma source(%dma_start3A_41 : memref<10000x128xf32, #tpu.memory_space<hbm>>) target(%arg12 : memref<40x128xf32, #tpu.memory_space<vmem>>) offsets(%dma_start3A_38 : memref<40xi32, #tpu.memory_space<vmem>>) semaphore(%arg18 : memref<!tpu.dma_semaphore, #tpu.memory_space<semaphore_mem>>)
    %scan3A_42 = arith.constant 0 : i32
    %scan3A_43 = arith.constant 0 : i32
    %scan3A_44 = arith.constant 49 : i32
    %scan3A_45 = arith.addi %scan3A_43, %scan3A_44 : i32
    %scan3A_46 = arith.constant 1 : i32
    %scan3A_47 = scf.for %scan3A_130 = %scan3A_43 to %scan3A_45 step %scan3A_46 iter_args(%scan3A_131 = %scan3A_42) -> (i32)  : i32 {
      %mul3A_132 = arith.constant 5 : i32
      %mul3A_133 = arith.muli %scan3A_130, %mul3A_132 : i32
      %dma_wait3A_134 = arith.constant 0 : i32
      %dma_wait3A_135 = tpu.memref_slice %arg6[%dma_wait3A_134] : memref<10000xi32, #tpu.memory_space<vmem>> -> memref<40xi32, #tpu.memory_space<vmem>>
      %dma_wait3A_136 = arith.constant 0 : i32
      %dma_wait3A_137 = arith.constant 0 : i32
      %dma_wait3A_138 = tpu.memref_slice %arg2[%dma_wait3A_136, %dma_wait3A_137] : memref<10000x128xf32, #tpu.memory_space<hbm>> -> memref<10000x128xf32, #tpu.memory_space<hbm>>
      tpu.wait_indirect_dma semaphore(%arg14 : memref<!tpu.dma_semaphore, #tpu.memory_space<semaphore_mem>>) src(%dma_wait3A_138 : memref<10000x128xf32, #tpu.memory_space<hbm>>) dst(%arg8 : memref<40x128xf32, #tpu.memory_space<vmem>>)
      %add3A_139 = arith.constant 0 : i32
      %add3A_140 = arith.addi %mul3A_133, %add3A_139 : i32
      %mul3A_141 = arith.constant 40 : i32
      %mul3A_142 = arith.muli %add3A_140, %mul3A_141 : i32
      %dma_start3A_143 = tpu.memref_slice %arg7[%mul3A_142] : memref<10000xi32, #tpu.memory_space<vmem>> -> memref<40xi32, #tpu.memory_space<vmem>>
      %dma_start3A_144 = arith.constant 0 : i32
      %dma_start3A_145 = arith.constant 0 : i32
      %dma_start3A_146 = tpu.memref_slice %arg13[%dma_start3A_144, %dma_start3A_145] : memref<10000x128xf32, #tpu.memory_space<vmem_shared>> -> memref<10000x128xf32, #tpu.memory_space<vmem_shared>>
      tpu.enqueue_indirect_dma source(%arg8 : memref<40x128xf32, #tpu.memory_space<vmem>>) target(%dma_start3A_146 : memref<10000x128xf32, #tpu.memory_space<vmem_shared>>) offsets(%dma_start3A_143 : memref<40xi32, #tpu.memory_space<vmem>>) semaphore(%arg19 : memref<!tpu.dma_semaphore, #tpu.memory_space<semaphore_mem>>) {add = true}
      %dma_wait3A_147 = arith.constant 0 : i32
      %dma_wait3A_148 = tpu.memref_slice %arg6[%dma_wait3A_147] : memref<10000xi32, #tpu.memory_space<vmem>> -> memref<40xi32, #tpu.memory_space<vmem>>
      %dma_wait3A_149 = arith.constant 0 : i32
      %dma_wait3A_150 = arith.constant 0 : i32
      %dma_wait3A_151 = tpu.memref_slice %arg2[%dma_wait3A_149, %dma_wait3A_150] : memref<10000x128xf32, #tpu.memory_space<hbm>> -> memref<10000x128xf32, #tpu.memory_space<hbm>>
      tpu.wait_indirect_dma semaphore(%arg15 : memref<!tpu.dma_semaphore, #tpu.memory_space<semaphore_mem>>) src(%dma_wait3A_151 : memref<10000x128xf32, #tpu.memory_space<hbm>>) dst(%arg9 : memref<40x128xf32, #tpu.memory_space<vmem>>)
      %add3A_152 = arith.constant 1 : i32
      %add3A_153 = arith.addi %mul3A_133, %add3A_152 : i32
      %mul3A_154 = arith.constant 40 : i32
      %mul3A_155 = arith.muli %add3A_153, %mul3A_154 : i32
      %dma_start3A_156 = tpu.memref_slice %arg7[%mul3A_155] : memref<10000xi32, #tpu.memory_space<vmem>> -> memref<40xi32, #tpu.memory_space<vmem>>
      %dma_start3A_157 = arith.constant 0 : i32
      %dma_start3A_158 = arith.constant 0 : i32
      %dma_start3A_159 = tpu.memref_slice %arg13[%dma_start3A_157, %dma_start3A_158] : memref<10000x128xf32, #tpu.memory_space<vmem_shared>> -> memref<10000x128xf32, #tpu.memory_space<vmem_shared>>
      tpu.enqueue_indirect_dma source(%arg9 : memref<40x128xf32, #tpu.memory_space<vmem>>) target(%dma_start3A_159 : memref<10000x128xf32, #tpu.memory_space<vmem_shared>>) offsets(%dma_start3A_156 : memref<40xi32, #tpu.memory_space<vmem>>) semaphore(%arg20 : memref<!tpu.dma_semaphore, #tpu.memory_space<semaphore_mem>>) {add = true}
      %dma_wait3A_160 = arith.constant 0 : i32
      %dma_wait3A_161 = tpu.memref_slice %arg6[%dma_wait3A_160] : memref<10000xi32, #tpu.memory_space<vmem>> -> memref<40xi32, #tpu.memory_space<vmem>>
      %dma_wait3A_162 = arith.constant 0 : i32
      %dma_wait3A_163 = arith.constant 0 : i32
      %dma_wait3A_164 = tpu.memref_slice %arg2[%dma_wait3A_162, %dma_wait3A_163] : memref<10000x128xf32, #tpu.memory_space<hbm>> -> memref<10000x128xf32, #tpu.memory_space<hbm>>
      tpu.wait_indirect_dma semaphore(%arg16 : memref<!tpu.dma_semaphore, #tpu.memory_space<semaphore_mem>>) src(%dma_wait3A_164 : memref<10000x128xf32, #tpu.memory_space<hbm>>) dst(%arg10 : memref<40x128xf32, #tpu.memory_space<vmem>>)
      %add3A_165 = arith.constant 2 : i32
      %add3A_166 = arith.addi %mul3A_133, %add3A_165 : i32
      %mul3A_167 = arith.constant 40 : i32
      %mul3A_168 = arith.muli %add3A_166, %mul3A_167 : i32
      %dma_start3A_169 = tpu.memref_slice %arg7[%mul3A_168] : memref<10000xi32, #tpu.memory_space<vmem>> -> memref<40xi32, #tpu.memory_space<vmem>>
      %dma_start3A_170 = arith.constant 0 : i32
      %dma_start3A_171 = arith.constant 0 : i32
      %dma_start3A_172 = tpu.memref_slice %arg13[%dma_start3A_170, %dma_start3A_171] : memref<10000x128xf32, #tpu.memory_space<vmem_shared>> -> memref<10000x128xf32, #tpu.memory_space<vmem_shared>>
      tpu.enqueue_indirect_dma source(%arg10 : memref<40x128xf32, #tpu.memory_space<vmem>>) target(%dma_start3A_172 : memref<10000x128xf32, #tpu.memory_space<vmem_shared>>) offsets(%dma_start3A_169 : memref<40xi32, #tpu.memory_space<vmem>>) semaphore(%arg21 : memref<!tpu.dma_semaphore, #tpu.memory_space<semaphore_mem>>) {add = true}
      %dma_wait3A_173 = arith.constant 0 : i32
      %dma_wait3A_174 = tpu.memref_slice %arg6[%dma_wait3A_173] : memref<10000xi32, #tpu.memory_space<vmem>> -> memref<40xi32, #tpu.memory_space<vmem>>
      %dma_wait3A_175 = arith.constant 0 : i32
      %dma_wait3A_176 = arith.constant 0 : i32
      %dma_wait3A_177 = tpu.memref_slice %arg2[%dma_wait3A_175, %dma_wait3A_176] : memref<10000x128xf32, #tpu.memory_space<hbm>> -> memref<10000x128xf32, #tpu.memory_space<hbm>>
      tpu.wait_indirect_dma semaphore(%arg17 : memref<!tpu.dma_semaphore, #tpu.memory_space<semaphore_mem>>) src(%dma_wait3A_177 : memref<10000x128xf32, #tpu.memory_space<hbm>>) dst(%arg11 : memref<40x128xf32, #tpu.memory_space<vmem>>)
      %add3A_178 = arith.constant 3 : i32
      %add3A_179 = arith.addi %mul3A_133, %add3A_178 : i32
      %mul3A_180 = arith.constant 40 : i32
      %mul3A_181 = arith.muli %add3A_179, %mul3A_180 : i32
      %dma_start3A_182 = tpu.memref_slice %arg7[%mul3A_181] : memref<10000xi32, #tpu.memory_space<vmem>> -> memref<40xi32, #tpu.memory_space<vmem>>
      %dma_start3A_183 = arith.constant 0 : i32
      %dma_start3A_184 = arith.constant 0 : i32
      %dma_start3A_185 = tpu.memref_slice %arg13[%dma_start3A_183, %dma_start3A_184] : memref<10000x128xf32, #tpu.memory_space<vmem_shared>> -> memref<10000x128xf32, #tpu.memory_space<vmem_shared>>
      tpu.enqueue_indirect_dma source(%arg11 : memref<40x128xf32, #tpu.memory_space<vmem>>) target(%dma_start3A_185 : memref<10000x128xf32, #tpu.memory_space<vmem_shared>>) offsets(%dma_start3A_182 : memref<40xi32, #tpu.memory_space<vmem>>) semaphore(%arg22 : memref<!tpu.dma_semaphore, #tpu.memory_space<semaphore_mem>>) {add = true}
      %dma_wait3A_186 = arith.constant 0 : i32
      %dma_wait3A_187 = tpu.memref_slice %arg6[%dma_wait3A_186] : memref<10000xi32, #tpu.memory_space<vmem>> -> memref<40xi32, #tpu.memory_space<vmem>>
      %dma_wait3A_188 = arith.constant 0 : i32
      %dma_wait3A_189 = arith.constant 0 : i32
      %dma_wait3A_190 = tpu.memref_slice %arg2[%dma_wait3A_188, %dma_wait3A_189] : memref<10000x128xf32, #tpu.memory_space<hbm>> -> memref<10000x128xf32, #tpu.memory_space<hbm>>
      tpu.wait_indirect_dma semaphore(%arg18 : memref<!tpu.dma_semaphore, #tpu.memory_space<semaphore_mem>>) src(%dma_wait3A_190 : memref<10000x128xf32, #tpu.memory_space<hbm>>) dst(%arg12 : memref<40x128xf32, #tpu.memory_space<vmem>>)
      %add3A_191 = arith.constant 4 : i32
      %add3A_192 = arith.addi %mul3A_133, %add3A_191 : i32
      %mul3A_193 = arith.constant 40 : i32
      %mul3A_194 = arith.muli %add3A_192, %mul3A_193 : i32
      %dma_start3A_195 = tpu.memref_slice %arg7[%mul3A_194] : memref<10000xi32, #tpu.memory_space<vmem>> -> memref<40xi32, #tpu.memory_space<vmem>>
      %dma_start3A_196 = arith.constant 0 : i32
      %dma_start3A_197 = arith.constant 0 : i32
      %dma_start3A_198 = tpu.memref_slice %arg13[%dma_start3A_196, %dma_start3A_197] : memref<10000x128xf32, #tpu.memory_space<vmem_shared>> -> memref<10000x128xf32, #tpu.memory_space<vmem_shared>>
      tpu.enqueue_indirect_dma source(%arg12 : memref<40x128xf32, #tpu.memory_space<vmem>>) target(%dma_start3A_198 : memref<10000x128xf32, #tpu.memory_space<vmem_shared>>) offsets(%dma_start3A_195 : memref<40xi32, #tpu.memory_space<vmem>>) semaphore(%arg23 : memref<!tpu.dma_semaphore, #tpu.memory_space<semaphore_mem>>) {add = true}
      %dma_wait3A_199 = arith.constant 0 : i32
      %dma_wait3A_200 = tpu.memref_slice %arg7[%dma_wait3A_199] : memref<10000xi32, #tpu.memory_space<vmem>> -> memref<40xi32, #tpu.memory_space<vmem>>
      %dma_wait3A_201 = arith.constant 0 : i32
      %dma_wait3A_202 = arith.constant 0 : i32
      %dma_wait3A_203 = tpu.memref_slice %arg13[%dma_wait3A_201, %dma_wait3A_202] : memref<10000x128xf32, #tpu.memory_space<vmem_shared>> -> memref<10000x128xf32, #tpu.memory_space<vmem_shared>>
      tpu.wait_indirect_dma semaphore(%arg19 : memref<!tpu.dma_semaphore, #tpu.memory_space<semaphore_mem>>) src(%arg8 : memref<40x128xf32, #tpu.memory_space<vmem>>) dst(%dma_wait3A_203 : memref<10000x128xf32, #tpu.memory_space<vmem_shared>>)
      %add3A_204 = arith.constant 5 : i32
      %add3A_205 = arith.addi %mul3A_133, %add3A_204 : i32
      %add3A_206 = arith.constant 0 : i32
      %add3A_207 = arith.addi %add3A_205, %add3A_206 : i32
      %mul3A_208 = arith.constant 40 : i32
      %mul3A_209 = arith.muli %add3A_207, %mul3A_208 : i32
      %dma_start3A_210 = tpu.memref_slice %arg6[%mul3A_209] : memref<10000xi32, #tpu.memory_space<vmem>> -> memref<40xi32, #tpu.memory_space<vmem>>
      %dma_start3A_211 = arith.constant 0 : i32
      %dma_start3A_212 = arith.constant 0 : i32
      %dma_start3A_213 = tpu.memref_slice %arg2[%dma_start3A_211, %dma_start3A_212] : memref<10000x128xf32, #tpu.memory_space<hbm>> -> memref<10000x128xf32, #tpu.memory_space<hbm>>
      tpu.enqueue_indirect_dma source(%dma_start3A_213 : memref<10000x128xf32, #tpu.memory_space<hbm>>) target(%arg8 : memref<40x128xf32, #tpu.memory_space<vmem>>) offsets(%dma_start3A_210 : memref<40xi32, #tpu.memory_space<vmem>>) semaphore(%arg14 : memref<!tpu.dma_semaphore, #tpu.memory_space<semaphore_mem>>)
      %dma_wait3A_214 = arith.constant 0 : i32
      %dma_wait3A_215 = tpu.memref_slice %arg7[%dma_wait3A_214] : memref<10000xi32, #tpu.memory_space<vmem>> -> memref<40xi32, #tpu.memory_space<vmem>>
      %dma_wait3A_216 = arith.constant 0 : i32
      %dma_wait3A_217 = arith.constant 0 : i32
      %dma_wait3A_218 = tpu.memref_slice %arg13[%dma_wait3A_216, %dma_wait3A_217] : memref<10000x128xf32, #tpu.memory_space<vmem_shared>> -> memref<10000x128xf32, #tpu.memory_space<vmem_shared>>
      tpu.wait_indirect_dma semaphore(%arg20 : memref<!tpu.dma_semaphore, #tpu.memory_space<semaphore_mem>>) src(%arg9 : memref<40x128xf32, #tpu.memory_space<vmem>>) dst(%dma_wait3A_218 : memref<10000x128xf32, #tpu.memory_space<vmem_shared>>)
      %add3A_219 = arith.constant 5 : i32
      %add3A_220 = arith.addi %mul3A_133, %add3A_219 : i32
      %add3A_221 = arith.constant 1 : i32
      %add3A_222 = arith.addi %add3A_220, %add3A_221 : i32
      %mul3A_223 = arith.constant 40 : i32
      %mul3A_224 = arith.muli %add3A_222, %mul3A_223 : i32
      %dma_start3A_225 = tpu.memref_slice %arg6[%mul3A_224] : memref<10000xi32, #tpu.memory_space<vmem>> -> memref<40xi32, #tpu.memory_space<vmem>>
      %dma_start3A_226 = arith.constant 0 : i32
      %dma_start3A_227 = arith.constant 0 : i32
      %dma_start3A_228 = tpu.memref_slice %arg2[%dma_start3A_226, %dma_start3A_227] : memref<10000x128xf32, #tpu.memory_space<hbm>> -> memref<10000x128xf32, #tpu.memory_space<hbm>>
      tpu.enqueue_indirect_dma source(%dma_start3A_228 : memref<10000x128xf32, #tpu.memory_space<hbm>>) target(%arg9 : memref<40x128xf32, #tpu.memory_space<vmem>>) offsets(%dma_start3A_225 : memref<40xi32, #tpu.memory_space<vmem>>) semaphore(%arg15 : memref<!tpu.dma_semaphore, #tpu.memory_space<semaphore_mem>>)
      %dma_wait3A_229 = arith.constant 0 : i32
      %dma_wait3A_230 = tpu.memref_slice %arg7[%dma_wait3A_229] : memref<10000xi32, #tpu.memory_space<vmem>> -> memref<40xi32, #tpu.memory_space<vmem>>
      %dma_wait3A_231 = arith.constant 0 : i32
      %dma_wait3A_232 = arith.constant 0 : i32
      %dma_wait3A_233 = tpu.memref_slice %arg13[%dma_wait3A_231, %dma_wait3A_232] : memref<10000x128xf32, #tpu.memory_space<vmem_shared>> -> memref<10000x128xf32, #tpu.memory_space<vmem_shared>>
      tpu.wait_indirect_dma semaphore(%arg21 : memref<!tpu.dma_semaphore, #tpu.memory_space<semaphore_mem>>) src(%arg10 : memref<40x128xf32, #tpu.memory_space<vmem>>) dst(%dma_wait3A_233 : memref<10000x128xf32, #tpu.memory_space<vmem_shared>>)
      %add3A_234 = arith.constant 5 : i32
      %add3A_235 = arith.addi %mul3A_133, %add3A_234 : i32
      %add3A_236 = arith.constant 2 : i32
      %add3A_237 = arith.addi %add3A_235, %add3A_236 : i32
      %mul3A_238 = arith.constant 40 : i32
      %mul3A_239 = arith.muli %add3A_237, %mul3A_238 : i32
      %dma_start3A_240 = tpu.memref_slice %arg6[%mul3A_239] : memref<10000xi32, #tpu.memory_space<vmem>> -> memref<40xi32, #tpu.memory_space<vmem>>
      %dma_start3A_241 = arith.constant 0 : i32
      %dma_start3A_242 = arith.constant 0 : i32
      %dma_start3A_243 = tpu.memref_slice %arg2[%dma_start3A_241, %dma_start3A_242] : memref<10000x128xf32, #tpu.memory_space<hbm>> -> memref<10000x128xf32, #tpu.memory_space<hbm>>
      tpu.enqueue_indirect_dma source(%dma_start3A_243 : memref<10000x128xf32, #tpu.memory_space<hbm>>) target(%arg10 : memref<40x128xf32, #tpu.memory_space<vmem>>) offsets(%dma_start3A_240 : memref<40xi32, #tpu.memory_space<vmem>>) semaphore(%arg16 : memref<!tpu.dma_semaphore, #tpu.memory_space<semaphore_mem>>)
      %dma_wait3A_244 = arith.constant 0 : i32
      %dma_wait3A_245 = tpu.memref_slice %arg7[%dma_wait3A_244] : memref<10000xi32, #tpu.memory_space<vmem>> -> memref<40xi32, #tpu.memory_space<vmem>>
      %dma_wait3A_246 = arith.constant 0 : i32
      %dma_wait3A_247 = arith.constant 0 : i32
      %dma_wait3A_248 = tpu.memref_slice %arg13[%dma_wait3A_246, %dma_wait3A_247] : memref<10000x128xf32, #tpu.memory_space<vmem_shared>> -> memref<10000x128xf32, #tpu.memory_space<vmem_shared>>
      tpu.wait_indirect_dma semaphore(%arg22 : memref<!tpu.dma_semaphore, #tpu.memory_space<semaphore_mem>>) src(%arg11 : memref<40x128xf32, #tpu.memory_space<vmem>>) dst(%dma_wait3A_248 : memref<10000x128xf32, #tpu.memory_space<vmem_shared>>)
      %add3A_249 = arith.constant 5 : i32
      %add3A_250 = arith.addi %mul3A_133, %add3A_249 : i32
      %add3A_251 = arith.constant 3 : i32
      %add3A_252 = arith.addi %add3A_250, %add3A_251 : i32
      %mul3A_253 = arith.constant 40 : i32
      %mul3A_254 = arith.muli %add3A_252, %mul3A_253 : i32
      %dma_start3A_255 = tpu.memref_slice %arg6[%mul3A_254] : memref<10000xi32, #tpu.memory_space<vmem>> -> memref<40xi32, #tpu.memory_space<vmem>>
      %dma_start3A_256 = arith.constant 0 : i32
      %dma_start3A_257 = arith.constant 0 : i32
      %dma_start3A_258 = tpu.memref_slice %arg2[%dma_start3A_256, %dma_start3A_257] : memref<10000x128xf32, #tpu.memory_space<hbm>> -> memref<10000x128xf32, #tpu.memory_space<hbm>>
      tpu.enqueue_indirect_dma source(%dma_start3A_258 : memref<10000x128xf32, #tpu.memory_space<hbm>>) target(%arg11 : memref<40x128xf32, #tpu.memory_space<vmem>>) offsets(%dma_start3A_255 : memref<40xi32, #tpu.memory_space<vmem>>) semaphore(%arg17 : memref<!tpu.dma_semaphore, #tpu.memory_space<semaphore_mem>>)
      %dma_wait3A_259 = arith.constant 0 : i32
      %dma_wait3A_260 = tpu.memref_slice %arg7[%dma_wait3A_259] : memref<10000xi32, #tpu.memory_space<vmem>> -> memref<40xi32, #tpu.memory_space<vmem>>
      %dma_wait3A_261 = arith.constant 0 : i32
      %dma_wait3A_262 = arith.constant 0 : i32
      %dma_wait3A_263 = tpu.memref_slice %arg13[%dma_wait3A_261, %dma_wait3A_262] : memref<10000x128xf32, #tpu.memory_space<vmem_shared>> -> memref<10000x128xf32, #tpu.memory_space<vmem_shared>>
      tpu.wait_indirect_dma semaphore(%arg23 : memref<!tpu.dma_semaphore, #tpu.memory_space<semaphore_mem>>) src(%arg12 : memref<40x128xf32, #tpu.memory_space<vmem>>) dst(%dma_wait3A_263 : memref<10000x128xf32, #tpu.memory_space<vmem_shared>>)
      %add3A_264 = arith.constant 5 : i32
      %add3A_265 = arith.addi %mul3A_133, %add3A_264 : i32
      %add3A_266 = arith.constant 4 : i32
      %add3A_267 = arith.addi %add3A_265, %add3A_266 : i32
      %mul3A_268 = arith.constant 40 : i32
      %mul3A_269 = arith.muli %add3A_267, %mul3A_268 : i32
      %dma_start3A_270 = tpu.memref_slice %arg6[%mul3A_269] : memref<10000xi32, #tpu.memory_space<vmem>> -> memref<40xi32, #tpu.memory_space<vmem>>
      %dma_start3A_271 = arith.constant 0 : i32
      %dma_start3A_272 = arith.constant 0 : i32
      %dma_start3A_273 = tpu.memref_slice %arg2[%dma_start3A_271, %dma_start3A_272] : memref<10000x128xf32, #tpu.memory_space<hbm>> -> memref<10000x128xf32, #tpu.memory_space<hbm>>
      tpu.enqueue_indirect_dma source(%dma_start3A_273 : memref<10000x128xf32, #tpu.memory_space<hbm>>) target(%arg12 : memref<40x128xf32, #tpu.memory_space<vmem>>) offsets(%dma_start3A_270 : memref<40xi32, #tpu.memory_space<vmem>>) semaphore(%arg18 : memref<!tpu.dma_semaphore, #tpu.memory_space<semaphore_mem>>)
      %scan3A_274 = arith.constant 0 : i32
      scf.yield %scan3A_274 : i32
    }
    %scan3A_48 = arith.constant 49 : i32
    %dma_wait3A_49 = arith.constant 0 : i32
    %dma_wait3A_50 = tpu.memref_slice %arg6[%dma_wait3A_49] : memref<10000xi32, #tpu.memory_space<vmem>> -> memref<40xi32, #tpu.memory_space<vmem>>
    %dma_wait3A_51 = arith.constant 0 : i32
    %dma_wait3A_52 = arith.constant 0 : i32
    %dma_wait3A_53 = tpu.memref_slice %arg2[%dma_wait3A_51, %dma_wait3A_52] : memref<10000x128xf32, #tpu.memory_space<hbm>> -> memref<10000x128xf32, #tpu.memory_space<hbm>>
    tpu.wait_indirect_dma semaphore(%arg14 : memref<!tpu.dma_semaphore, #tpu.memory_space<semaphore_mem>>) src(%dma_wait3A_53 : memref<10000x128xf32, #tpu.memory_space<hbm>>) dst(%arg8 : memref<40x128xf32, #tpu.memory_space<vmem>>)
    %dma_start3A_54 = arith.constant 9800 : i32
    %dma_start3A_55 = tpu.memref_slice %arg7[%dma_start3A_54] : memref<10000xi32, #tpu.memory_space<vmem>> -> memref<40xi32, #tpu.memory_space<vmem>>
    %dma_start3A_56 = arith.constant 0 : i32
    %dma_start3A_57 = arith.constant 0 : i32
    %dma_start3A_58 = tpu.memref_slice %arg13[%dma_start3A_56, %dma_start3A_57] : memref<10000x128xf32, #tpu.memory_space<vmem_shared>> -> memref<10000x128xf32, #tpu.memory_space<vmem_shared>>
    tpu.enqueue_indirect_dma source(%arg8 : memref<40x128xf32, #tpu.memory_space<vmem>>) target(%dma_start3A_58 : memref<10000x128xf32, #tpu.memory_space<vmem_shared>>) offsets(%dma_start3A_55 : memref<40xi32, #tpu.memory_space<vmem>>) semaphore(%arg19 : memref<!tpu.dma_semaphore, #tpu.memory_space<semaphore_mem>>) {add = true}
    %dma_wait3A_59 = arith.constant 0 : i32
    %dma_wait3A_60 = tpu.memref_slice %arg6[%dma_wait3A_59] : memref<10000xi32, #tpu.memory_space<vmem>> -> memref<40xi32, #tpu.memory_space<vmem>>
    %dma_wait3A_61 = arith.constant 0 : i32
    %dma_wait3A_62 = arith.constant 0 : i32
    %dma_wait3A_63 = tpu.memref_slice %arg2[%dma_wait3A_61, %dma_wait3A_62] : memref<10000x128xf32, #tpu.memory_space<hbm>> -> memref<10000x128xf32, #tpu.memory_space<hbm>>
    tpu.wait_indirect_dma semaphore(%arg15 : memref<!tpu.dma_semaphore, #tpu.memory_space<semaphore_mem>>) src(%dma_wait3A_63 : memref<10000x128xf32, #tpu.memory_space<hbm>>) dst(%arg9 : memref<40x128xf32, #tpu.memory_space<vmem>>)
    %dma_start3A_64 = arith.constant 9840 : i32
    %dma_start3A_65 = tpu.memref_slice %arg7[%dma_start3A_64] : memref<10000xi32, #tpu.memory_space<vmem>> -> memref<40xi32, #tpu.memory_space<vmem>>
    %dma_start3A_66 = arith.constant 0 : i32
    %dma_start3A_67 = arith.constant 0 : i32
    %dma_start3A_68 = tpu.memref_slice %arg13[%dma_start3A_66, %dma_start3A_67] : memref<10000x128xf32, #tpu.memory_space<vmem_shared>> -> memref<10000x128xf32, #tpu.memory_space<vmem_shared>>
    tpu.enqueue_indirect_dma source(%arg9 : memref<40x128xf32, #tpu.memory_space<vmem>>) target(%dma_start3A_68 : memref<10000x128xf32, #tpu.memory_space<vmem_shared>>) offsets(%dma_start3A_65 : memref<40xi32, #tpu.memory_space<vmem>>) semaphore(%arg20 : memref<!tpu.dma_semaphore, #tpu.memory_space<semaphore_mem>>) {add = true}
    %dma_wait3A_69 = arith.constant 0 : i32
    %dma_wait3A_70 = tpu.memref_slice %arg6[%dma_wait3A_69] : memref<10000xi32, #tpu.memory_space<vmem>> -> memref<40xi32, #tpu.memory_space<vmem>>
    %dma_wait3A_71 = arith.constant 0 : i32
    %dma_wait3A_72 = arith.constant 0 : i32
    %dma_wait3A_73 = tpu.memref_slice %arg2[%dma_wait3A_71, %dma_wait3A_72] : memref<10000x128xf32, #tpu.memory_space<hbm>> -> memref<10000x128xf32, #tpu.memory_space<hbm>>
    tpu.wait_indirect_dma semaphore(%arg16 : memref<!tpu.dma_semaphore, #tpu.memory_space<semaphore_mem>>) src(%dma_wait3A_73 : memref<10000x128xf32, #tpu.memory_space<hbm>>) dst(%arg10 : memref<40x128xf32, #tpu.memory_space<vmem>>)
    %dma_start3A_74 = arith.constant 9880 : i32
    %dma_start3A_75 = tpu.memref_slice %arg7[%dma_start3A_74] : memref<10000xi32, #tpu.memory_space<vmem>> -> memref<40xi32, #tpu.memory_space<vmem>>
    %dma_start3A_76 = arith.constant 0 : i32
    %dma_start3A_77 = arith.constant 0 : i32
    %dma_start3A_78 = tpu.memref_slice %arg13[%dma_start3A_76, %dma_start3A_77] : memref<10000x128xf32, #tpu.memory_space<vmem_shared>> -> memref<10000x128xf32, #tpu.memory_space<vmem_shared>>
    tpu.enqueue_indirect_dma source(%arg10 : memref<40x128xf32, #tpu.memory_space<vmem>>) target(%dma_start3A_78 : memref<10000x128xf32, #tpu.memory_space<vmem_shared>>) offsets(%dma_start3A_75 : memref<40xi32, #tpu.memory_space<vmem>>) semaphore(%arg21 : memref<!tpu.dma_semaphore, #tpu.memory_space<semaphore_mem>>) {add = true}
    %dma_wait3A_79 = arith.constant 0 : i32
    %dma_wait3A_80 = tpu.memref_slice %arg6[%dma_wait3A_79] : memref<10000xi32, #tpu.memory_space<vmem>> -> memref<40xi32, #tpu.memory_space<vmem>>
    %dma_wait3A_81 = arith.constant 0 : i32
    %dma_wait3A_82 = arith.constant 0 : i32
    %dma_wait3A_83 = tpu.memref_slice %arg2[%dma_wait3A_81, %dma_wait3A_82] : memref<10000x128xf32, #tpu.memory_space<hbm>> -> memref<10000x128xf32, #tpu.memory_space<hbm>>
    tpu.wait_indirect_dma semaphore(%arg17 : memref<!tpu.dma_semaphore, #tpu.memory_space<semaphore_mem>>) src(%dma_wait3A_83 : memref<10000x128xf32, #tpu.memory_space<hbm>>) dst(%arg11 : memref<40x128xf32, #tpu.memory_space<vmem>>)
    %dma_start3A_84 = arith.constant 9920 : i32
    %dma_start3A_85 = tpu.memref_slice %arg7[%dma_start3A_84] : memref<10000xi32, #tpu.memory_space<vmem>> -> memref<40xi32, #tpu.memory_space<vmem>>
    %dma_start3A_86 = arith.constant 0 : i32
    %dma_start3A_87 = arith.constant 0 : i32
    %dma_start3A_88 = tpu.memref_slice %arg13[%dma_start3A_86, %dma_start3A_87] : memref<10000x128xf32, #tpu.memory_space<vmem_shared>> -> memref<10000x128xf32, #tpu.memory_space<vmem_shared>>
    tpu.enqueue_indirect_dma source(%arg11 : memref<40x128xf32, #tpu.memory_space<vmem>>) target(%dma_start3A_88 : memref<10000x128xf32, #tpu.memory_space<vmem_shared>>) offsets(%dma_start3A_85 : memref<40xi32, #tpu.memory_space<vmem>>) semaphore(%arg22 : memref<!tpu.dma_semaphore, #tpu.memory_space<semaphore_mem>>) {add = true}
    %dma_wait3A_89 = arith.constant 0 : i32
    %dma_wait3A_90 = tpu.memref_slice %arg6[%dma_wait3A_89] : memref<10000xi32, #tpu.memory_space<vmem>> -> memref<40xi32, #tpu.memory_space<vmem>>
    %dma_wait3A_91 = arith.constant 0 : i32
    %dma_wait3A_92 = arith.constant 0 : i32
    %dma_wait3A_93 = tpu.memref_slice %arg2[%dma_wait3A_91, %dma_wait3A_92] : memref<10000x128xf32, #tpu.memory_space<hbm>> -> memref<10000x128xf32, #tpu.memory_space<hbm>>
    tpu.wait_indirect_dma semaphore(%arg18 : memref<!tpu.dma_semaphore, #tpu.memory_space<semaphore_mem>>) src(%dma_wait3A_93 : memref<10000x128xf32, #tpu.memory_space<hbm>>) dst(%arg12 : memref<40x128xf32, #tpu.memory_space<vmem>>)
    %dma_start3A_94 = arith.constant 9960 : i32
    %dma_start3A_95 = tpu.memref_slice %arg7[%dma_start3A_94] : memref<10000xi32, #tpu.memory_space<vmem>> -> memref<40xi32, #tpu.memory_space<vmem>>
    %dma_start3A_96 = arith.constant 0 : i32
    %dma_start3A_97 = arith.constant 0 : i32
    %dma_start3A_98 = tpu.memref_slice %arg13[%dma_start3A_96, %dma_start3A_97] : memref<10000x128xf32, #tpu.memory_space<vmem_shared>> -> memref<10000x128xf32, #tpu.memory_space<vmem_shared>>
    tpu.enqueue_indirect_dma source(%arg12 : memref<40x128xf32, #tpu.memory_space<vmem>>) target(%dma_start3A_98 : memref<10000x128xf32, #tpu.memory_space<vmem_shared>>) offsets(%dma_start3A_95 : memref<40xi32, #tpu.memory_space<vmem>>) semaphore(%arg23 : memref<!tpu.dma_semaphore, #tpu.memory_space<semaphore_mem>>) {add = true}
    %dma_wait3A_99 = arith.constant 0 : i32
    %dma_wait3A_100 = tpu.memref_slice %arg7[%dma_wait3A_99] : memref<10000xi32, #tpu.memory_space<vmem>> -> memref<40xi32, #tpu.memory_space<vmem>>
    %dma_wait3A_101 = arith.constant 0 : i32
    %dma_wait3A_102 = arith.constant 0 : i32
    %dma_wait3A_103 = tpu.memref_slice %arg13[%dma_wait3A_101, %dma_wait3A_102] : memref<10000x128xf32, #tpu.memory_space<vmem_shared>> -> memref<10000x128xf32, #tpu.memory_space<vmem_shared>>
    tpu.wait_indirect_dma semaphore(%arg19 : memref<!tpu.dma_semaphore, #tpu.memory_space<semaphore_mem>>) src(%arg8 : memref<40x128xf32, #tpu.memory_space<vmem>>) dst(%dma_wait3A_103 : memref<10000x128xf32, #tpu.memory_space<vmem_shared>>)
    %dma_wait3A_104 = arith.constant 0 : i32
    %dma_wait3A_105 = tpu.memref_slice %arg7[%dma_wait3A_104] : memref<10000xi32, #tpu.memory_space<vmem>> -> memref<40xi32, #tpu.memory_space<vmem>>
    %dma_wait3A_106 = arith.constant 0 : i32
    %dma_wait3A_107 = arith.constant 0 : i32
    %dma_wait3A_108 = tpu.memref_slice %arg13[%dma_wait3A_106, %dma_wait3A_107] : memref<10000x128xf32, #tpu.memory_space<vmem_shared>> -> memref<10000x128xf32, #tpu.memory_space<vmem_shared>>
    tpu.wait_indirect_dma semaphore(%arg20 : memref<!tpu.dma_semaphore, #tpu.memory_space<semaphore_mem>>) src(%arg9 : memref<40x128xf32, #tpu.memory_space<vmem>>) dst(%dma_wait3A_108 : memref<10000x128xf32, #tpu.memory_space<vmem_shared>>)
    %dma_wait3A_109 = arith.constant 0 : i32
    %dma_wait3A_110 = tpu.memref_slice %arg7[%dma_wait3A_109] : memref<10000xi32, #tpu.memory_space<vmem>> -> memref<40xi32, #tpu.memory_space<vmem>>
    %dma_wait3A_111 = arith.constant 0 : i32
    %dma_wait3A_112 = arith.constant 0 : i32
    %dma_wait3A_113 = tpu.memref_slice %arg13[%dma_wait3A_111, %dma_wait3A_112] : memref<10000x128xf32, #tpu.memory_space<vmem_shared>> -> memref<10000x128xf32, #tpu.memory_space<vmem_shared>>
    tpu.wait_indirect_dma semaphore(%arg21 : memref<!tpu.dma_semaphore, #tpu.memory_space<semaphore_mem>>) src(%arg10 : memref<40x128xf32, #tpu.memory_space<vmem>>) dst(%dma_wait3A_113 : memref<10000x128xf32, #tpu.memory_space<vmem_shared>>)
    %dma_wait3A_114 = arith.constant 0 : i32
    %dma_wait3A_115 = tpu.memref_slice %arg7[%dma_wait3A_114] : memref<10000xi32, #tpu.memory_space<vmem>> -> memref<40xi32, #tpu.memory_space<vmem>>
    %dma_wait3A_116 = arith.constant 0 : i32
    %dma_wait3A_117 = arith.constant 0 : i32
    %dma_wait3A_118 = tpu.memref_slice %arg13[%dma_wait3A_116, %dma_wait3A_117] : memref<10000x128xf32, #tpu.memory_space<vmem_shared>> -> memref<10000x128xf32, #tpu.memory_space<vmem_shared>>
    tpu.wait_indirect_dma semaphore(%arg22 : memref<!tpu.dma_semaphore, #tpu.memory_space<semaphore_mem>>) src(%arg11 : memref<40x128xf32, #tpu.memory_space<vmem>>) dst(%dma_wait3A_118 : memref<10000x128xf32, #tpu.memory_space<vmem_shared>>)
    %dma_wait3A_119 = arith.constant 0 : i32
    %dma_wait3A_120 = tpu.memref_slice %arg7[%dma_wait3A_119] : memref<10000xi32, #tpu.memory_space<vmem>> -> memref<40xi32, #tpu.memory_space<vmem>>
    %dma_wait3A_121 = arith.constant 0 : i32
    %dma_wait3A_122 = arith.constant 0 : i32
    %dma_wait3A_123 = tpu.memref_slice %arg13[%dma_wait3A_121, %dma_wait3A_122] : memref<10000x128xf32, #tpu.memory_space<vmem_shared>> -> memref<10000x128xf32, #tpu.memory_space<vmem_shared>>
    tpu.wait_indirect_dma semaphore(%arg23 : memref<!tpu.dma_semaphore, #tpu.memory_space<semaphore_mem>>) src(%arg12 : memref<40x128xf32, #tpu.memory_space<vmem>>) dst(%dma_wait3A_123 : memref<10000x128xf32, #tpu.memory_space<vmem_shared>>)
    %barrier3A_124 = arith.constant 0 : index
    tpu.barrier barrier_id(%barrier3A_124)
    %lt3A_125 = arith.constant 10 : i32
    %lt3A_126 = arith.cmpi slt, %arg1, %lt3A_125 : i32
    %convert_element_type3A_127 = arith.extui %lt3A_126 : i1 to i32
    %cond3A_128 = arith.constant 0 : i32
    %cond3A_129 = arith.cmpi ne, %convert_element_type3A_127, %cond3A_128 : i32
    scf.if %cond3A_129 {
      %mul3A_130 = arith.constant 1000 : i32
      %mul3A_131 = arith.muli %arg1, %mul3A_130 : i32
      %mul3A_132 = arith.constant 1000 : i32
      %mul3A_133 = arith.muli %arg1, %mul3A_132 : i32
      "tpu.region"() ({
        %run_scoped3A = tpu.sem_alloc : memref<!tpu.dma_semaphore, #tpu.memory_space<semaphore_mem>>
        %dma_start3A_134 = arith.constant 0 : i32
        %dma_start3A_135 = tpu.memref_slice %arg5[%arg0, %mul3A_133, %dma_start3A_134] : memref<2x10000x128xf32, #tpu.memory_space<hbm>> -> memref<1x1000x128xf32, #tpu.memory_space<hbm>>
        %dma_start3A_136 = tpu.memref_squeeze %dma_start3A_135 : memref<1x1000x128xf32, #tpu.memory_space<hbm>> -> memref<1000x128xf32, #tpu.memory_space<hbm>>
        %dma_start3A_137 = arith.constant 0 : i32
        %dma_start3A_138 = tpu.memref_slice %arg13[%mul3A_131, %dma_start3A_137] : memref<10000x128xf32, #tpu.memory_space<vmem_shared>> -> memref<1000x128xf32, #tpu.memory_space<vmem_shared>>
        tpu.enqueue_dma source(%dma_start3A_138 : memref<1000x128xf32, #tpu.memory_space<vmem_shared>>) target(%dma_start3A_136 : memref<1000x128xf32, #tpu.memory_space<hbm>>) target_semaphore(%run_scoped3A : memref<!tpu.dma_semaphore, #tpu.memory_space<semaphore_mem>>)
        %dma_wait3A_139 = arith.constant 0 : i32
        %dma_wait3A_140 = tpu.memref_slice %arg5[%arg0, %mul3A_133, %dma_wait3A_139] : memref<2x10000x128xf32, #tpu.memory_space<hbm>> -> memref<1x1000x128xf32, #tpu.memory_space<hbm>>
        %dma_wait3A_141 = tpu.memref_squeeze %dma_wait3A_140 : memref<1x1000x128xf32, #tpu.memory_space<hbm>> -> memref<1000x128xf32, #tpu.memory_space<hbm>>
        %dma_wait3A_142 = arith.constant 0 : i32
        %dma_wait3A_143 = tpu.memref_slice %arg13[%mul3A_131, %dma_wait3A_142] : memref<10000x128xf32, #tpu.memory_space<vmem_shared>> -> memref<1000x128xf32, #tpu.memory_space<vmem_shared>>
        tpu.wait_dma2 semaphore(%run_scoped3A : memref<!tpu.dma_semaphore, #tpu.memory_space<semaphore_mem>>) src(%dma_wait3A_143 : memref<1000x128xf32, #tpu.memory_space<vmem_shared>>) dst(%dma_wait3A_141 : memref<1000x128xf32, #tpu.memory_space<hbm>>)
        tpu.yield
      }) : () -> ()
    } else {
    }
    return
  }
}

#map = affine_map<(d0, d1) -> (0)>
module attributes {stable_mosaic.version = 14 : i64} {
  func.func @_sc_deg_body(%arg0: i32, %arg1: i32, %arg2: memref<320000xi32, #tpu.memory_space<hbm>>, %arg3: memref<20000xf32, #tpu.memory_space<hbm>>, %arg4: memref<10000xi32, #tpu.memory_space<vmem>>, %arg5: memref<80xf32, #tpu.memory_space<vmem>>, %arg6: memref<1008xf32, #tpu.memory_space<vmem>>, %arg7: memref<10000xf32, #tpu.memory_space<vmem_shared>>, %arg8: memref<!tpu.dma_semaphore, #tpu.memory_space<semaphore_mem>>) attributes {dimension_semantics = [#tpu.dimension_semantics<core_parallel>, #tpu.dimension_semantics<subcore_parallel>], iteration_bounds = array<i64: 2, 16>, scalar_prefetch = 0 : i64, scratch_operands = 5 : i64, tpu.core_type = #tpu.core_type<sc_vector_subcore>, window_params = [{transform_indices = #map}, {transform_indices = #map}]} {
    %scan3A = arith.constant 0 : i32
    %scan3A_0 = arith.constant 0 : i32
    %scan3A_1 = arith.constant 5 : i32
    %scan3A_2 = arith.addi %scan3A_0, %scan3A_1 : i32
    %scan3A_3 = arith.constant 1 : i32
    %scan3A_4 = scf.for %scan3A_38 = %scan3A_0 to %scan3A_2 step %scan3A_3 iter_args(%scan3A_39 = %scan3A) -> (i32)  : i32 {
      %broadcast_in_dim3A = arith.constant 1.000000e+00 : f32
      %broadcast_in_dim3A_40 = vector.broadcast %broadcast_in_dim3A : f32 to vector<16xf32>
      %mul3A_41 = arith.constant 16 : i32
      %mul3A_42 = arith.muli %scan3A_38, %mul3A_41 : i32
      %swap3A = arith.index_cast %mul3A_42 : i32 to index
      %swap3A_43 = tpu.vector_load %arg5[%swap3A] {strides = array<i32>} : memref<80xf32, #tpu.memory_space<vmem>>, vector<16xf32>,
      %swap3A_44 = vector.shape_cast %swap3A_43 : vector<16xf32> to vector<16xf32>
      %swap3A_45 = vector.shape_cast %broadcast_in_dim3A_40 : vector<16xf32> to vector<16xf32>
      tpu.vector_store %arg5[%swap3A], %swap3A_45 {strides = array<i32>} : memref<80xf32, #tpu.memory_space<vmem>>, vector<16xf32>,
      %scan3A_46 = arith.constant 0 : i32
      scf.yield %scan3A_46 : i32
    }
    %scan3A_5 = arith.constant 5 : i32
    %scan3A_6 = arith.constant 0 : i32
    %scan3A_7 = arith.constant 0 : i32
    %scan3A_8 = arith.constant 63 : i32
    %scan3A_9 = arith.addi %scan3A_7, %scan3A_8 : i32
    %scan3A_10 = arith.constant 1 : i32
    %scan3A_11 = scf.for %scan3A_38 = %scan3A_7 to %scan3A_9 step %scan3A_10 iter_args(%scan3A_39 = %scan3A_6) -> (i32)  : i32 {
      %broadcast_in_dim3A = arith.constant 0.000000e+00 : f32
      %broadcast_in_dim3A_40 = vector.broadcast %broadcast_in_dim3A : f32 to vector<16xf32>
      %mul3A_41 = arith.constant 16 : i32
      %mul3A_42 = arith.muli %scan3A_38, %mul3A_41 : i32
      %swap3A = arith.index_cast %mul3A_42 : i32 to index
      %swap3A_43 = tpu.vector_load %arg6[%swap3A] {strides = array<i32>} : memref<1008xf32, #tpu.memory_space<vmem>>, vector<16xf32>,
      %swap3A_44 = vector.shape_cast %swap3A_43 : vector<16xf32> to vector<16xf32>
      %swap3A_45 = vector.shape_cast %broadcast_in_dim3A_40 : vector<16xf32> to vector<16xf32>
      tpu.vector_store %arg6[%swap3A], %swap3A_45 {strides = array<i32>} : memref<1008xf32, #tpu.memory_space<vmem>>, vector<16xf32>,
      %scan3A_46 = arith.constant 0 : i32
      scf.yield %scan3A_46 : i32
    }
    %scan3A_12 = arith.constant 63 : i32
    %mul3A = arith.constant 16 : i32
    %mul3A_13 = arith.muli %arg0, %mul3A : i32
    %add3A = arith.addi %mul3A_13, %arg1 : i32
    %mul3A_14 = arith.constant 10000 : i32
    %mul3A_15 = arith.muli %add3A, %mul3A_14 : i32
    "tpu.region"() ({
      %run_scoped3A = tpu.sem_alloc : memref<!tpu.dma_semaphore, #tpu.memory_space<semaphore_mem>>
      %dma_start3A = tpu.memref_slice %arg2[%mul3A_15] : memref<320000xi32, #tpu.memory_space<hbm>> -> memref<10000xi32, #tpu.memory_space<hbm>>
      %dma_start3A_38 = tpu.memref_slice %arg2[%mul3A_15] : memref<320000xi32, #tpu.memory_space<hbm>> -> memref<10000xi32, #tpu.memory_space<hbm>>
      tpu.enqueue_dma source(%dma_start3A_38 : memref<10000xi32, #tpu.memory_space<hbm>>) target(%arg4 : memref<10000xi32, #tpu.memory_space<vmem>>) target_semaphore(%run_scoped3A : memref<!tpu.dma_semaphore, #tpu.memory_space<semaphore_mem>>)
      %dma_wait3A = tpu.memref_slice %arg2[%mul3A_15] : memref<320000xi32, #tpu.memory_space<hbm>> -> memref<10000xi32, #tpu.memory_space<hbm>>
      %dma_wait3A_39 = tpu.memref_slice %arg2[%mul3A_15] : memref<320000xi32, #tpu.memory_space<hbm>> -> memref<10000xi32, #tpu.memory_space<hbm>>
      tpu.wait_dma2 semaphore(%run_scoped3A : memref<!tpu.dma_semaphore, #tpu.memory_space<semaphore_mem>>) src(%dma_wait3A_39 : memref<10000xi32, #tpu.memory_space<hbm>>) dst(%arg4 : memref<10000xi32, #tpu.memory_space<vmem>>)
      tpu.yield
    }) : () -> ()
    %lt3A = arith.constant 10 : i32
    %lt3A_16 = arith.cmpi slt, %arg1, %lt3A : i32
    %convert_element_type3A = arith.extui %lt3A_16 : i1 to i32
    %cond3A = arith.constant 0 : i32
    %cond3A_17 = arith.cmpi ne, %convert_element_type3A, %cond3A : i32
    scf.if %cond3A_17 {
      %mul3A_38 = arith.constant 1000 : i32
      %mul3A_39 = arith.muli %arg1, %mul3A_38 : i32
      "tpu.region"() ({
        %run_scoped3A = tpu.sem_alloc : memref<!tpu.dma_semaphore, #tpu.memory_space<semaphore_mem>>
        %dma_start3A = arith.constant 0 : i32
        %dma_start3A_40 = tpu.memref_slice %arg6[%dma_start3A] : memref<1008xf32, #tpu.memory_space<vmem>> -> memref<1000xf32, #tpu.memory_space<vmem>>
        %dma_start3A_41 = tpu.memref_slice %arg7[%mul3A_39] : memref<10000xf32, #tpu.memory_space<vmem_shared>> -> memref<1000xf32, #tpu.memory_space<vmem_shared>>
        %dma_start3A_42 = tpu.memref_slice %arg7[%mul3A_39] : memref<10000xf32, #tpu.memory_space<vmem_shared>> -> memref<1000xf32, #tpu.memory_space<vmem_shared>>
        %dma_start3A_43 = arith.constant 0 : i32
        %dma_start3A_44 = tpu.memref_slice %arg6[%dma_start3A_43] : memref<1008xf32, #tpu.memory_space<vmem>> -> memref<1000xf32, #tpu.memory_space<vmem>>
        tpu.enqueue_dma source(%dma_start3A_44 : memref<1000xf32, #tpu.memory_space<vmem>>) target(%dma_start3A_42 : memref<1000xf32, #tpu.memory_space<vmem_shared>>) target_semaphore(%run_scoped3A : memref<!tpu.dma_semaphore, #tpu.memory_space<semaphore_mem>>)
        %dma_wait3A = arith.constant 0 : i32
        %dma_wait3A_45 = tpu.memref_slice %arg6[%dma_wait3A] : memref<1008xf32, #tpu.memory_space<vmem>> -> memref<1000xf32, #tpu.memory_space<vmem>>
        %dma_wait3A_46 = tpu.memref_slice %arg7[%mul3A_39] : memref<10000xf32, #tpu.memory_space<vmem_shared>> -> memref<1000xf32, #tpu.memory_space<vmem_shared>>
        %dma_wait3A_47 = tpu.memref_slice %arg7[%mul3A_39] : memref<10000xf32, #tpu.memory_space<vmem_shared>> -> memref<1000xf32, #tpu.memory_space<vmem_shared>>
        %dma_wait3A_48 = arith.constant 0 : i32
        %dma_wait3A_49 = tpu.memref_slice %arg6[%dma_wait3A_48] : memref<1008xf32, #tpu.memory_space<vmem>> -> memref<1000xf32, #tpu.memory_space<vmem>>
        tpu.wait_dma2 semaphore(%run_scoped3A : memref<!tpu.dma_semaphore, #tpu.memory_space<semaphore_mem>>) src(%dma_wait3A_49 : memref<1000xf32, #tpu.memory_space<vmem>>) dst(%dma_wait3A_47 : memref<1000xf32, #tpu.memory_space<vmem_shared>>)
        tpu.yield
      }) : () -> ()
    } else {
    }
    %barrier3A = arith.constant 0 : index
    tpu.barrier barrier_id(%barrier3A)
    %scan3A_18 = arith.constant 0 : i32
    %scan3A_19 = arith.constant 0 : i32
    %scan3A_20 = arith.constant 125 : i32
    %scan3A_21 = arith.addi %scan3A_19, %scan3A_20 : i32
    %scan3A_22 = arith.constant 1 : i32
    %scan3A_23 = scf.for %scan3A_38 = %scan3A_19 to %scan3A_21 step %scan3A_22 iter_args(%scan3A_39 = %scan3A_18) -> (i32)  : i32 {
      %mul3A_40 = arith.constant 80 : i32
      %mul3A_41 = arith.muli %scan3A_38, %mul3A_40 : i32
      %dma_start3A = tpu.memref_slice %arg4[%mul3A_41] : memref<10000xi32, #tpu.memory_space<vmem>> -> memref<80xi32, #tpu.memory_space<vmem>>
      %dma_start3A_42 = arith.constant 0 : i32
      %dma_start3A_43 = tpu.memref_slice %arg7[%dma_start3A_42] : memref<10000xf32, #tpu.memory_space<vmem_shared>> -> memref<10000xf32, #tpu.memory_space<vmem_shared>>
      tpu.enqueue_indirect_dma source(%arg5 : memref<80xf32, #tpu.memory_space<vmem>>) target(%dma_start3A_43 : memref<10000xf32, #tpu.memory_space<vmem_shared>>) offsets(%dma_start3A : memref<80xi32, #tpu.memory_space<vmem>>) semaphore(%arg8 : memref<!tpu.dma_semaphore, #tpu.memory_space<semaphore_mem>>) {add = true}
      %scan3A_44 = arith.constant 0 : i32
      scf.yield %scan3A_44 : i32
    }
    %scan3A_24 = arith.constant 125 : i32
    %scan3A_25 = arith.constant 0 : i32
    %scan3A_26 = arith.constant 0 : i32
    %scan3A_27 = arith.constant 125 : i32
    %scan3A_28 = arith.addi %scan3A_26, %scan3A_27 : i32
    %scan3A_29 = arith.constant 1 : i32
    %scan3A_30 = scf.for %scan3A_38 = %scan3A_26 to %scan3A_28 step %scan3A_29 iter_args(%scan3A_39 = %scan3A_25) -> (i32)  : i32 {
      %dma_wait3A = arith.constant 0 : i32
      %dma_wait3A_40 = tpu.memref_slice %arg4[%dma_wait3A] : memref<10000xi32, #tpu.memory_space<vmem>> -> memref<80xi32, #tpu.memory_space<vmem>>
      %dma_wait3A_41 = arith.constant 0 : i32
      %dma_wait3A_42 = tpu.memref_slice %arg7[%dma_wait3A_41] : memref<10000xf32, #tpu.memory_space<vmem_shared>> -> memref<10000xf32, #tpu.memory_space<vmem_shared>>
      tpu.wait_indirect_dma semaphore(%arg8 : memref<!tpu.dma_semaphore, #tpu.memory_space<semaphore_mem>>) src(%arg5 : memref<80xf32, #tpu.memory_space<vmem>>) dst(%dma_wait3A_42 : memref<10000xf32, #tpu.memory_space<vmem_shared>>)
      %scan3A_43 = arith.constant 0 : i32
      scf.yield %scan3A_43 : i32
    }
    %scan3A_31 = arith.constant 125 : i32
    %barrier3A_32 = arith.constant 0 : index
    tpu.barrier barrier_id(%barrier3A_32)
    %lt3A_33 = arith.constant 10 : i32
    %lt3A_34 = arith.cmpi slt, %arg1, %lt3A_33 : i32
    %convert_element_type3A_35 = arith.extui %lt3A_34 : i1 to i32
    %cond3A_36 = arith.constant 0 : i32
    %cond3A_37 = arith.cmpi ne, %convert_element_type3A_35, %cond3A_36 : i32
    scf.if %cond3A_37 {
      %mul3A_38 = arith.constant 1000 : i32
      %mul3A_39 = arith.muli %arg1, %mul3A_38 : i32
      "tpu.region"() ({
        %run_scoped3A = tpu.sem_alloc : memref<!tpu.dma_semaphore, #tpu.memory_space<semaphore_mem>>
        %dma_start3A = arith.constant 0 : i32
        %dma_start3A_45 = tpu.memref_slice %arg6[%dma_start3A] : memref<1008xf32, #tpu.memory_space<vmem>> -> memref<1000xf32, #tpu.memory_space<vmem>>
        %dma_start3A_46 = tpu.memref_slice %arg7[%mul3A_39] : memref<10000xf32, #tpu.memory_space<vmem_shared>> -> memref<1000xf32, #tpu.memory_space<vmem_shared>>
        %dma_start3A_47 = arith.constant 0 : i32
        %dma_start3A_48 = tpu.memref_slice %arg6[%dma_start3A_47] : memref<1008xf32, #tpu.memory_space<vmem>> -> memref<1000xf32, #tpu.memory_space<vmem>>
        %dma_start3A_49 = tpu.memref_slice %arg7[%mul3A_39] : memref<10000xf32, #tpu.memory_space<vmem_shared>> -> memref<1000xf32, #tpu.memory_space<vmem_shared>>
        tpu.enqueue_dma source(%dma_start3A_49 : memref<1000xf32, #tpu.memory_space<vmem_shared>>) target(%dma_start3A_48 : memref<1000xf32, #tpu.memory_space<vmem>>) target_semaphore(%run_scoped3A : memref<!tpu.dma_semaphore, #tpu.memory_space<semaphore_mem>>)
        %dma_wait3A = arith.constant 0 : i32
        %dma_wait3A_50 = tpu.memref_slice %arg6[%dma_wait3A] : memref<1008xf32, #tpu.memory_space<vmem>> -> memref<1000xf32, #tpu.memory_space<vmem>>
        %dma_wait3A_51 = tpu.memref_slice %arg7[%mul3A_39] : memref<10000xf32, #tpu.memory_space<vmem_shared>> -> memref<1000xf32, #tpu.memory_space<vmem_shared>>
        %dma_wait3A_52 = arith.constant 0 : i32
        %dma_wait3A_53 = tpu.memref_slice %arg6[%dma_wait3A_52] : memref<1008xf32, #tpu.memory_space<vmem>> -> memref<1000xf32, #tpu.memory_space<vmem>>
        %dma_wait3A_54 = tpu.memref_slice %arg7[%mul3A_39] : memref<10000xf32, #tpu.memory_space<vmem_shared>> -> memref<1000xf32, #tpu.memory_space<vmem_shared>>
        tpu.wait_dma2 semaphore(%run_scoped3A : memref<!tpu.dma_semaphore, #tpu.memory_space<semaphore_mem>>) src(%dma_wait3A_54 : memref<1000xf32, #tpu.memory_space<vmem_shared>>) dst(%dma_wait3A_53 : memref<1000xf32, #tpu.memory_space<vmem>>)
        tpu.yield
      }) : () -> ()
      %mul3A_40 = arith.constant 10000 : i32
      %mul3A_41 = arith.muli %arg0, %mul3A_40 : i32
      %mul3A_42 = arith.constant 1000 : i32
      %mul3A_43 = arith.muli %arg1, %mul3A_42 : i32
      %add3A_44 = arith.addi %mul3A_41, %mul3A_43 : i32
      "tpu.region"() ({
        %run_scoped3A = tpu.sem_alloc : memref<!tpu.dma_semaphore, #tpu.memory_space<semaphore_mem>>
        %dma_start3A = arith.constant 0 : i32
        %dma_start3A_45 = tpu.memref_slice %arg6[%dma_start3A] : memref<1008xf32, #tpu.memory_space<vmem>> -> memref<1000xf32, #tpu.memory_space<vmem>>
        %dma_start3A_46 = tpu.memref_slice %arg3[%add3A_44] : memref<20000xf32, #tpu.memory_space<hbm>> -> memref<1000xf32, #tpu.memory_space<hbm>>
        %dma_start3A_47 = tpu.memref_slice %arg3[%add3A_44] : memref<20000xf32, #tpu.memory_space<hbm>> -> memref<1000xf32, #tpu.memory_space<hbm>>
        %dma_start3A_48 = arith.constant 0 : i32
        %dma_start3A_49 = tpu.memref_slice %arg6[%dma_start3A_48] : memref<1008xf32, #tpu.memory_space<vmem>> -> memref<1000xf32, #tpu.memory_space<vmem>>
        tpu.enqueue_dma source(%dma_start3A_49 : memref<1000xf32, #tpu.memory_space<vmem>>) target(%dma_start3A_47 : memref<1000xf32, #tpu.memory_space<hbm>>) target_semaphore(%run_scoped3A : memref<!tpu.dma_semaphore, #tpu.memory_space<semaphore_mem>>)
        %dma_wait3A = arith.constant 0 : i32
        %dma_wait3A_50 = tpu.memref_slice %arg6[%dma_wait3A] : memref<1008xf32, #tpu.memory_space<vmem>> -> memref<1000xf32, #tpu.memory_space<vmem>>
        %dma_wait3A_51 = tpu.memref_slice %arg3[%add3A_44] : memref<20000xf32, #tpu.memory_space<hbm>> -> memref<1000xf32, #tpu.memory_space<hbm>>
        %dma_wait3A_52 = tpu.memref_slice %arg3[%add3A_44] : memref<20000xf32, #tpu.memory_space<hbm>> -> memref<1000xf32, #tpu.memory_space<hbm>>
        %dma_wait3A_53 = arith.constant 0 : i32
        %dma_wait3A_54 = tpu.memref_slice %arg6[%dma_wait3A_53] : memref<1008xf32, #tpu.memory_space<vmem>> -> memref<1000xf32, #tpu.memory_space<vmem>>
        tpu.wait_dma2 semaphore(%run_scoped3A : memref<!tpu.dma_semaphore, #tpu.memory_space<semaphore_mem>>) src(%dma_wait3A_54 : memref<1000xf32, #tpu.memory_space<vmem>>) dst(%dma_wait3A_52 : memref<1000xf32, #tpu.memory_space<hbm>>)
        tpu.yield
      }) : () -> ()
    } else {
    }
    return
  }
}

#map = affine_map<(d0, d1) -> (0, 0)>
#map1 = affine_map<(d0, d1) -> (0)>
#map2 = affine_map<(d0, d1) -> (0, 0, 0)>
module attributes {stable_mosaic.version = 14 : i64} {
  func.func @_sc_segsum_body(%arg0: i32, %arg1: i32, %arg2: memref<10000x128xf32, #tpu.memory_space<hbm>>, %arg3: memref<320000xi32, #tpu.memory_space<hbm>>, %arg4: memref<320000xi32, #tpu.memory_space<hbm>>, %arg5: memref<2x10000x128xf32, #tpu.memory_space<hbm>>, %arg6: memref<10000xi32, #tpu.memory_space<vmem>>, %arg7: memref<10000xi32, #tpu.memory_space<vmem>>, %arg8: memref<40x128xf32, #tpu.memory_space<vmem>>, %arg9: memref<40x128xf32, #tpu.memory_space<vmem>>, %arg10: memref<40x128xf32, #tpu.memory_space<vmem>>, %arg11: memref<40x128xf32, #tpu.memory_space<vmem>>, %arg12: memref<40x128xf32, #tpu.memory_space<vmem>>, %arg13: memref<10000x128xf32, #tpu.memory_space<vmem_shared>>, %arg14: memref<!tpu.dma_semaphore, #tpu.memory_space<semaphore_mem>>, %arg15: memref<!tpu.dma_semaphore, #tpu.memory_space<semaphore_mem>>, %arg16: memref<!tpu.dma_semaphore, #tpu.memory_space<semaphore_mem>>, %arg17: memref<!tpu.dma_semaphore, #tpu.memory_space<semaphore_mem>>, %arg18: memref<!tpu.dma_semaphore, #tpu.memory_space<semaphore_mem>>, %arg19: memref<!tpu.dma_semaphore, #tpu.memory_space<semaphore_mem>>, %arg20: memref<!tpu.dma_semaphore, #tpu.memory_space<semaphore_mem>>, %arg21: memref<!tpu.dma_semaphore, #tpu.memory_space<semaphore_mem>>, %arg22: memref<!tpu.dma_semaphore, #tpu.memory_space<semaphore_mem>>, %arg23: memref<!tpu.dma_semaphore, #tpu.memory_space<semaphore_mem>>) attributes {dimension_semantics = [#tpu.dimension_semantics<core_parallel>, #tpu.dimension_semantics<subcore_parallel>], iteration_bounds = array<i64: 2, 16>, scalar_prefetch = 0 : i64, scratch_operands = 18 : i64, tpu.core_type = #tpu.core_type<sc_vector_subcore>, window_params = [{transform_indices = #map}, {transform_indices = #map1}, {transform_indices = #map1}, {transform_indices = #map2}]} {
    %mul3A = arith.constant 16 : i32
    %mul3A_0 = arith.muli %arg0, %mul3A : i32
    %add3A = arith.addi %mul3A_0, %arg1 : i32
    %mul3A_1 = arith.constant 10000 : i32
    %mul3A_2 = arith.muli %add3A, %mul3A_1 : i32
    %dma_start3A = tpu.memref_slice %arg3[%mul3A_2] : memref<320000xi32, #tpu.memory_space<hbm>> -> memref<10000xi32, #tpu.memory_space<hbm>>
    %dma_start3A_3 = tpu.memref_slice %arg3[%mul3A_2] : memref<320000xi32, #tpu.memory_space<hbm>> -> memref<10000xi32, #tpu.memory_space<hbm>>
    tpu.enqueue_dma source(%dma_start3A_3 : memref<10000xi32, #tpu.memory_space<hbm>>) target(%arg6 : memref<10000xi32, #tpu.memory_space<vmem>>) target_semaphore(%arg14 : memref<!tpu.dma_semaphore, #tpu.memory_space<semaphore_mem>>)
    %dma_start3A_4 = tpu.memref_slice %arg4[%mul3A_2] : memref<320000xi32, #tpu.memory_space<hbm>> -> memref<10000xi32, #tpu.memory_space<hbm>>
    %dma_start3A_5 = tpu.memref_slice %arg4[%mul3A_2] : memref<320000xi32, #tpu.memory_space<hbm>> -> memref<10000xi32, #tpu.memory_space<hbm>>
    tpu.enqueue_dma source(%dma_start3A_5 : memref<10000xi32, #tpu.memory_space<hbm>>) target(%arg7 : memref<10000xi32, #tpu.memory_space<vmem>>) target_semaphore(%arg15 : memref<!tpu.dma_semaphore, #tpu.memory_space<semaphore_mem>>)
    %scan3A = arith.constant 0 : i32
    %scan3A_6 = arith.constant 0 : i32
    %scan3A_7 = arith.constant 40 : i32
    %scan3A_8 = arith.addi %scan3A_6, %scan3A_7 : i32
    %scan3A_9 = arith.constant 1 : i32
    %scan3A_10 = scf.for %scan3A_130 = %scan3A_6 to %scan3A_8 step %scan3A_9 iter_args(%scan3A_131 = %scan3A) -> (i32)  : i32 {
      %scan3A_132 = arith.constant 0 : i32
      %scan3A_133 = arith.constant 0 : i32
      %scan3A_134 = arith.constant 8 : i32
      %scan3A_135 = arith.addi %scan3A_133, %scan3A_134 : i32
      %scan3A_136 = arith.constant 1 : i32
      %scan3A_137 = scf.for %scan3A_140 = %scan3A_133 to %scan3A_135 step %scan3A_136 iter_args(%scan3A_141 = %scan3A_132) -> (i32)  : i32 {
        %broadcast_in_dim3A = arith.constant 0.000000e+00 : f32
        %broadcast_in_dim3A_142 = vector.broadcast %broadcast_in_dim3A : f32 to vector<16xf32>
        %mul3A_143 = arith.constant 16 : i32
        %mul3A_144 = arith.muli %scan3A_140, %mul3A_143 : i32
        %swap3A = arith.index_cast %scan3A_130 : i32 to index
        %swap3A_145 = arith.index_cast %mul3A_144 : i32 to index
        %swap3A_146 = tpu.vector_load %arg8[%swap3A, %swap3A_145] {strides = array<i32>} : memref<40x128xf32, #tpu.memory_space<vmem>>, vector<1x16xf32>,
        %swap3A_147 = vector.shape_cast %swap3A_146 : vector<1x16xf32> to vector<16xf32>
        %swap3A_148 = vector.shape_cast %broadcast_in_dim3A_142 : vector<16xf32> to vector<1x16xf32>
        tpu.vector_store %arg8[%swap3A, %swap3A_145], %swap3A_148 {strides = array<i32>} : memref<40x128xf32, #tpu.memory_space<vmem>>, vector<1x16xf32>,
        %scan3A_149 = arith.constant 0 : i32
        scf.yield %scan3A_149 : i32
      }
      %scan3A_138 = arith.constant 8 : i32
      %scan3A_139 = arith.constant 0 : i32
      scf.yield %scan3A_139 : i32
    }
    %scan3A_11 = arith.constant 40 : i32
    %lt3A = arith.constant 10 : i32
    %lt3A_12 = arith.cmpi slt, %arg1, %lt3A : i32
    %convert_element_type3A = arith.extui %lt3A_12 : i1 to i32
    %cond3A = arith.constant 0 : i32
    %cond3A_13 = arith.cmpi ne, %convert_element_type3A, %cond3A : i32
    scf.if %cond3A_13 {
      %mul3A_130 = arith.constant 1000 : i32
      %mul3A_131 = arith.muli %arg1, %mul3A_130 : i32
      %add3A_132 = arith.constant 0 : i32
      %add3A_133 = arith.addi %mul3A_131, %add3A_132 : i32
      "tpu.region"() ({
        %run_scoped3A = tpu.sem_alloc : memref<!tpu.dma_semaphore, #tpu.memory_space<semaphore_mem>>
        %dma_start3A_230 = arith.constant 0 : i32
        %dma_start3A_231 = tpu.memref_slice %arg13[%add3A_133, %dma_start3A_230] : memref<10000x128xf32, #tpu.memory_space<vmem_shared>> -> memref<40x128xf32, #tpu.memory_space<vmem_shared>>
        %dma_start3A_232 = arith.constant 0 : i32
        %dma_start3A_233 = tpu.memref_slice %arg13[%add3A_133, %dma_start3A_232] : memref<10000x128xf32, #tpu.memory_space<vmem_shared>> -> memref<40x128xf32, #tpu.memory_space<vmem_shared>>
        tpu.enqueue_dma source(%arg8 : memref<40x128xf32, #tpu.memory_space<vmem>>) target(%dma_start3A_233 : memref<40x128xf32, #tpu.memory_space<vmem_shared>>) target_semaphore(%run_scoped3A : memref<!tpu.dma_semaphore, #tpu.memory_space<semaphore_mem>>)
        %dma_wait3A_234 = arith.constant 0 : i32
        %dma_wait3A_235 = tpu.memref_slice %arg13[%add3A_133, %dma_wait3A_234] : memref<10000x128xf32, #tpu.memory_space<vmem_shared>> -> memref<40x128xf32, #tpu.memory_space<vmem_shared>>
        %dma_wait3A_236 = arith.constant 0 : i32
        %dma_wait3A_237 = tpu.memref_slice %arg13[%add3A_133, %dma_wait3A_236] : memref<10000x128xf32, #tpu.memory_space<vmem_shared>> -> memref<40x128xf32, #tpu.memory_space<vmem_shared>>
        tpu.wait_dma2 semaphore(%run_scoped3A : memref<!tpu.dma_semaphore, #tpu.memory_space<semaphore_mem>>) src(%arg8 : memref<40x128xf32, #tpu.memory_space<vmem>>) dst(%dma_wait3A_237 : memref<40x128xf32, #tpu.memory_space<vmem_shared>>)
        tpu.yield
      }) : () -> ()
      %mul3A_134 = arith.constant 1000 : i32
      %mul3A_135 = arith.muli %arg1, %mul3A_134 : i32
      %add3A_136 = arith.constant 40 : i32
      %add3A_137 = arith.addi %mul3A_135, %add3A_136 : i32
      "tpu.region"() ({
        %run_scoped3A = tpu.sem_alloc : memref<!tpu.dma_semaphore, #tpu.memory_space<semaphore_mem>>
        %dma_start3A_230 = arith.constant 0 : i32
        %dma_start3A_231 = tpu.memref_slice %arg13[%add3A_137, %dma_start3A_230] : memref<10000x128xf32, #tpu.memory_space<vmem_shared>> -> memref<40x128xf32, #tpu.memory_space<vmem_shared>>
        %dma_start3A_232 = arith.constant 0 : i32
        %dma_start3A_233 = tpu.memref_slice %arg13[%add3A_137, %dma_start3A_232] : memref<10000x128xf32, #tpu.memory_space<vmem_shared>> -> memref<40x128xf32, #tpu.memory_space<vmem_shared>>
        tpu.enqueue_dma source(%arg8 : memref<40x128xf32, #tpu.memory_space<vmem>>) target(%dma_start3A_233 : memref<40x128xf32, #tpu.memory_space<vmem_shared>>) target_semaphore(%run_scoped3A : memref<!tpu.dma_semaphore, #tpu.memory_space<semaphore_mem>>)
        %dma_wait3A_234 = arith.constant 0 : i32
        %dma_wait3A_235 = tpu.memref_slice %arg13[%add3A_137, %dma_wait3A_234] : memref<10000x128xf32, #tpu.memory_space<vmem_shared>> -> memref<40x128xf32, #tpu.memory_space<vmem_shared>>
        %dma_wait3A_236 = arith.constant 0 : i32
        %dma_wait3A_237 = tpu.memref_slice %arg13[%add3A_137, %dma_wait3A_236] : memref<10000x128xf32, #tpu.memory_space<vmem_shared>> -> memref<40x128xf32, #tpu.memory_space<vmem_shared>>
        tpu.wait_dma2 semaphore(%run_scoped3A : memref<!tpu.dma_semaphore, #tpu.memory_space<semaphore_mem>>) src(%arg8 : memref<40x128xf32, #tpu.memory_space<vmem>>) dst(%dma_wait3A_237 : memref<40x128xf32, #tpu.memory_space<vmem_shared>>)
        tpu.yield
      }) : () -> ()
      %mul3A_138 = arith.constant 1000 : i32
      %mul3A_139 = arith.muli %arg1, %mul3A_138 : i32
      %add3A_140 = arith.constant 80 : i32
      %add3A_141 = arith.addi %mul3A_139, %add3A_140 : i32
      "tpu.region"() ({
        %run_scoped3A = tpu.sem_alloc : memref<!tpu.dma_semaphore, #tpu.memory_space<semaphore_mem>>
        %dma_start3A_230 = arith.constant 0 : i32
        %dma_start3A_231 = tpu.memref_slice %arg13[%add3A_141, %dma_start3A_230] : memref<10000x128xf32, #tpu.memory_space<vmem_shared>> -> memref<40x128xf32, #tpu.memory_space<vmem_shared>>
        %dma_start3A_232 = arith.constant 0 : i32
        %dma_start3A_233 = tpu.memref_slice %arg13[%add3A_141, %dma_start3A_232] : memref<10000x128xf32, #tpu.memory_space<vmem_shared>> -> memref<40x128xf32, #tpu.memory_space<vmem_shared>>
        tpu.enqueue_dma source(%arg8 : memref<40x128xf32, #tpu.memory_space<vmem>>) target(%dma_start3A_233 : memref<40x128xf32, #tpu.memory_space<vmem_shared>>) target_semaphore(%run_scoped3A : memref<!tpu.dma_semaphore, #tpu.memory_space<semaphore_mem>>)
        %dma_wait3A_234 = arith.constant 0 : i32
        %dma_wait3A_235 = tpu.memref_slice %arg13[%add3A_141, %dma_wait3A_234] : memref<10000x128xf32, #tpu.memory_space<vmem_shared>> -> memref<40x128xf32, #tpu.memory_space<vmem_shared>>
        %dma_wait3A_236 = arith.constant 0 : i32
        %dma_wait3A_237 = tpu.memref_slice %arg13[%add3A_141, %dma_wait3A_236] : memref<10000x128xf32, #tpu.memory_space<vmem_shared>> -> memref<40x128xf32, #tpu.memory_space<vmem_shared>>
        tpu.wait_dma2 semaphore(%run_scoped3A : memref<!tpu.dma_semaphore, #tpu.memory_space<semaphore_mem>>) src(%arg8 : memref<40x128xf32, #tpu.memory_space<vmem>>) dst(%dma_wait3A_237 : memref<40x128xf32, #tpu.memory_space<vmem_shared>>)
        tpu.yield
      }) : () -> ()
      %mul3A_142 = arith.constant 1000 : i32
      %mul3A_143 = arith.muli %arg1, %mul3A_142 : i32
      %add3A_144 = arith.constant 120 : i32
      %add3A_145 = arith.addi %mul3A_143, %add3A_144 : i32
      "tpu.region"() ({
        %run_scoped3A = tpu.sem_alloc : memref<!tpu.dma_semaphore, #tpu.memory_space<semaphore_mem>>
        %dma_start3A_230 = arith.constant 0 : i32
        %dma_start3A_231 = tpu.memref_slice %arg13[%add3A_145, %dma_start3A_230] : memref<10000x128xf32, #tpu.memory_space<vmem_shared>> -> memref<40x128xf32, #tpu.memory_space<vmem_shared>>
        %dma_start3A_232 = arith.constant 0 : i32
        %dma_start3A_233 = tpu.memref_slice %arg13[%add3A_145, %dma_start3A_232] : memref<10000x128xf32, #tpu.memory_space<vmem_shared>> -> memref<40x128xf32, #tpu.memory_space<vmem_shared>>
        tpu.enqueue_dma source(%arg8 : memref<40x128xf32, #tpu.memory_space<vmem>>) target(%dma_start3A_233 : memref<40x128xf32, #tpu.memory_space<vmem_shared>>) target_semaphore(%run_scoped3A : memref<!tpu.dma_semaphore, #tpu.memory_space<semaphore_mem>>)
        %dma_wait3A_234 = arith.constant 0 : i32
        %dma_wait3A_235 = tpu.memref_slice %arg13[%add3A_145, %dma_wait3A_234] : memref<10000x128xf32, #tpu.memory_space<vmem_shared>> -> memref<40x128xf32, #tpu.memory_space<vmem_shared>>
        %dma_wait3A_236 = arith.constant 0 : i32
        %dma_wait3A_237 = tpu.memref_slice %arg13[%add3A_145, %dma_wait3A_236] : memref<10000x128xf32, #tpu.memory_space<vmem_shared>> -> memref<40x128xf32, #tpu.memory_space<vmem_shared>>
        tpu.wait_dma2 semaphore(%run_scoped3A : memref<!tpu.dma_semaphore, #tpu.memory_space<semaphore_mem>>) src(%arg8 : memref<40x128xf32, #tpu.memory_space<vmem>>) dst(%dma_wait3A_237 : memref<40x128xf32, #tpu.memory_space<vmem_shared>>)
        tpu.yield
      }) : () -> ()
      %mul3A_146 = arith.constant 1000 : i32
      %mul3A_147 = arith.muli %arg1, %mul3A_146 : i32
      %add3A_148 = arith.constant 160 : i32
      %add3A_149 = arith.addi %mul3A_147, %add3A_148 : i32
      "tpu.region"() ({
        %run_scoped3A = tpu.sem_alloc : memref<!tpu.dma_semaphore, #tpu.memory_space<semaphore_mem>>
        %dma_start3A_230 = arith.constant 0 : i32
        %dma_start3A_231 = tpu.memref_slice %arg13[%add3A_149, %dma_start3A_230] : memref<10000x128xf32, #tpu.memory_space<vmem_shared>> -> memref<40x128xf32, #tpu.memory_space<vmem_shared>>
        %dma_start3A_232 = arith.constant 0 : i32
        %dma_start3A_233 = tpu.memref_slice %arg13[%add3A_149, %dma_start3A_232] : memref<10000x128xf32, #tpu.memory_space<vmem_shared>> -> memref<40x128xf32, #tpu.memory_space<vmem_shared>>
        tpu.enqueue_dma source(%arg8 : memref<40x128xf32, #tpu.memory_space<vmem>>) target(%dma_start3A_233 : memref<40x128xf32, #tpu.memory_space<vmem_shared>>) target_semaphore(%run_scoped3A : memref<!tpu.dma_semaphore, #tpu.memory_space<semaphore_mem>>)
        %dma_wait3A_234 = arith.constant 0 : i32
        %dma_wait3A_235 = tpu.memref_slice %arg13[%add3A_149, %dma_wait3A_234] : memref<10000x128xf32, #tpu.memory_space<vmem_shared>> -> memref<40x128xf32, #tpu.memory_space<vmem_shared>>
        %dma_wait3A_236 = arith.constant 0 : i32
        %dma_wait3A_237 = tpu.memref_slice %arg13[%add3A_149, %dma_wait3A_236] : memref<10000x128xf32, #tpu.memory_space<vmem_shared>> -> memref<40x128xf32, #tpu.memory_space<vmem_shared>>
        tpu.wait_dma2 semaphore(%run_scoped3A : memref<!tpu.dma_semaphore, #tpu.memory_space<semaphore_mem>>) src(%arg8 : memref<40x128xf32, #tpu.memory_space<vmem>>) dst(%dma_wait3A_237 : memref<40x128xf32, #tpu.memory_space<vmem_shared>>)
        tpu.yield
      }) : () -> ()
      %mul3A_150 = arith.constant 1000 : i32
      %mul3A_151 = arith.muli %arg1, %mul3A_150 : i32
      %add3A_152 = arith.constant 200 : i32
      %add3A_153 = arith.addi %mul3A_151, %add3A_152 : i32
      "tpu.region"() ({
        %run_scoped3A = tpu.sem_alloc : memref<!tpu.dma_semaphore, #tpu.memory_space<semaphore_mem>>
        %dma_start3A_230 = arith.constant 0 : i32
        %dma_start3A_231 = tpu.memref_slice %arg13[%add3A_153, %dma_start3A_230] : memref<10000x128xf32, #tpu.memory_space<vmem_shared>> -> memref<40x128xf32, #tpu.memory_space<vmem_shared>>
        %dma_start3A_232 = arith.constant 0 : i32
        %dma_start3A_233 = tpu.memref_slice %arg13[%add3A_153, %dma_start3A_232] : memref<10000x128xf32, #tpu.memory_space<vmem_shared>> -> memref<40x128xf32, #tpu.memory_space<vmem_shared>>
        tpu.enqueue_dma source(%arg8 : memref<40x128xf32, #tpu.memory_space<vmem>>) target(%dma_start3A_233 : memref<40x128xf32, #tpu.memory_space<vmem_shared>>) target_semaphore(%run_scoped3A : memref<!tpu.dma_semaphore, #tpu.memory_space<semaphore_mem>>)
        %dma_wait3A_234 = arith.constant 0 : i32
        %dma_wait3A_235 = tpu.memref_slice %arg13[%add3A_153, %dma_wait3A_234] : memref<10000x128xf32, #tpu.memory_space<vmem_shared>> -> memref<40x128xf32, #tpu.memory_space<vmem_shared>>
        %dma_wait3A_236 = arith.constant 0 : i32
        %dma_wait3A_237 = tpu.memref_slice %arg13[%add3A_153, %dma_wait3A_236] : memref<10000x128xf32, #tpu.memory_space<vmem_shared>> -> memref<40x128xf32, #tpu.memory_space<vmem_shared>>
        tpu.wait_dma2 semaphore(%run_scoped3A : memref<!tpu.dma_semaphore, #tpu.memory_space<semaphore_mem>>) src(%arg8 : memref<40x128xf32, #tpu.memory_space<vmem>>) dst(%dma_wait3A_237 : memref<40x128xf32, #tpu.memory_space<vmem_shared>>)
        tpu.yield
      }) : () -> ()
      %mul3A_154 = arith.constant 1000 : i32
      %mul3A_155 = arith.muli %arg1, %mul3A_154 : i32
      %add3A_156 = arith.constant 240 : i32
      %add3A_157 = arith.addi %mul3A_155, %add3A_156 : i32
      "tpu.region"() ({
        %run_scoped3A = tpu.sem_alloc : memref<!tpu.dma_semaphore, #tpu.memory_space<semaphore_mem>>
        %dma_start3A_230 = arith.constant 0 : i32
        %dma_start3A_231 = tpu.memref_slice %arg13[%add3A_157, %dma_start3A_230] : memref<10000x128xf32, #tpu.memory_space<vmem_shared>> -> memref<40x128xf32, #tpu.memory_space<vmem_shared>>
        %dma_start3A_232 = arith.constant 0 : i32
        %dma_start3A_233 = tpu.memref_slice %arg13[%add3A_157, %dma_start3A_232] : memref<10000x128xf32, #tpu.memory_space<vmem_shared>> -> memref<40x128xf32, #tpu.memory_space<vmem_shared>>
        tpu.enqueue_dma source(%arg8 : memref<40x128xf32, #tpu.memory_space<vmem>>) target(%dma_start3A_233 : memref<40x128xf32, #tpu.memory_space<vmem_shared>>) target_semaphore(%run_scoped3A : memref<!tpu.dma_semaphore, #tpu.memory_space<semaphore_mem>>)
        %dma_wait3A_234 = arith.constant 0 : i32
        %dma_wait3A_235 = tpu.memref_slice %arg13[%add3A_157, %dma_wait3A_234] : memref<10000x128xf32, #tpu.memory_space<vmem_shared>> -> memref<40x128xf32, #tpu.memory_space<vmem_shared>>
        %dma_wait3A_236 = arith.constant 0 : i32
        %dma_wait3A_237 = tpu.memref_slice %arg13[%add3A_157, %dma_wait3A_236] : memref<10000x128xf32, #tpu.memory_space<vmem_shared>> -> memref<40x128xf32, #tpu.memory_space<vmem_shared>>
        tpu.wait_dma2 semaphore(%run_scoped3A : memref<!tpu.dma_semaphore, #tpu.memory_space<semaphore_mem>>) src(%arg8 : memref<40x128xf32, #tpu.memory_space<vmem>>) dst(%dma_wait3A_237 : memref<40x128xf32, #tpu.memory_space<vmem_shared>>)
        tpu.yield
      }) : () -> ()
      %mul3A_158 = arith.constant 1000 : i32
      %mul3A_159 = arith.muli %arg1, %mul3A_158 : i32
      %add3A_160 = arith.constant 280 : i32
      %add3A_161 = arith.addi %mul3A_159, %add3A_160 : i32
      "tpu.region"() ({
        %run_scoped3A = tpu.sem_alloc : memref<!tpu.dma_semaphore, #tpu.memory_space<semaphore_mem>>
        %dma_start3A_230 = arith.constant 0 : i32
        %dma_start3A_231 = tpu.memref_slice %arg13[%add3A_161, %dma_start3A_230] : memref<10000x128xf32, #tpu.memory_space<vmem_shared>> -> memref<40x128xf32, #tpu.memory_space<vmem_shared>>
        %dma_start3A_232 = arith.constant 0 : i32
        %dma_start3A_233 = tpu.memref_slice %arg13[%add3A_161, %dma_start3A_232] : memref<10000x128xf32, #tpu.memory_space<vmem_shared>> -> memref<40x128xf32, #tpu.memory_space<vmem_shared>>
        tpu.enqueue_dma source(%arg8 : memref<40x128xf32, #tpu.memory_space<vmem>>) target(%dma_start3A_233 : memref<40x128xf32, #tpu.memory_space<vmem_shared>>) target_semaphore(%run_scoped3A : memref<!tpu.dma_semaphore, #tpu.memory_space<semaphore_mem>>)
        %dma_wait3A_234 = arith.constant 0 : i32
        %dma_wait3A_235 = tpu.memref_slice %arg13[%add3A_161, %dma_wait3A_234] : memref<10000x128xf32, #tpu.memory_space<vmem_shared>> -> memref<40x128xf32, #tpu.memory_space<vmem_shared>>
        %dma_wait3A_236 = arith.constant 0 : i32
        %dma_wait3A_237 = tpu.memref_slice %arg13[%add3A_161, %dma_wait3A_236] : memref<10000x128xf32, #tpu.memory_space<vmem_shared>> -> memref<40x128xf32, #tpu.memory_space<vmem_shared>>
        tpu.wait_dma2 semaphore(%run_scoped3A : memref<!tpu.dma_semaphore, #tpu.memory_space<semaphore_mem>>) src(%arg8 : memref<40x128xf32, #tpu.memory_space<vmem>>) dst(%dma_wait3A_237 : memref<40x128xf32, #tpu.memory_space<vmem_shared>>)
        tpu.yield
      }) : () -> ()
      %mul3A_162 = arith.constant 1000 : i32
      %mul3A_163 = arith.muli %arg1, %mul3A_162 : i32
      %add3A_164 = arith.constant 320 : i32
      %add3A_165 = arith.addi %mul3A_163, %add3A_164 : i32
      "tpu.region"() ({
        %run_scoped3A = tpu.sem_alloc : memref<!tpu.dma_semaphore, #tpu.memory_space<semaphore_mem>>
        %dma_start3A_230 = arith.constant 0 : i32
        %dma_start3A_231 = tpu.memref_slice %arg13[%add3A_165, %dma_start3A_230] : memref<10000x128xf32, #tpu.memory_space<vmem_shared>> -> memref<40x128xf32, #tpu.memory_space<vmem_shared>>
        %dma_start3A_232 = arith.constant 0 : i32
        %dma_start3A_233 = tpu.memref_slice %arg13[%add3A_165, %dma_start3A_232] : memref<10000x128xf32, #tpu.memory_space<vmem_shared>> -> memref<40x128xf32, #tpu.memory_space<vmem_shared>>
        tpu.enqueue_dma source(%arg8 : memref<40x128xf32, #tpu.memory_space<vmem>>) target(%dma_start3A_233 : memref<40x128xf32, #tpu.memory_space<vmem_shared>>) target_semaphore(%run_scoped3A : memref<!tpu.dma_semaphore, #tpu.memory_space<semaphore_mem>>)
        %dma_wait3A_234 = arith.constant 0 : i32
        %dma_wait3A_235 = tpu.memref_slice %arg13[%add3A_165, %dma_wait3A_234] : memref<10000x128xf32, #tpu.memory_space<vmem_shared>> -> memref<40x128xf32, #tpu.memory_space<vmem_shared>>
        %dma_wait3A_236 = arith.constant 0 : i32
        %dma_wait3A_237 = tpu.memref_slice %arg13[%add3A_165, %dma_wait3A_236] : memref<10000x128xf32, #tpu.memory_space<vmem_shared>> -> memref<40x128xf32, #tpu.memory_space<vmem_shared>>
        tpu.wait_dma2 semaphore(%run_scoped3A : memref<!tpu.dma_semaphore, #tpu.memory_space<semaphore_mem>>) src(%arg8 : memref<40x128xf32, #tpu.memory_space<vmem>>) dst(%dma_wait3A_237 : memref<40x128xf32, #tpu.memory_space<vmem_shared>>)
        tpu.yield
      }) : () -> ()
      %mul3A_166 = arith.constant 1000 : i32
      %mul3A_167 = arith.muli %arg1, %mul3A_166 : i32
      %add3A_168 = arith.constant 360 : i32
      %add3A_169 = arith.addi %mul3A_167, %add3A_168 : i32
      "tpu.region"() ({
        %run_scoped3A = tpu.sem_alloc : memref<!tpu.dma_semaphore, #tpu.memory_space<semaphore_mem>>
        %dma_start3A_230 = arith.constant 0 : i32
        %dma_start3A_231 = tpu.memref_slice %arg13[%add3A_169, %dma_start3A_230] : memref<10000x128xf32, #tpu.memory_space<vmem_shared>> -> memref<40x128xf32, #tpu.memory_space<vmem_shared>>
        %dma_start3A_232 = arith.constant 0 : i32
        %dma_start3A_233 = tpu.memref_slice %arg13[%add3A_169, %dma_start3A_232] : memref<10000x128xf32, #tpu.memory_space<vmem_shared>> -> memref<40x128xf32, #tpu.memory_space<vmem_shared>>
        tpu.enqueue_dma source(%arg8 : memref<40x128xf32, #tpu.memory_space<vmem>>) target(%dma_start3A_233 : memref<40x128xf32, #tpu.memory_space<vmem_shared>>) target_semaphore(%run_scoped3A : memref<!tpu.dma_semaphore, #tpu.memory_space<semaphore_mem>>)
        %dma_wait3A_234 = arith.constant 0 : i32
        %dma_wait3A_235 = tpu.memref_slice %arg13[%add3A_169, %dma_wait3A_234] : memref<10000x128xf32, #tpu.memory_space<vmem_shared>> -> memref<40x128xf32, #tpu.memory_space<vmem_shared>>
        %dma_wait3A_236 = arith.constant 0 : i32
        %dma_wait3A_237 = tpu.memref_slice %arg13[%add3A_169, %dma_wait3A_236] : memref<10000x128xf32, #tpu.memory_space<vmem_shared>> -> memref<40x128xf32, #tpu.memory_space<vmem_shared>>
        tpu.wait_dma2 semaphore(%run_scoped3A : memref<!tpu.dma_semaphore, #tpu.memory_space<semaphore_mem>>) src(%arg8 : memref<40x128xf32, #tpu.memory_space<vmem>>) dst(%dma_wait3A_237 : memref<40x128xf32, #tpu.memory_space<vmem_shared>>)
        tpu.yield
      }) : () -> ()
      %mul3A_170 = arith.constant 1000 : i32
      %mul3A_171 = arith.muli %arg1, %mul3A_170 : i32
      %add3A_172 = arith.constant 400 : i32
      %add3A_173 = arith.addi %mul3A_171, %add3A_172 : i32
      "tpu.region"() ({
        %run_scoped3A = tpu.sem_alloc : memref<!tpu.dma_semaphore, #tpu.memory_space<semaphore_mem>>
        %dma_start3A_230 = arith.constant 0 : i32
        %dma_start3A_231 = tpu.memref_slice %arg13[%add3A_173, %dma_start3A_230] : memref<10000x128xf32, #tpu.memory_space<vmem_shared>> -> memref<40x128xf32, #tpu.memory_space<vmem_shared>>
        %dma_start3A_232 = arith.constant 0 : i32
        %dma_start3A_233 = tpu.memref_slice %arg13[%add3A_173, %dma_start3A_232] : memref<10000x128xf32, #tpu.memory_space<vmem_shared>> -> memref<40x128xf32, #tpu.memory_space<vmem_shared>>
        tpu.enqueue_dma source(%arg8 : memref<40x128xf32, #tpu.memory_space<vmem>>) target(%dma_start3A_233 : memref<40x128xf32, #tpu.memory_space<vmem_shared>>) target_semaphore(%run_scoped3A : memref<!tpu.dma_semaphore, #tpu.memory_space<semaphore_mem>>)
        %dma_wait3A_234 = arith.constant 0 : i32
        %dma_wait3A_235 = tpu.memref_slice %arg13[%add3A_173, %dma_wait3A_234] : memref<10000x128xf32, #tpu.memory_space<vmem_shared>> -> memref<40x128xf32, #tpu.memory_space<vmem_shared>>
        %dma_wait3A_236 = arith.constant 0 : i32
        %dma_wait3A_237 = tpu.memref_slice %arg13[%add3A_173, %dma_wait3A_236] : memref<10000x128xf32, #tpu.memory_space<vmem_shared>> -> memref<40x128xf32, #tpu.memory_space<vmem_shared>>
        tpu.wait_dma2 semaphore(%run_scoped3A : memref<!tpu.dma_semaphore, #tpu.memory_space<semaphore_mem>>) src(%arg8 : memref<40x128xf32, #tpu.memory_space<vmem>>) dst(%dma_wait3A_237 : memref<40x128xf32, #tpu.memory_space<vmem_shared>>)
        tpu.yield
      }) : () -> ()
      %mul3A_174 = arith.constant 1000 : i32
      %mul3A_175 = arith.muli %arg1, %mul3A_174 : i32
      %add3A_176 = arith.constant 440 : i32
      %add3A_177 = arith.addi %mul3A_175, %add3A_176 : i32
      "tpu.region"() ({
        %run_scoped3A = tpu.sem_alloc : memref<!tpu.dma_semaphore, #tpu.memory_space<semaphore_mem>>
        %dma_start3A_230 = arith.constant 0 : i32
        %dma_start3A_231 = tpu.memref_slice %arg13[%add3A_177, %dma_start3A_230] : memref<10000x128xf32, #tpu.memory_space<vmem_shared>> -> memref<40x128xf32, #tpu.memory_space<vmem_shared>>
        %dma_start3A_232 = arith.constant 0 : i32
        %dma_start3A_233 = tpu.memref_slice %arg13[%add3A_177, %dma_start3A_232] : memref<10000x128xf32, #tpu.memory_space<vmem_shared>> -> memref<40x128xf32, #tpu.memory_space<vmem_shared>>
        tpu.enqueue_dma source(%arg8 : memref<40x128xf32, #tpu.memory_space<vmem>>) target(%dma_start3A_233 : memref<40x128xf32, #tpu.memory_space<vmem_shared>>) target_semaphore(%run_scoped3A : memref<!tpu.dma_semaphore, #tpu.memory_space<semaphore_mem>>)
        %dma_wait3A_234 = arith.constant 0 : i32
        %dma_wait3A_235 = tpu.memref_slice %arg13[%add3A_177, %dma_wait3A_234] : memref<10000x128xf32, #tpu.memory_space<vmem_shared>> -> memref<40x128xf32, #tpu.memory_space<vmem_shared>>
        %dma_wait3A_236 = arith.constant 0 : i32
        %dma_wait3A_237 = tpu.memref_slice %arg13[%add3A_177, %dma_wait3A_236] : memref<10000x128xf32, #tpu.memory_space<vmem_shared>> -> memref<40x128xf32, #tpu.memory_space<vmem_shared>>
        tpu.wait_dma2 semaphore(%run_scoped3A : memref<!tpu.dma_semaphore, #tpu.memory_space<semaphore_mem>>) src(%arg8 : memref<40x128xf32, #tpu.memory_space<vmem>>) dst(%dma_wait3A_237 : memref<40x128xf32, #tpu.memory_space<vmem_shared>>)
        tpu.yield
      }) : () -> ()
      %mul3A_178 = arith.constant 1000 : i32
      %mul3A_179 = arith.muli %arg1, %mul3A_178 : i32
      %add3A_180 = arith.constant 480 : i32
      %add3A_181 = arith.addi %mul3A_179, %add3A_180 : i32
      "tpu.region"() ({
        %run_scoped3A = tpu.sem_alloc : memref<!tpu.dma_semaphore, #tpu.memory_space<semaphore_mem>>
        %dma_start3A_230 = arith.constant 0 : i32
        %dma_start3A_231 = tpu.memref_slice %arg13[%add3A_181, %dma_start3A_230] : memref<10000x128xf32, #tpu.memory_space<vmem_shared>> -> memref<40x128xf32, #tpu.memory_space<vmem_shared>>
        %dma_start3A_232 = arith.constant 0 : i32
        %dma_start3A_233 = tpu.memref_slice %arg13[%add3A_181, %dma_start3A_232] : memref<10000x128xf32, #tpu.memory_space<vmem_shared>> -> memref<40x128xf32, #tpu.memory_space<vmem_shared>>
        tpu.enqueue_dma source(%arg8 : memref<40x128xf32, #tpu.memory_space<vmem>>) target(%dma_start3A_233 : memref<40x128xf32, #tpu.memory_space<vmem_shared>>) target_semaphore(%run_scoped3A : memref<!tpu.dma_semaphore, #tpu.memory_space<semaphore_mem>>)
        %dma_wait3A_234 = arith.constant 0 : i32
        %dma_wait3A_235 = tpu.memref_slice %arg13[%add3A_181, %dma_wait3A_234] : memref<10000x128xf32, #tpu.memory_space<vmem_shared>> -> memref<40x128xf32, #tpu.memory_space<vmem_shared>>
        %dma_wait3A_236 = arith.constant 0 : i32
        %dma_wait3A_237 = tpu.memref_slice %arg13[%add3A_181, %dma_wait3A_236] : memref<10000x128xf32, #tpu.memory_space<vmem_shared>> -> memref<40x128xf32, #tpu.memory_space<vmem_shared>>
        tpu.wait_dma2 semaphore(%run_scoped3A : memref<!tpu.dma_semaphore, #tpu.memory_space<semaphore_mem>>) src(%arg8 : memref<40x128xf32, #tpu.memory_space<vmem>>) dst(%dma_wait3A_237 : memref<40x128xf32, #tpu.memory_space<vmem_shared>>)
        tpu.yield
      }) : () -> ()
      %mul3A_182 = arith.constant 1000 : i32
      %mul3A_183 = arith.muli %arg1, %mul3A_182 : i32
      %add3A_184 = arith.constant 520 : i32
      %add3A_185 = arith.addi %mul3A_183, %add3A_184 : i32
      "tpu.region"() ({
        %run_scoped3A = tpu.sem_alloc : memref<!tpu.dma_semaphore, #tpu.memory_space<semaphore_mem>>
        %dma_start3A_230 = arith.constant 0 : i32
        %dma_start3A_231 = tpu.memref_slice %arg13[%add3A_185, %dma_start3A_230] : memref<10000x128xf32, #tpu.memory_space<vmem_shared>> -> memref<40x128xf32, #tpu.memory_space<vmem_shared>>
        %dma_start3A_232 = arith.constant 0 : i32
        %dma_start3A_233 = tpu.memref_slice %arg13[%add3A_185, %dma_start3A_232] : memref<10000x128xf32, #tpu.memory_space<vmem_shared>> -> memref<40x128xf32, #tpu.memory_space<vmem_shared>>
        tpu.enqueue_dma source(%arg8 : memref<40x128xf32, #tpu.memory_space<vmem>>) target(%dma_start3A_233 : memref<40x128xf32, #tpu.memory_space<vmem_shared>>) target_semaphore(%run_scoped3A : memref<!tpu.dma_semaphore, #tpu.memory_space<semaphore_mem>>)
        %dma_wait3A_234 = arith.constant 0 : i32
        %dma_wait3A_235 = tpu.memref_slice %arg13[%add3A_185, %dma_wait3A_234] : memref<10000x128xf32, #tpu.memory_space<vmem_shared>> -> memref<40x128xf32, #tpu.memory_space<vmem_shared>>
        %dma_wait3A_236 = arith.constant 0 : i32
        %dma_wait3A_237 = tpu.memref_slice %arg13[%add3A_185, %dma_wait3A_236] : memref<10000x128xf32, #tpu.memory_space<vmem_shared>> -> memref<40x128xf32, #tpu.memory_space<vmem_shared>>
        tpu.wait_dma2 semaphore(%run_scoped3A : memref<!tpu.dma_semaphore, #tpu.memory_space<semaphore_mem>>) src(%arg8 : memref<40x128xf32, #tpu.memory_space<vmem>>) dst(%dma_wait3A_237 : memref<40x128xf32, #tpu.memory_space<vmem_shared>>)
        tpu.yield
      }) : () -> ()
      %mul3A_186 = arith.constant 1000 : i32
      %mul3A_187 = arith.muli %arg1, %mul3A_186 : i32
      %add3A_188 = arith.constant 560 : i32
      %add3A_189 = arith.addi %mul3A_187, %add3A_188 : i32
      "tpu.region"() ({
        %run_scoped3A = tpu.sem_alloc : memref<!tpu.dma_semaphore, #tpu.memory_space<semaphore_mem>>
        %dma_start3A_230 = arith.constant 0 : i32
        %dma_start3A_231 = tpu.memref_slice %arg13[%add3A_189, %dma_start3A_230] : memref<10000x128xf32, #tpu.memory_space<vmem_shared>> -> memref<40x128xf32, #tpu.memory_space<vmem_shared>>
        %dma_start3A_232 = arith.constant 0 : i32
        %dma_start3A_233 = tpu.memref_slice %arg13[%add3A_189, %dma_start3A_232] : memref<10000x128xf32, #tpu.memory_space<vmem_shared>> -> memref<40x128xf32, #tpu.memory_space<vmem_shared>>
        tpu.enqueue_dma source(%arg8 : memref<40x128xf32, #tpu.memory_space<vmem>>) target(%dma_start3A_233 : memref<40x128xf32, #tpu.memory_space<vmem_shared>>) target_semaphore(%run_scoped3A : memref<!tpu.dma_semaphore, #tpu.memory_space<semaphore_mem>>)
        %dma_wait3A_234 = arith.constant 0 : i32
        %dma_wait3A_235 = tpu.memref_slice %arg13[%add3A_189, %dma_wait3A_234] : memref<10000x128xf32, #tpu.memory_space<vmem_shared>> -> memref<40x128xf32, #tpu.memory_space<vmem_shared>>
        %dma_wait3A_236 = arith.constant 0 : i32
        %dma_wait3A_237 = tpu.memref_slice %arg13[%add3A_189, %dma_wait3A_236] : memref<10000x128xf32, #tpu.memory_space<vmem_shared>> -> memref<40x128xf32, #tpu.memory_space<vmem_shared>>
        tpu.wait_dma2 semaphore(%run_scoped3A : memref<!tpu.dma_semaphore, #tpu.memory_space<semaphore_mem>>) src(%arg8 : memref<40x128xf32, #tpu.memory_space<vmem>>) dst(%dma_wait3A_237 : memref<40x128xf32, #tpu.memory_space<vmem_shared>>)
        tpu.yield
      }) : () -> ()
      %mul3A_190 = arith.constant 1000 : i32
      %mul3A_191 = arith.muli %arg1, %mul3A_190 : i32
      %add3A_192 = arith.constant 600 : i32
      %add3A_193 = arith.addi %mul3A_191, %add3A_192 : i32
      "tpu.region"() ({
        %run_scoped3A = tpu.sem_alloc : memref<!tpu.dma_semaphore, #tpu.memory_space<semaphore_mem>>
        %dma_start3A_230 = arith.constant 0 : i32
        %dma_start3A_231 = tpu.memref_slice %arg13[%add3A_193, %dma_start3A_230] : memref<10000x128xf32, #tpu.memory_space<vmem_shared>> -> memref<40x128xf32, #tpu.memory_space<vmem_shared>>
        %dma_start3A_232 = arith.constant 0 : i32
        %dma_start3A_233 = tpu.memref_slice %arg13[%add3A_193, %dma_start3A_232] : memref<10000x128xf32, #tpu.memory_space<vmem_shared>> -> memref<40x128xf32, #tpu.memory_space<vmem_shared>>
        tpu.enqueue_dma source(%arg8 : memref<40x128xf32, #tpu.memory_space<vmem>>) target(%dma_start3A_233 : memref<40x128xf32, #tpu.memory_space<vmem_shared>>) target_semaphore(%run_scoped3A : memref<!tpu.dma_semaphore, #tpu.memory_space<semaphore_mem>>)
        %dma_wait3A_234 = arith.constant 0 : i32
        %dma_wait3A_235 = tpu.memref_slice %arg13[%add3A_193, %dma_wait3A_234] : memref<10000x128xf32, #tpu.memory_space<vmem_shared>> -> memref<40x128xf32, #tpu.memory_space<vmem_shared>>
        %dma_wait3A_236 = arith.constant 0 : i32
        %dma_wait3A_237 = tpu.memref_slice %arg13[%add3A_193, %dma_wait3A_236] : memref<10000x128xf32, #tpu.memory_space<vmem_shared>> -> memref<40x128xf32, #tpu.memory_space<vmem_shared>>
        tpu.wait_dma2 semaphore(%run_scoped3A : memref<!tpu.dma_semaphore, #tpu.memory_space<semaphore_mem>>) src(%arg8 : memref<40x128xf32, #tpu.memory_space<vmem>>) dst(%dma_wait3A_237 : memref<40x128xf32, #tpu.memory_space<vmem_shared>>)
        tpu.yield
      }) : () -> ()
      %mul3A_194 = arith.constant 1000 : i32
      %mul3A_195 = arith.muli %arg1, %mul3A_194 : i32
      %add3A_196 = arith.constant 640 : i32
      %add3A_197 = arith.addi %mul3A_195, %add3A_196 : i32
      "tpu.region"() ({
        %run_scoped3A = tpu.sem_alloc : memref<!tpu.dma_semaphore, #tpu.memory_space<semaphore_mem>>
        %dma_start3A_230 = arith.constant 0 : i32
        %dma_start3A_231 = tpu.memref_slice %arg13[%add3A_197, %dma_start3A_230] : memref<10000x128xf32, #tpu.memory_space<vmem_shared>> -> memref<40x128xf32, #tpu.memory_space<vmem_shared>>
        %dma_start3A_232 = arith.constant 0 : i32
        %dma_start3A_233 = tpu.memref_slice %arg13[%add3A_197, %dma_start3A_232] : memref<10000x128xf32, #tpu.memory_space<vmem_shared>> -> memref<40x128xf32, #tpu.memory_space<vmem_shared>>
        tpu.enqueue_dma source(%arg8 : memref<40x128xf32, #tpu.memory_space<vmem>>) target(%dma_start3A_233 : memref<40x128xf32, #tpu.memory_space<vmem_shared>>) target_semaphore(%run_scoped3A : memref<!tpu.dma_semaphore, #tpu.memory_space<semaphore_mem>>)
        %dma_wait3A_234 = arith.constant 0 : i32
        %dma_wait3A_235 = tpu.memref_slice %arg13[%add3A_197, %dma_wait3A_234] : memref<10000x128xf32, #tpu.memory_space<vmem_shared>> -> memref<40x128xf32, #tpu.memory_space<vmem_shared>>
        %dma_wait3A_236 = arith.constant 0 : i32
        %dma_wait3A_237 = tpu.memref_slice %arg13[%add3A_197, %dma_wait3A_236] : memref<10000x128xf32, #tpu.memory_space<vmem_shared>> -> memref<40x128xf32, #tpu.memory_space<vmem_shared>>
        tpu.wait_dma2 semaphore(%run_scoped3A : memref<!tpu.dma_semaphore, #tpu.memory_space<semaphore_mem>>) src(%arg8 : memref<40x128xf32, #tpu.memory_space<vmem>>) dst(%dma_wait3A_237 : memref<40x128xf32, #tpu.memory_space<vmem_shared>>)
        tpu.yield
      }) : () -> ()
      %mul3A_198 = arith.constant 1000 : i32
      %mul3A_199 = arith.muli %arg1, %mul3A_198 : i32
      %add3A_200 = arith.constant 680 : i32
      %add3A_201 = arith.addi %mul3A_199, %add3A_200 : i32
      "tpu.region"() ({
        %run_scoped3A = tpu.sem_alloc : memref<!tpu.dma_semaphore, #tpu.memory_space<semaphore_mem>>
        %dma_start3A_230 = arith.constant 0 : i32
        %dma_start3A_231 = tpu.memref_slice %arg13[%add3A_201, %dma_start3A_230] : memref<10000x128xf32, #tpu.memory_space<vmem_shared>> -> memref<40x128xf32, #tpu.memory_space<vmem_shared>>
        %dma_start3A_232 = arith.constant 0 : i32
        %dma_start3A_233 = tpu.memref_slice %arg13[%add3A_201, %dma_start3A_232] : memref<10000x128xf32, #tpu.memory_space<vmem_shared>> -> memref<40x128xf32, #tpu.memory_space<vmem_shared>>
        tpu.enqueue_dma source(%arg8 : memref<40x128xf32, #tpu.memory_space<vmem>>) target(%dma_start3A_233 : memref<40x128xf32, #tpu.memory_space<vmem_shared>>) target_semaphore(%run_scoped3A : memref<!tpu.dma_semaphore, #tpu.memory_space<semaphore_mem>>)
        %dma_wait3A_234 = arith.constant 0 : i32
        %dma_wait3A_235 = tpu.memref_slice %arg13[%add3A_201, %dma_wait3A_234] : memref<10000x128xf32, #tpu.memory_space<vmem_shared>> -> memref<40x128xf32, #tpu.memory_space<vmem_shared>>
        %dma_wait3A_236 = arith.constant 0 : i32
        %dma_wait3A_237 = tpu.memref_slice %arg13[%add3A_201, %dma_wait3A_236] : memref<10000x128xf32, #tpu.memory_space<vmem_shared>> -> memref<40x128xf32, #tpu.memory_space<vmem_shared>>
        tpu.wait_dma2 semaphore(%run_scoped3A : memref<!tpu.dma_semaphore, #tpu.memory_space<semaphore_mem>>) src(%arg8 : memref<40x128xf32, #tpu.memory_space<vmem>>) dst(%dma_wait3A_237 : memref<40x128xf32, #tpu.memory_space<vmem_shared>>)
        tpu.yield
      }) : () -> ()
      %mul3A_202 = arith.constant 1000 : i32
      %mul3A_203 = arith.muli %arg1, %mul3A_202 : i32
      %add3A_204 = arith.constant 720 : i32
      %add3A_205 = arith.addi %mul3A_203, %add3A_204 : i32
      "tpu.region"() ({
        %run_scoped3A = tpu.sem_alloc : memref<!tpu.dma_semaphore, #tpu.memory_space<semaphore_mem>>
        %dma_start3A_230 = arith.constant 0 : i32
        %dma_start3A_231 = tpu.memref_slice %arg13[%add3A_205, %dma_start3A_230] : memref<10000x128xf32, #tpu.memory_space<vmem_shared>> -> memref<40x128xf32, #tpu.memory_space<vmem_shared>>
        %dma_start3A_232 = arith.constant 0 : i32
        %dma_start3A_233 = tpu.memref_slice %arg13[%add3A_205, %dma_start3A_232] : memref<10000x128xf32, #tpu.memory_space<vmem_shared>> -> memref<40x128xf32, #tpu.memory_space<vmem_shared>>
        tpu.enqueue_dma source(%arg8 : memref<40x128xf32, #tpu.memory_space<vmem>>) target(%dma_start3A_233 : memref<40x128xf32, #tpu.memory_space<vmem_shared>>) target_semaphore(%run_scoped3A : memref<!tpu.dma_semaphore, #tpu.memory_space<semaphore_mem>>)
        %dma_wait3A_234 = arith.constant 0 : i32
        %dma_wait3A_235 = tpu.memref_slice %arg13[%add3A_205, %dma_wait3A_234] : memref<10000x128xf32, #tpu.memory_space<vmem_shared>> -> memref<40x128xf32, #tpu.memory_space<vmem_shared>>
        %dma_wait3A_236 = arith.constant 0 : i32
        %dma_wait3A_237 = tpu.memref_slice %arg13[%add3A_205, %dma_wait3A_236] : memref<10000x128xf32, #tpu.memory_space<vmem_shared>> -> memref<40x128xf32, #tpu.memory_space<vmem_shared>>
        tpu.wait_dma2 semaphore(%run_scoped3A : memref<!tpu.dma_semaphore, #tpu.memory_space<semaphore_mem>>) src(%arg8 : memref<40x128xf32, #tpu.memory_space<vmem>>) dst(%dma_wait3A_237 : memref<40x128xf32, #tpu.memory_space<vmem_shared>>)
        tpu.yield
      }) : () -> ()
      %mul3A_206 = arith.constant 1000 : i32
      %mul3A_207 = arith.muli %arg1, %mul3A_206 : i32
      %add3A_208 = arith.constant 760 : i32
      %add3A_209 = arith.addi %mul3A_207, %add3A_208 : i32
      "tpu.region"() ({
        %run_scoped3A = tpu.sem_alloc : memref<!tpu.dma_semaphore, #tpu.memory_space<semaphore_mem>>
        %dma_start3A_230 = arith.constant 0 : i32
        %dma_start3A_231 = tpu.memref_slice %arg13[%add3A_209, %dma_start3A_230] : memref<10000x128xf32, #tpu.memory_space<vmem_shared>> -> memref<40x128xf32, #tpu.memory_space<vmem_shared>>
        %dma_start3A_232 = arith.constant 0 : i32
        %dma_start3A_233 = tpu.memref_slice %arg13[%add3A_209, %dma_start3A_232] : memref<10000x128xf32, #tpu.memory_space<vmem_shared>> -> memref<40x128xf32, #tpu.memory_space<vmem_shared>>
        tpu.enqueue_dma source(%arg8 : memref<40x128xf32, #tpu.memory_space<vmem>>) target(%dma_start3A_233 : memref<40x128xf32, #tpu.memory_space<vmem_shared>>) target_semaphore(%run_scoped3A : memref<!tpu.dma_semaphore, #tpu.memory_space<semaphore_mem>>)
        %dma_wait3A_234 = arith.constant 0 : i32
        %dma_wait3A_235 = tpu.memref_slice %arg13[%add3A_209, %dma_wait3A_234] : memref<10000x128xf32, #tpu.memory_space<vmem_shared>> -> memref<40x128xf32, #tpu.memory_space<vmem_shared>>
        %dma_wait3A_236 = arith.constant 0 : i32
        %dma_wait3A_237 = tpu.memref_slice %arg13[%add3A_209, %dma_wait3A_236] : memref<10000x128xf32, #tpu.memory_space<vmem_shared>> -> memref<40x128xf32, #tpu.memory_space<vmem_shared>>
        tpu.wait_dma2 semaphore(%run_scoped3A : memref<!tpu.dma_semaphore, #tpu.memory_space<semaphore_mem>>) src(%arg8 : memref<40x128xf32, #tpu.memory_space<vmem>>) dst(%dma_wait3A_237 : memref<40x128xf32, #tpu.memory_space<vmem_shared>>)
        tpu.yield
      }) : () -> ()
      %mul3A_210 = arith.constant 1000 : i32
      %mul3A_211 = arith.muli %arg1, %mul3A_210 : i32
      %add3A_212 = arith.constant 800 : i32
      %add3A_213 = arith.addi %mul3A_211, %add3A_212 : i32
      "tpu.region"() ({
        %run_scoped3A = tpu.sem_alloc : memref<!tpu.dma_semaphore, #tpu.memory_space<semaphore_mem>>
        %dma_start3A_230 = arith.constant 0 : i32
        %dma_start3A_231 = tpu.memref_slice %arg13[%add3A_213, %dma_start3A_230] : memref<10000x128xf32, #tpu.memory_space<vmem_shared>> -> memref<40x128xf32, #tpu.memory_space<vmem_shared>>
        %dma_start3A_232 = arith.constant 0 : i32
        %dma_start3A_233 = tpu.memref_slice %arg13[%add3A_213, %dma_start3A_232] : memref<10000x128xf32, #tpu.memory_space<vmem_shared>> -> memref<40x128xf32, #tpu.memory_space<vmem_shared>>
        tpu.enqueue_dma source(%arg8 : memref<40x128xf32, #tpu.memory_space<vmem>>) target(%dma_start3A_233 : memref<40x128xf32, #tpu.memory_space<vmem_shared>>) target_semaphore(%run_scoped3A : memref<!tpu.dma_semaphore, #tpu.memory_space<semaphore_mem>>)
        %dma_wait3A_234 = arith.constant 0 : i32
        %dma_wait3A_235 = tpu.memref_slice %arg13[%add3A_213, %dma_wait3A_234] : memref<10000x128xf32, #tpu.memory_space<vmem_shared>> -> memref<40x128xf32, #tpu.memory_space<vmem_shared>>
        %dma_wait3A_236 = arith.constant 0 : i32
        %dma_wait3A_237 = tpu.memref_slice %arg13[%add3A_213, %dma_wait3A_236] : memref<10000x128xf32, #tpu.memory_space<vmem_shared>> -> memref<40x128xf32, #tpu.memory_space<vmem_shared>>
        tpu.wait_dma2 semaphore(%run_scoped3A : memref<!tpu.dma_semaphore, #tpu.memory_space<semaphore_mem>>) src(%arg8 : memref<40x128xf32, #tpu.memory_space<vmem>>) dst(%dma_wait3A_237 : memref<40x128xf32, #tpu.memory_space<vmem_shared>>)
        tpu.yield
      }) : () -> ()
      %mul3A_214 = arith.constant 1000 : i32
      %mul3A_215 = arith.muli %arg1, %mul3A_214 : i32
      %add3A_216 = arith.constant 840 : i32
      %add3A_217 = arith.addi %mul3A_215, %add3A_216 : i32
      "tpu.region"() ({
        %run_scoped3A = tpu.sem_alloc : memref<!tpu.dma_semaphore, #tpu.memory_space<semaphore_mem>>
        %dma_start3A_230 = arith.constant 0 : i32
        %dma_start3A_231 = tpu.memref_slice %arg13[%add3A_217, %dma_start3A_230] : memref<10000x128xf32, #tpu.memory_space<vmem_shared>> -> memref<40x128xf32, #tpu.memory_space<vmem_shared>>
        %dma_start3A_232 = arith.constant 0 : i32
        %dma_start3A_233 = tpu.memref_slice %arg13[%add3A_217, %dma_start3A_232] : memref<10000x128xf32, #tpu.memory_space<vmem_shared>> -> memref<40x128xf32, #tpu.memory_space<vmem_shared>>
        tpu.enqueue_dma source(%arg8 : memref<40x128xf32, #tpu.memory_space<vmem>>) target(%dma_start3A_233 : memref<40x128xf32, #tpu.memory_space<vmem_shared>>) target_semaphore(%run_scoped3A : memref<!tpu.dma_semaphore, #tpu.memory_space<semaphore_mem>>)
        %dma_wait3A_234 = arith.constant 0 : i32
        %dma_wait3A_235 = tpu.memref_slice %arg13[%add3A_217, %dma_wait3A_234] : memref<10000x128xf32, #tpu.memory_space<vmem_shared>> -> memref<40x128xf32, #tpu.memory_space<vmem_shared>>
        %dma_wait3A_236 = arith.constant 0 : i32
        %dma_wait3A_237 = tpu.memref_slice %arg13[%add3A_217, %dma_wait3A_236] : memref<10000x128xf32, #tpu.memory_space<vmem_shared>> -> memref<40x128xf32, #tpu.memory_space<vmem_shared>>
        tpu.wait_dma2 semaphore(%run_scoped3A : memref<!tpu.dma_semaphore, #tpu.memory_space<semaphore_mem>>) src(%arg8 : memref<40x128xf32, #tpu.memory_space<vmem>>) dst(%dma_wait3A_237 : memref<40x128xf32, #tpu.memory_space<vmem_shared>>)
        tpu.yield
      }) : () -> ()
      %mul3A_218 = arith.constant 1000 : i32
      %mul3A_219 = arith.muli %arg1, %mul3A_218 : i32
      %add3A_220 = arith.constant 880 : i32
      %add3A_221 = arith.addi %mul3A_219, %add3A_220 : i32
      "tpu.region"() ({
        %run_scoped3A = tpu.sem_alloc : memref<!tpu.dma_semaphore, #tpu.memory_space<semaphore_mem>>
        %dma_start3A_230 = arith.constant 0 : i32
        %dma_start3A_231 = tpu.memref_slice %arg13[%add3A_221, %dma_start3A_230] : memref<10000x128xf32, #tpu.memory_space<vmem_shared>> -> memref<40x128xf32, #tpu.memory_space<vmem_shared>>
        %dma_start3A_232 = arith.constant 0 : i32
        %dma_start3A_233 = tpu.memref_slice %arg13[%add3A_221, %dma_start3A_232] : memref<10000x128xf32, #tpu.memory_space<vmem_shared>> -> memref<40x128xf32, #tpu.memory_space<vmem_shared>>
        tpu.enqueue_dma source(%arg8 : memref<40x128xf32, #tpu.memory_space<vmem>>) target(%dma_start3A_233 : memref<40x128xf32, #tpu.memory_space<vmem_shared>>) target_semaphore(%run_scoped3A : memref<!tpu.dma_semaphore, #tpu.memory_space<semaphore_mem>>)
        %dma_wait3A_234 = arith.constant 0 : i32
        %dma_wait3A_235 = tpu.memref_slice %arg13[%add3A_221, %dma_wait3A_234] : memref<10000x128xf32, #tpu.memory_space<vmem_shared>> -> memref<40x128xf32, #tpu.memory_space<vmem_shared>>
        %dma_wait3A_236 = arith.constant 0 : i32
        %dma_wait3A_237 = tpu.memref_slice %arg13[%add3A_221, %dma_wait3A_236] : memref<10000x128xf32, #tpu.memory_space<vmem_shared>> -> memref<40x128xf32, #tpu.memory_space<vmem_shared>>
        tpu.wait_dma2 semaphore(%run_scoped3A : memref<!tpu.dma_semaphore, #tpu.memory_space<semaphore_mem>>) src(%arg8 : memref<40x128xf32, #tpu.memory_space<vmem>>) dst(%dma_wait3A_237 : memref<40x128xf32, #tpu.memory_space<vmem_shared>>)
        tpu.yield
      }) : () -> ()
      %mul3A_222 = arith.constant 1000 : i32
      %mul3A_223 = arith.muli %arg1, %mul3A_222 : i32
      %add3A_224 = arith.constant 920 : i32
      %add3A_225 = arith.addi %mul3A_223, %add3A_224 : i32
      "tpu.region"() ({
        %run_scoped3A = tpu.sem_alloc : memref<!tpu.dma_semaphore, #tpu.memory_space<semaphore_mem>>
        %dma_start3A_230 = arith.constant 0 : i32
        %dma_start3A_231 = tpu.memref_slice %arg13[%add3A_225, %dma_start3A_230] : memref<10000x128xf32, #tpu.memory_space<vmem_shared>> -> memref<40x128xf32, #tpu.memory_space<vmem_shared>>
        %dma_start3A_232 = arith.constant 0 : i32
        %dma_start3A_233 = tpu.memref_slice %arg13[%add3A_225, %dma_start3A_232] : memref<10000x128xf32, #tpu.memory_space<vmem_shared>> -> memref<40x128xf32, #tpu.memory_space<vmem_shared>>
        tpu.enqueue_dma source(%arg8 : memref<40x128xf32, #tpu.memory_space<vmem>>) target(%dma_start3A_233 : memref<40x128xf32, #tpu.memory_space<vmem_shared>>) target_semaphore(%run_scoped3A : memref<!tpu.dma_semaphore, #tpu.memory_space<semaphore_mem>>)
        %dma_wait3A_234 = arith.constant 0 : i32
        %dma_wait3A_235 = tpu.memref_slice %arg13[%add3A_225, %dma_wait3A_234] : memref<10000x128xf32, #tpu.memory_space<vmem_shared>> -> memref<40x128xf32, #tpu.memory_space<vmem_shared>>
        %dma_wait3A_236 = arith.constant 0 : i32
        %dma_wait3A_237 = tpu.memref_slice %arg13[%add3A_225, %dma_wait3A_236] : memref<10000x128xf32, #tpu.memory_space<vmem_shared>> -> memref<40x128xf32, #tpu.memory_space<vmem_shared>>
        tpu.wait_dma2 semaphore(%run_scoped3A : memref<!tpu.dma_semaphore, #tpu.memory_space<semaphore_mem>>) src(%arg8 : memref<40x128xf32, #tpu.memory_space<vmem>>) dst(%dma_wait3A_237 : memref<40x128xf32, #tpu.memory_space<vmem_shared>>)
        tpu.yield
      }) : () -> ()
      %mul3A_226 = arith.constant 1000 : i32
      %mul3A_227 = arith.muli %arg1, %mul3A_226 : i32
      %add3A_228 = arith.constant 960 : i32
      %add3A_229 = arith.addi %mul3A_227, %add3A_228 : i32
      "tpu.region"() ({
        %run_scoped3A = tpu.sem_alloc : memref<!tpu.dma_semaphore, #tpu.memory_space<semaphore_mem>>
        %dma_start3A_230 = arith.constant 0 : i32
        %dma_start3A_231 = tpu.memref_slice %arg13[%add3A_229, %dma_start3A_230] : memref<10000x128xf32, #tpu.memory_space<vmem_shared>> -> memref<40x128xf32, #tpu.memory_space<vmem_shared>>
        %dma_start3A_232 = arith.constant 0 : i32
        %dma_start3A_233 = tpu.memref_slice %arg13[%add3A_229, %dma_start3A_232] : memref<10000x128xf32, #tpu.memory_space<vmem_shared>> -> memref<40x128xf32, #tpu.memory_space<vmem_shared>>
        tpu.enqueue_dma source(%arg8 : memref<40x128xf32, #tpu.memory_space<vmem>>) target(%dma_start3A_233 : memref<40x128xf32, #tpu.memory_space<vmem_shared>>) target_semaphore(%run_scoped3A : memref<!tpu.dma_semaphore, #tpu.memory_space<semaphore_mem>>)
        %dma_wait3A_234 = arith.constant 0 : i32
        %dma_wait3A_235 = tpu.memref_slice %arg13[%add3A_229, %dma_wait3A_234] : memref<10000x128xf32, #tpu.memory_space<vmem_shared>> -> memref<40x128xf32, #tpu.memory_space<vmem_shared>>
        %dma_wait3A_236 = arith.constant 0 : i32
        %dma_wait3A_237 = tpu.memref_slice %arg13[%add3A_229, %dma_wait3A_236] : memref<10000x128xf32, #tpu.memory_space<vmem_shared>> -> memref<40x128xf32, #tpu.memory_space<vmem_shared>>
        tpu.wait_dma2 semaphore(%run_scoped3A : memref<!tpu.dma_semaphore, #tpu.memory_space<semaphore_mem>>) src(%arg8 : memref<40x128xf32, #tpu.memory_space<vmem>>) dst(%dma_wait3A_237 : memref<40x128xf32, #tpu.memory_space<vmem_shared>>)
        tpu.yield
      }) : () -> ()
    } else {
    }
    %dma_wait3A = tpu.memref_slice %arg3[%mul3A_2] : memref<320000xi32, #tpu.memory_space<hbm>> -> memref<10000xi32, #tpu.memory_space<hbm>>
    %dma_wait3A_14 = tpu.memref_slice %arg3[%mul3A_2] : memref<320000xi32, #tpu.memory_space<hbm>> -> memref<10000xi32, #tpu.memory_space<hbm>>
    tpu.wait_dma2 semaphore(%arg14 : memref<!tpu.dma_semaphore, #tpu.memory_space<semaphore_mem>>) src(%dma_wait3A_14 : memref<10000xi32, #tpu.memory_space<hbm>>) dst(%arg6 : memref<10000xi32, #tpu.memory_space<vmem>>)
    %dma_wait3A_15 = tpu.memref_slice %arg4[%mul3A_2] : memref<320000xi32, #tpu.memory_space<hbm>> -> memref<10000xi32, #tpu.memory_space<hbm>>
    %dma_wait3A_16 = tpu.memref_slice %arg4[%mul3A_2] : memref<320000xi32, #tpu.memory_space<hbm>> -> memref<10000xi32, #tpu.memory_space<hbm>>
    tpu.wait_dma2 semaphore(%arg15 : memref<!tpu.dma_semaphore, #tpu.memory_space<semaphore_mem>>) src(%dma_wait3A_16 : memref<10000xi32, #tpu.memory_space<hbm>>) dst(%arg7 : memref<10000xi32, #tpu.memory_space<vmem>>)
    %barrier3A = arith.constant 0 : index
    tpu.barrier barrier_id(%barrier3A)
    %dma_start3A_17 = arith.constant 0 : i32
    %dma_start3A_18 = tpu.memref_slice %arg6[%dma_start3A_17] : memref<10000xi32, #tpu.memory_space<vmem>> -> memref<40xi32, #tpu.memory_space<vmem>>
    %dma_start3A_19 = arith.constant 0 : i32
    %dma_start3A_20 = arith.constant 0 : i32
    %dma_start3A_21 = tpu.memref_slice %arg2[%dma_start3A_19, %dma_start3A_20] : memref<10000x128xf32, #tpu.memory_space<hbm>> -> memref<10000x128xf32, #tpu.memory_space<hbm>>
    tpu.enqueue_indirect_dma source(%dma_start3A_21 : memref<10000x128xf32, #tpu.memory_space<hbm>>) target(%arg8 : memref<40x128xf32, #tpu.memory_space<vmem>>) offsets(%dma_start3A_18 : memref<40xi32, #tpu.memory_space<vmem>>) semaphore(%arg14 : memref<!tpu.dma_semaphore, #tpu.memory_space<semaphore_mem>>)
    %dma_start3A_22 = arith.constant 40 : i32
    %dma_start3A_23 = tpu.memref_slice %arg6[%dma_start3A_22] : memref<10000xi32, #tpu.memory_space<vmem>> -> memref<40xi32, #tpu.memory_space<vmem>>
    %dma_start3A_24 = arith.constant 0 : i32
    %dma_start3A_25 = arith.constant 0 : i32
    %dma_start3A_26 = tpu.memref_slice %arg2[%dma_start3A_24, %dma_start3A_25] : memref<10000x128xf32, #tpu.memory_space<hbm>> -> memref<10000x128xf32, #tpu.memory_space<hbm>>
    tpu.enqueue_indirect_dma source(%dma_start3A_26 : memref<10000x128xf32, #tpu.memory_space<hbm>>) target(%arg9 : memref<40x128xf32, #tpu.memory_space<vmem>>) offsets(%dma_start3A_23 : memref<40xi32, #tpu.memory_space<vmem>>) semaphore(%arg15 : memref<!tpu.dma_semaphore, #tpu.memory_space<semaphore_mem>>)
    %dma_start3A_27 = arith.constant 80 : i32
    %dma_start3A_28 = tpu.memref_slice %arg6[%dma_start3A_27] : memref<10000xi32, #tpu.memory_space<vmem>> -> memref<40xi32, #tpu.memory_space<vmem>>
    %dma_start3A_29 = arith.constant 0 : i32
    %dma_start3A_30 = arith.constant 0 : i32
    %dma_start3A_31 = tpu.memref_slice %arg2[%dma_start3A_29, %dma_start3A_30] : memref<10000x128xf32, #tpu.memory_space<hbm>> -> memref<10000x128xf32, #tpu.memory_space<hbm>>
    tpu.enqueue_indirect_dma source(%dma_start3A_31 : memref<10000x128xf32, #tpu.memory_space<hbm>>) target(%arg10 : memref<40x128xf32, #tpu.memory_space<vmem>>) offsets(%dma_start3A_28 : memref<40xi32, #tpu.memory_space<vmem>>) semaphore(%arg16 : memref<!tpu.dma_semaphore, #tpu.memory_space<semaphore_mem>>)
    %dma_start3A_32 = arith.constant 120 : i32
    %dma_start3A_33 = tpu.memref_slice %arg6[%dma_start3A_32] : memref<10000xi32, #tpu.memory_space<vmem>> -> memref<40xi32, #tpu.memory_space<vmem>>
    %dma_start3A_34 = arith.constant 0 : i32
    %dma_start3A_35 = arith.constant 0 : i32
    %dma_start3A_36 = tpu.memref_slice %arg2[%dma_start3A_34, %dma_start3A_35] : memref<10000x128xf32, #tpu.memory_space<hbm>> -> memref<10000x128xf32, #tpu.memory_space<hbm>>
    tpu.enqueue_indirect_dma source(%dma_start3A_36 : memref<10000x128xf32, #tpu.memory_space<hbm>>) target(%arg11 : memref<40x128xf32, #tpu.memory_space<vmem>>) offsets(%dma_start3A_33 : memref<40xi32, #tpu.memory_space<vmem>>) semaphore(%arg17 : memref<!tpu.dma_semaphore, #tpu.memory_space<semaphore_mem>>)
    %dma_start3A_37 = arith.constant 160 : i32
    %dma_start3A_38 = tpu.memref_slice %arg6[%dma_start3A_37] : memref<10000xi32, #tpu.memory_space<vmem>> -> memref<40xi32, #tpu.memory_space<vmem>>
    %dma_start3A_39 = arith.constant 0 : i32
    %dma_start3A_40 = arith.constant 0 : i32
    %dma_start3A_41 = tpu.memref_slice %arg2[%dma_start3A_39, %dma_start3A_40] : memref<10000x128xf32, #tpu.memory_space<hbm>> -> memref<10000x128xf32, #tpu.memory_space<hbm>>
    tpu.enqueue_indirect_dma source(%dma_start3A_41 : memref<10000x128xf32, #tpu.memory_space<hbm>>) target(%arg12 : memref<40x128xf32, #tpu.memory_space<vmem>>) offsets(%dma_start3A_38 : memref<40xi32, #tpu.memory_space<vmem>>) semaphore(%arg18 : memref<!tpu.dma_semaphore, #tpu.memory_space<semaphore_mem>>)
    %scan3A_42 = arith.constant 0 : i32
    %scan3A_43 = arith.constant 0 : i32
    %scan3A_44 = arith.constant 49 : i32
    %scan3A_45 = arith.addi %scan3A_43, %scan3A_44 : i32
    %scan3A_46 = arith.constant 1 : i32
    %scan3A_47 = scf.for %scan3A_130 = %scan3A_43 to %scan3A_45 step %scan3A_46 iter_args(%scan3A_131 = %scan3A_42) -> (i32)  : i32 {
      %mul3A_132 = arith.constant 5 : i32
      %mul3A_133 = arith.muli %scan3A_130, %mul3A_132 : i32
      %dma_wait3A_134 = arith.constant 0 : i32
      %dma_wait3A_135 = tpu.memref_slice %arg6[%dma_wait3A_134] : memref<10000xi32, #tpu.memory_space<vmem>> -> memref<40xi32, #tpu.memory_space<vmem>>
      %dma_wait3A_136 = arith.constant 0 : i32
      %dma_wait3A_137 = arith.constant 0 : i32
      %dma_wait3A_138 = tpu.memref_slice %arg2[%dma_wait3A_136, %dma_wait3A_137] : memref<10000x128xf32, #tpu.memory_space<hbm>> -> memref<10000x128xf32, #tpu.memory_space<hbm>>
      tpu.wait_indirect_dma semaphore(%arg14 : memref<!tpu.dma_semaphore, #tpu.memory_space<semaphore_mem>>) src(%dma_wait3A_138 : memref<10000x128xf32, #tpu.memory_space<hbm>>) dst(%arg8 : memref<40x128xf32, #tpu.memory_space<vmem>>)
      %add3A_139 = arith.constant 0 : i32
      %add3A_140 = arith.addi %mul3A_133, %add3A_139 : i32
      %mul3A_141 = arith.constant 40 : i32
      %mul3A_142 = arith.muli %add3A_140, %mul3A_141 : i32
      %dma_start3A_143 = tpu.memref_slice %arg7[%mul3A_142] : memref<10000xi32, #tpu.memory_space<vmem>> -> memref<40xi32, #tpu.memory_space<vmem>>
      %dma_start3A_144 = arith.constant 0 : i32
      %dma_start3A_145 = arith.constant 0 : i32
      %dma_start3A_146 = tpu.memref_slice %arg13[%dma_start3A_144, %dma_start3A_145] : memref<10000x128xf32, #tpu.memory_space<vmem_shared>> -> memref<10000x128xf32, #tpu.memory_space<vmem_shared>>
      tpu.enqueue_indirect_dma source(%arg8 : memref<40x128xf32, #tpu.memory_space<vmem>>) target(%dma_start3A_146 : memref<10000x128xf32, #tpu.memory_space<vmem_shared>>) offsets(%dma_start3A_143 : memref<40xi32, #tpu.memory_space<vmem>>) semaphore(%arg19 : memref<!tpu.dma_semaphore, #tpu.memory_space<semaphore_mem>>) {add = true}
      %dma_wait3A_147 = arith.constant 0 : i32
      %dma_wait3A_148 = tpu.memref_slice %arg6[%dma_wait3A_147] : memref<10000xi32, #tpu.memory_space<vmem>> -> memref<40xi32, #tpu.memory_space<vmem>>
      %dma_wait3A_149 = arith.constant 0 : i32
      %dma_wait3A_150 = arith.constant 0 : i32
      %dma_wait3A_151 = tpu.memref_slice %arg2[%dma_wait3A_149, %dma_wait3A_150] : memref<10000x128xf32, #tpu.memory_space<hbm>> -> memref<10000x128xf32, #tpu.memory_space<hbm>>
      tpu.wait_indirect_dma semaphore(%arg15 : memref<!tpu.dma_semaphore, #tpu.memory_space<semaphore_mem>>) src(%dma_wait3A_151 : memref<10000x128xf32, #tpu.memory_space<hbm>>) dst(%arg9 : memref<40x128xf32, #tpu.memory_space<vmem>>)
      %add3A_152 = arith.constant 1 : i32
      %add3A_153 = arith.addi %mul3A_133, %add3A_152 : i32
      %mul3A_154 = arith.constant 40 : i32
      %mul3A_155 = arith.muli %add3A_153, %mul3A_154 : i32
      %dma_start3A_156 = tpu.memref_slice %arg7[%mul3A_155] : memref<10000xi32, #tpu.memory_space<vmem>> -> memref<40xi32, #tpu.memory_space<vmem>>
      %dma_start3A_157 = arith.constant 0 : i32
      %dma_start3A_158 = arith.constant 0 : i32
      %dma_start3A_159 = tpu.memref_slice %arg13[%dma_start3A_157, %dma_start3A_158] : memref<10000x128xf32, #tpu.memory_space<vmem_shared>> -> memref<10000x128xf32, #tpu.memory_space<vmem_shared>>
      tpu.enqueue_indirect_dma source(%arg9 : memref<40x128xf32, #tpu.memory_space<vmem>>) target(%dma_start3A_159 : memref<10000x128xf32, #tpu.memory_space<vmem_shared>>) offsets(%dma_start3A_156 : memref<40xi32, #tpu.memory_space<vmem>>) semaphore(%arg20 : memref<!tpu.dma_semaphore, #tpu.memory_space<semaphore_mem>>) {add = true}
      %dma_wait3A_160 = arith.constant 0 : i32
      %dma_wait3A_161 = tpu.memref_slice %arg6[%dma_wait3A_160] : memref<10000xi32, #tpu.memory_space<vmem>> -> memref<40xi32, #tpu.memory_space<vmem>>
      %dma_wait3A_162 = arith.constant 0 : i32
      %dma_wait3A_163 = arith.constant 0 : i32
      %dma_wait3A_164 = tpu.memref_slice %arg2[%dma_wait3A_162, %dma_wait3A_163] : memref<10000x128xf32, #tpu.memory_space<hbm>> -> memref<10000x128xf32, #tpu.memory_space<hbm>>
      tpu.wait_indirect_dma semaphore(%arg16 : memref<!tpu.dma_semaphore, #tpu.memory_space<semaphore_mem>>) src(%dma_wait3A_164 : memref<10000x128xf32, #tpu.memory_space<hbm>>) dst(%arg10 : memref<40x128xf32, #tpu.memory_space<vmem>>)
      %add3A_165 = arith.constant 2 : i32
      %add3A_166 = arith.addi %mul3A_133, %add3A_165 : i32
      %mul3A_167 = arith.constant 40 : i32
      %mul3A_168 = arith.muli %add3A_166, %mul3A_167 : i32
      %dma_start3A_169 = tpu.memref_slice %arg7[%mul3A_168] : memref<10000xi32, #tpu.memory_space<vmem>> -> memref<40xi32, #tpu.memory_space<vmem>>
      %dma_start3A_170 = arith.constant 0 : i32
      %dma_start3A_171 = arith.constant 0 : i32
      %dma_start3A_172 = tpu.memref_slice %arg13[%dma_start3A_170, %dma_start3A_171] : memref<10000x128xf32, #tpu.memory_space<vmem_shared>> -> memref<10000x128xf32, #tpu.memory_space<vmem_shared>>
      tpu.enqueue_indirect_dma source(%arg10 : memref<40x128xf32, #tpu.memory_space<vmem>>) target(%dma_start3A_172 : memref<10000x128xf32, #tpu.memory_space<vmem_shared>>) offsets(%dma_start3A_169 : memref<40xi32, #tpu.memory_space<vmem>>) semaphore(%arg21 : memref<!tpu.dma_semaphore, #tpu.memory_space<semaphore_mem>>) {add = true}
      %dma_wait3A_173 = arith.constant 0 : i32
      %dma_wait3A_174 = tpu.memref_slice %arg6[%dma_wait3A_173] : memref<10000xi32, #tpu.memory_space<vmem>> -> memref<40xi32, #tpu.memory_space<vmem>>
      %dma_wait3A_175 = arith.constant 0 : i32
      %dma_wait3A_176 = arith.constant 0 : i32
      %dma_wait3A_177 = tpu.memref_slice %arg2[%dma_wait3A_175, %dma_wait3A_176] : memref<10000x128xf32, #tpu.memory_space<hbm>> -> memref<10000x128xf32, #tpu.memory_space<hbm>>
      tpu.wait_indirect_dma semaphore(%arg17 : memref<!tpu.dma_semaphore, #tpu.memory_space<semaphore_mem>>) src(%dma_wait3A_177 : memref<10000x128xf32, #tpu.memory_space<hbm>>) dst(%arg11 : memref<40x128xf32, #tpu.memory_space<vmem>>)
      %add3A_178 = arith.constant 3 : i32
      %add3A_179 = arith.addi %mul3A_133, %add3A_178 : i32
      %mul3A_180 = arith.constant 40 : i32
      %mul3A_181 = arith.muli %add3A_179, %mul3A_180 : i32
      %dma_start3A_182 = tpu.memref_slice %arg7[%mul3A_181] : memref<10000xi32, #tpu.memory_space<vmem>> -> memref<40xi32, #tpu.memory_space<vmem>>
      %dma_start3A_183 = arith.constant 0 : i32
      %dma_start3A_184 = arith.constant 0 : i32
      %dma_start3A_185 = tpu.memref_slice %arg13[%dma_start3A_183, %dma_start3A_184] : memref<10000x128xf32, #tpu.memory_space<vmem_shared>> -> memref<10000x128xf32, #tpu.memory_space<vmem_shared>>
      tpu.enqueue_indirect_dma source(%arg11 : memref<40x128xf32, #tpu.memory_space<vmem>>) target(%dma_start3A_185 : memref<10000x128xf32, #tpu.memory_space<vmem_shared>>) offsets(%dma_start3A_182 : memref<40xi32, #tpu.memory_space<vmem>>) semaphore(%arg22 : memref<!tpu.dma_semaphore, #tpu.memory_space<semaphore_mem>>) {add = true}
      %dma_wait3A_186 = arith.constant 0 : i32
      %dma_wait3A_187 = tpu.memref_slice %arg6[%dma_wait3A_186] : memref<10000xi32, #tpu.memory_space<vmem>> -> memref<40xi32, #tpu.memory_space<vmem>>
      %dma_wait3A_188 = arith.constant 0 : i32
      %dma_wait3A_189 = arith.constant 0 : i32
      %dma_wait3A_190 = tpu.memref_slice %arg2[%dma_wait3A_188, %dma_wait3A_189] : memref<10000x128xf32, #tpu.memory_space<hbm>> -> memref<10000x128xf32, #tpu.memory_space<hbm>>
      tpu.wait_indirect_dma semaphore(%arg18 : memref<!tpu.dma_semaphore, #tpu.memory_space<semaphore_mem>>) src(%dma_wait3A_190 : memref<10000x128xf32, #tpu.memory_space<hbm>>) dst(%arg12 : memref<40x128xf32, #tpu.memory_space<vmem>>)
      %add3A_191 = arith.constant 4 : i32
      %add3A_192 = arith.addi %mul3A_133, %add3A_191 : i32
      %mul3A_193 = arith.constant 40 : i32
      %mul3A_194 = arith.muli %add3A_192, %mul3A_193 : i32
      %dma_start3A_195 = tpu.memref_slice %arg7[%mul3A_194] : memref<10000xi32, #tpu.memory_space<vmem>> -> memref<40xi32, #tpu.memory_space<vmem>>
      %dma_start3A_196 = arith.constant 0 : i32
      %dma_start3A_197 = arith.constant 0 : i32
      %dma_start3A_198 = tpu.memref_slice %arg13[%dma_start3A_196, %dma_start3A_197] : memref<10000x128xf32, #tpu.memory_space<vmem_shared>> -> memref<10000x128xf32, #tpu.memory_space<vmem_shared>>
      tpu.enqueue_indirect_dma source(%arg12 : memref<40x128xf32, #tpu.memory_space<vmem>>) target(%dma_start3A_198 : memref<10000x128xf32, #tpu.memory_space<vmem_shared>>) offsets(%dma_start3A_195 : memref<40xi32, #tpu.memory_space<vmem>>) semaphore(%arg23 : memref<!tpu.dma_semaphore, #tpu.memory_space<semaphore_mem>>) {add = true}
      %dma_wait3A_199 = arith.constant 0 : i32
      %dma_wait3A_200 = tpu.memref_slice %arg7[%dma_wait3A_199] : memref<10000xi32, #tpu.memory_space<vmem>> -> memref<40xi32, #tpu.memory_space<vmem>>
      %dma_wait3A_201 = arith.constant 0 : i32
      %dma_wait3A_202 = arith.constant 0 : i32
      %dma_wait3A_203 = tpu.memref_slice %arg13[%dma_wait3A_201, %dma_wait3A_202] : memref<10000x128xf32, #tpu.memory_space<vmem_shared>> -> memref<10000x128xf32, #tpu.memory_space<vmem_shared>>
      tpu.wait_indirect_dma semaphore(%arg19 : memref<!tpu.dma_semaphore, #tpu.memory_space<semaphore_mem>>) src(%arg8 : memref<40x128xf32, #tpu.memory_space<vmem>>) dst(%dma_wait3A_203 : memref<10000x128xf32, #tpu.memory_space<vmem_shared>>)
      %add3A_204 = arith.constant 5 : i32
      %add3A_205 = arith.addi %mul3A_133, %add3A_204 : i32
      %add3A_206 = arith.constant 0 : i32
      %add3A_207 = arith.addi %add3A_205, %add3A_206 : i32
      %mul3A_208 = arith.constant 40 : i32
      %mul3A_209 = arith.muli %add3A_207, %mul3A_208 : i32
      %dma_start3A_210 = tpu.memref_slice %arg6[%mul3A_209] : memref<10000xi32, #tpu.memory_space<vmem>> -> memref<40xi32, #tpu.memory_space<vmem>>
      %dma_start3A_211 = arith.constant 0 : i32
      %dma_start3A_212 = arith.constant 0 : i32
      %dma_start3A_213 = tpu.memref_slice %arg2[%dma_start3A_211, %dma_start3A_212] : memref<10000x128xf32, #tpu.memory_space<hbm>> -> memref<10000x128xf32, #tpu.memory_space<hbm>>
      tpu.enqueue_indirect_dma source(%dma_start3A_213 : memref<10000x128xf32, #tpu.memory_space<hbm>>) target(%arg8 : memref<40x128xf32, #tpu.memory_space<vmem>>) offsets(%dma_start3A_210 : memref<40xi32, #tpu.memory_space<vmem>>) semaphore(%arg14 : memref<!tpu.dma_semaphore, #tpu.memory_space<semaphore_mem>>)
      %dma_wait3A_214 = arith.constant 0 : i32
      %dma_wait3A_215 = tpu.memref_slice %arg7[%dma_wait3A_214] : memref<10000xi32, #tpu.memory_space<vmem>> -> memref<40xi32, #tpu.memory_space<vmem>>
      %dma_wait3A_216 = arith.constant 0 : i32
      %dma_wait3A_217 = arith.constant 0 : i32
      %dma_wait3A_218 = tpu.memref_slice %arg13[%dma_wait3A_216, %dma_wait3A_217] : memref<10000x128xf32, #tpu.memory_space<vmem_shared>> -> memref<10000x128xf32, #tpu.memory_space<vmem_shared>>
      tpu.wait_indirect_dma semaphore(%arg20 : memref<!tpu.dma_semaphore, #tpu.memory_space<semaphore_mem>>) src(%arg9 : memref<40x128xf32, #tpu.memory_space<vmem>>) dst(%dma_wait3A_218 : memref<10000x128xf32, #tpu.memory_space<vmem_shared>>)
      %add3A_219 = arith.constant 5 : i32
      %add3A_220 = arith.addi %mul3A_133, %add3A_219 : i32
      %add3A_221 = arith.constant 1 : i32
      %add3A_222 = arith.addi %add3A_220, %add3A_221 : i32
      %mul3A_223 = arith.constant 40 : i32
      %mul3A_224 = arith.muli %add3A_222, %mul3A_223 : i32
      %dma_start3A_225 = tpu.memref_slice %arg6[%mul3A_224] : memref<10000xi32, #tpu.memory_space<vmem>> -> memref<40xi32, #tpu.memory_space<vmem>>
      %dma_start3A_226 = arith.constant 0 : i32
      %dma_start3A_227 = arith.constant 0 : i32
      %dma_start3A_228 = tpu.memref_slice %arg2[%dma_start3A_226, %dma_start3A_227] : memref<10000x128xf32, #tpu.memory_space<hbm>> -> memref<10000x128xf32, #tpu.memory_space<hbm>>
      tpu.enqueue_indirect_dma source(%dma_start3A_228 : memref<10000x128xf32, #tpu.memory_space<hbm>>) target(%arg9 : memref<40x128xf32, #tpu.memory_space<vmem>>) offsets(%dma_start3A_225 : memref<40xi32, #tpu.memory_space<vmem>>) semaphore(%arg15 : memref<!tpu.dma_semaphore, #tpu.memory_space<semaphore_mem>>)
      %dma_wait3A_229 = arith.constant 0 : i32
      %dma_wait3A_230 = tpu.memref_slice %arg7[%dma_wait3A_229] : memref<10000xi32, #tpu.memory_space<vmem>> -> memref<40xi32, #tpu.memory_space<vmem>>
      %dma_wait3A_231 = arith.constant 0 : i32
      %dma_wait3A_232 = arith.constant 0 : i32
      %dma_wait3A_233 = tpu.memref_slice %arg13[%dma_wait3A_231, %dma_wait3A_232] : memref<10000x128xf32, #tpu.memory_space<vmem_shared>> -> memref<10000x128xf32, #tpu.memory_space<vmem_shared>>
      tpu.wait_indirect_dma semaphore(%arg21 : memref<!tpu.dma_semaphore, #tpu.memory_space<semaphore_mem>>) src(%arg10 : memref<40x128xf32, #tpu.memory_space<vmem>>) dst(%dma_wait3A_233 : memref<10000x128xf32, #tpu.memory_space<vmem_shared>>)
      %add3A_234 = arith.constant 5 : i32
      %add3A_235 = arith.addi %mul3A_133, %add3A_234 : i32
      %add3A_236 = arith.constant 2 : i32
      %add3A_237 = arith.addi %add3A_235, %add3A_236 : i32
      %mul3A_238 = arith.constant 40 : i32
      %mul3A_239 = arith.muli %add3A_237, %mul3A_238 : i32
      %dma_start3A_240 = tpu.memref_slice %arg6[%mul3A_239] : memref<10000xi32, #tpu.memory_space<vmem>> -> memref<40xi32, #tpu.memory_space<vmem>>
      %dma_start3A_241 = arith.constant 0 : i32
      %dma_start3A_242 = arith.constant 0 : i32
      %dma_start3A_243 = tpu.memref_slice %arg2[%dma_start3A_241, %dma_start3A_242] : memref<10000x128xf32, #tpu.memory_space<hbm>> -> memref<10000x128xf32, #tpu.memory_space<hbm>>
      tpu.enqueue_indirect_dma source(%dma_start3A_243 : memref<10000x128xf32, #tpu.memory_space<hbm>>) target(%arg10 : memref<40x128xf32, #tpu.memory_space<vmem>>) offsets(%dma_start3A_240 : memref<40xi32, #tpu.memory_space<vmem>>) semaphore(%arg16 : memref<!tpu.dma_semaphore, #tpu.memory_space<semaphore_mem>>)
      %dma_wait3A_244 = arith.constant 0 : i32
      %dma_wait3A_245 = tpu.memref_slice %arg7[%dma_wait3A_244] : memref<10000xi32, #tpu.memory_space<vmem>> -> memref<40xi32, #tpu.memory_space<vmem>>
      %dma_wait3A_246 = arith.constant 0 : i32
      %dma_wait3A_247 = arith.constant 0 : i32
      %dma_wait3A_248 = tpu.memref_slice %arg13[%dma_wait3A_246, %dma_wait3A_247] : memref<10000x128xf32, #tpu.memory_space<vmem_shared>> -> memref<10000x128xf32, #tpu.memory_space<vmem_shared>>
      tpu.wait_indirect_dma semaphore(%arg22 : memref<!tpu.dma_semaphore, #tpu.memory_space<semaphore_mem>>) src(%arg11 : memref<40x128xf32, #tpu.memory_space<vmem>>) dst(%dma_wait3A_248 : memref<10000x128xf32, #tpu.memory_space<vmem_shared>>)
      %add3A_249 = arith.constant 5 : i32
      %add3A_250 = arith.addi %mul3A_133, %add3A_249 : i32
      %add3A_251 = arith.constant 3 : i32
      %add3A_252 = arith.addi %add3A_250, %add3A_251 : i32
      %mul3A_253 = arith.constant 40 : i32
      %mul3A_254 = arith.muli %add3A_252, %mul3A_253 : i32
      %dma_start3A_255 = tpu.memref_slice %arg6[%mul3A_254] : memref<10000xi32, #tpu.memory_space<vmem>> -> memref<40xi32, #tpu.memory_space<vmem>>
      %dma_start3A_256 = arith.constant 0 : i32
      %dma_start3A_257 = arith.constant 0 : i32
      %dma_start3A_258 = tpu.memref_slice %arg2[%dma_start3A_256, %dma_start3A_257] : memref<10000x128xf32, #tpu.memory_space<hbm>> -> memref<10000x128xf32, #tpu.memory_space<hbm>>
      tpu.enqueue_indirect_dma source(%dma_start3A_258 : memref<10000x128xf32, #tpu.memory_space<hbm>>) target(%arg11 : memref<40x128xf32, #tpu.memory_space<vmem>>) offsets(%dma_start3A_255 : memref<40xi32, #tpu.memory_space<vmem>>) semaphore(%arg17 : memref<!tpu.dma_semaphore, #tpu.memory_space<semaphore_mem>>)
      %dma_wait3A_259 = arith.constant 0 : i32
      %dma_wait3A_260 = tpu.memref_slice %arg7[%dma_wait3A_259] : memref<10000xi32, #tpu.memory_space<vmem>> -> memref<40xi32, #tpu.memory_space<vmem>>
      %dma_wait3A_261 = arith.constant 0 : i32
      %dma_wait3A_262 = arith.constant 0 : i32
      %dma_wait3A_263 = tpu.memref_slice %arg13[%dma_wait3A_261, %dma_wait3A_262] : memref<10000x128xf32, #tpu.memory_space<vmem_shared>> -> memref<10000x128xf32, #tpu.memory_space<vmem_shared>>
      tpu.wait_indirect_dma semaphore(%arg23 : memref<!tpu.dma_semaphore, #tpu.memory_space<semaphore_mem>>) src(%arg12 : memref<40x128xf32, #tpu.memory_space<vmem>>) dst(%dma_wait3A_263 : memref<10000x128xf32, #tpu.memory_space<vmem_shared>>)
      %add3A_264 = arith.constant 5 : i32
      %add3A_265 = arith.addi %mul3A_133, %add3A_264 : i32
      %add3A_266 = arith.constant 4 : i32
      %add3A_267 = arith.addi %add3A_265, %add3A_266 : i32
      %mul3A_268 = arith.constant 40 : i32
      %mul3A_269 = arith.muli %add3A_267, %mul3A_268 : i32
      %dma_start3A_270 = tpu.memref_slice %arg6[%mul3A_269] : memref<10000xi32, #tpu.memory_space<vmem>> -> memref<40xi32, #tpu.memory_space<vmem>>
      %dma_start3A_271 = arith.constant 0 : i32
      %dma_start3A_272 = arith.constant 0 : i32
      %dma_start3A_273 = tpu.memref_slice %arg2[%dma_start3A_271, %dma_start3A_272] : memref<10000x128xf32, #tpu.memory_space<hbm>> -> memref<10000x128xf32, #tpu.memory_space<hbm>>
      tpu.enqueue_indirect_dma source(%dma_start3A_273 : memref<10000x128xf32, #tpu.memory_space<hbm>>) target(%arg12 : memref<40x128xf32, #tpu.memory_space<vmem>>) offsets(%dma_start3A_270 : memref<40xi32, #tpu.memory_space<vmem>>) semaphore(%arg18 : memref<!tpu.dma_semaphore, #tpu.memory_space<semaphore_mem>>)
      %scan3A_274 = arith.constant 0 : i32
      scf.yield %scan3A_274 : i32
    }
    %scan3A_48 = arith.constant 49 : i32
    %dma_wait3A_49 = arith.constant 0 : i32
    %dma_wait3A_50 = tpu.memref_slice %arg6[%dma_wait3A_49] : memref<10000xi32, #tpu.memory_space<vmem>> -> memref<40xi32, #tpu.memory_space<vmem>>
    %dma_wait3A_51 = arith.constant 0 : i32
    %dma_wait3A_52 = arith.constant 0 : i32
    %dma_wait3A_53 = tpu.memref_slice %arg2[%dma_wait3A_51, %dma_wait3A_52] : memref<10000x128xf32, #tpu.memory_space<hbm>> -> memref<10000x128xf32, #tpu.memory_space<hbm>>
    tpu.wait_indirect_dma semaphore(%arg14 : memref<!tpu.dma_semaphore, #tpu.memory_space<semaphore_mem>>) src(%dma_wait3A_53 : memref<10000x128xf32, #tpu.memory_space<hbm>>) dst(%arg8 : memref<40x128xf32, #tpu.memory_space<vmem>>)
    %dma_start3A_54 = arith.constant 9800 : i32
    %dma_start3A_55 = tpu.memref_slice %arg7[%dma_start3A_54] : memref<10000xi32, #tpu.memory_space<vmem>> -> memref<40xi32, #tpu.memory_space<vmem>>
    %dma_start3A_56 = arith.constant 0 : i32
    %dma_start3A_57 = arith.constant 0 : i32
    %dma_start3A_58 = tpu.memref_slice %arg13[%dma_start3A_56, %dma_start3A_57] : memref<10000x128xf32, #tpu.memory_space<vmem_shared>> -> memref<10000x128xf32, #tpu.memory_space<vmem_shared>>
    tpu.enqueue_indirect_dma source(%arg8 : memref<40x128xf32, #tpu.memory_space<vmem>>) target(%dma_start3A_58 : memref<10000x128xf32, #tpu.memory_space<vmem_shared>>) offsets(%dma_start3A_55 : memref<40xi32, #tpu.memory_space<vmem>>) semaphore(%arg19 : memref<!tpu.dma_semaphore, #tpu.memory_space<semaphore_mem>>) {add = true}
    %dma_wait3A_59 = arith.constant 0 : i32
    %dma_wait3A_60 = tpu.memref_slice %arg6[%dma_wait3A_59] : memref<10000xi32, #tpu.memory_space<vmem>> -> memref<40xi32, #tpu.memory_space<vmem>>
    %dma_wait3A_61 = arith.constant 0 : i32
    %dma_wait3A_62 = arith.constant 0 : i32
    %dma_wait3A_63 = tpu.memref_slice %arg2[%dma_wait3A_61, %dma_wait3A_62] : memref<10000x128xf32, #tpu.memory_space<hbm>> -> memref<10000x128xf32, #tpu.memory_space<hbm>>
    tpu.wait_indirect_dma semaphore(%arg15 : memref<!tpu.dma_semaphore, #tpu.memory_space<semaphore_mem>>) src(%dma_wait3A_63 : memref<10000x128xf32, #tpu.memory_space<hbm>>) dst(%arg9 : memref<40x128xf32, #tpu.memory_space<vmem>>)
    %dma_start3A_64 = arith.constant 9840 : i32
    %dma_start3A_65 = tpu.memref_slice %arg7[%dma_start3A_64] : memref<10000xi32, #tpu.memory_space<vmem>> -> memref<40xi32, #tpu.memory_space<vmem>>
    %dma_start3A_66 = arith.constant 0 : i32
    %dma_start3A_67 = arith.constant 0 : i32
    %dma_start3A_68 = tpu.memref_slice %arg13[%dma_start3A_66, %dma_start3A_67] : memref<10000x128xf32, #tpu.memory_space<vmem_shared>> -> memref<10000x128xf32, #tpu.memory_space<vmem_shared>>
    tpu.enqueue_indirect_dma source(%arg9 : memref<40x128xf32, #tpu.memory_space<vmem>>) target(%dma_start3A_68 : memref<10000x128xf32, #tpu.memory_space<vmem_shared>>) offsets(%dma_start3A_65 : memref<40xi32, #tpu.memory_space<vmem>>) semaphore(%arg20 : memref<!tpu.dma_semaphore, #tpu.memory_space<semaphore_mem>>) {add = true}
    %dma_wait3A_69 = arith.constant 0 : i32
    %dma_wait3A_70 = tpu.memref_slice %arg6[%dma_wait3A_69] : memref<10000xi32, #tpu.memory_space<vmem>> -> memref<40xi32, #tpu.memory_space<vmem>>
    %dma_wait3A_71 = arith.constant 0 : i32
    %dma_wait3A_72 = arith.constant 0 : i32
    %dma_wait3A_73 = tpu.memref_slice %arg2[%dma_wait3A_71, %dma_wait3A_72] : memref<10000x128xf32, #tpu.memory_space<hbm>> -> memref<10000x128xf32, #tpu.memory_space<hbm>>
    tpu.wait_indirect_dma semaphore(%arg16 : memref<!tpu.dma_semaphore, #tpu.memory_space<semaphore_mem>>) src(%dma_wait3A_73 : memref<10000x128xf32, #tpu.memory_space<hbm>>) dst(%arg10 : memref<40x128xf32, #tpu.memory_space<vmem>>)
    %dma_start3A_74 = arith.constant 9880 : i32
    %dma_start3A_75 = tpu.memref_slice %arg7[%dma_start3A_74] : memref<10000xi32, #tpu.memory_space<vmem>> -> memref<40xi32, #tpu.memory_space<vmem>>
    %dma_start3A_76 = arith.constant 0 : i32
    %dma_start3A_77 = arith.constant 0 : i32
    %dma_start3A_78 = tpu.memref_slice %arg13[%dma_start3A_76, %dma_start3A_77] : memref<10000x128xf32, #tpu.memory_space<vmem_shared>> -> memref<10000x128xf32, #tpu.memory_space<vmem_shared>>
    tpu.enqueue_indirect_dma source(%arg10 : memref<40x128xf32, #tpu.memory_space<vmem>>) target(%dma_start3A_78 : memref<10000x128xf32, #tpu.memory_space<vmem_shared>>) offsets(%dma_start3A_75 : memref<40xi32, #tpu.memory_space<vmem>>) semaphore(%arg21 : memref<!tpu.dma_semaphore, #tpu.memory_space<semaphore_mem>>) {add = true}
    %dma_wait3A_79 = arith.constant 0 : i32
    %dma_wait3A_80 = tpu.memref_slice %arg6[%dma_wait3A_79] : memref<10000xi32, #tpu.memory_space<vmem>> -> memref<40xi32, #tpu.memory_space<vmem>>
    %dma_wait3A_81 = arith.constant 0 : i32
    %dma_wait3A_82 = arith.constant 0 : i32
    %dma_wait3A_83 = tpu.memref_slice %arg2[%dma_wait3A_81, %dma_wait3A_82] : memref<10000x128xf32, #tpu.memory_space<hbm>> -> memref<10000x128xf32, #tpu.memory_space<hbm>>
    tpu.wait_indirect_dma semaphore(%arg17 : memref<!tpu.dma_semaphore, #tpu.memory_space<semaphore_mem>>) src(%dma_wait3A_83 : memref<10000x128xf32, #tpu.memory_space<hbm>>) dst(%arg11 : memref<40x128xf32, #tpu.memory_space<vmem>>)
    %dma_start3A_84 = arith.constant 9920 : i32
    %dma_start3A_85 = tpu.memref_slice %arg7[%dma_start3A_84] : memref<10000xi32, #tpu.memory_space<vmem>> -> memref<40xi32, #tpu.memory_space<vmem>>
    %dma_start3A_86 = arith.constant 0 : i32
    %dma_start3A_87 = arith.constant 0 : i32
    %dma_start3A_88 = tpu.memref_slice %arg13[%dma_start3A_86, %dma_start3A_87] : memref<10000x128xf32, #tpu.memory_space<vmem_shared>> -> memref<10000x128xf32, #tpu.memory_space<vmem_shared>>
    tpu.enqueue_indirect_dma source(%arg11 : memref<40x128xf32, #tpu.memory_space<vmem>>) target(%dma_start3A_88 : memref<10000x128xf32, #tpu.memory_space<vmem_shared>>) offsets(%dma_start3A_85 : memref<40xi32, #tpu.memory_space<vmem>>) semaphore(%arg22 : memref<!tpu.dma_semaphore, #tpu.memory_space<semaphore_mem>>) {add = true}
    %dma_wait3A_89 = arith.constant 0 : i32
    %dma_wait3A_90 = tpu.memref_slice %arg6[%dma_wait3A_89] : memref<10000xi32, #tpu.memory_space<vmem>> -> memref<40xi32, #tpu.memory_space<vmem>>
    %dma_wait3A_91 = arith.constant 0 : i32
    %dma_wait3A_92 = arith.constant 0 : i32
    %dma_wait3A_93 = tpu.memref_slice %arg2[%dma_wait3A_91, %dma_wait3A_92] : memref<10000x128xf32, #tpu.memory_space<hbm>> -> memref<10000x128xf32, #tpu.memory_space<hbm>>
    tpu.wait_indirect_dma semaphore(%arg18 : memref<!tpu.dma_semaphore, #tpu.memory_space<semaphore_mem>>) src(%dma_wait3A_93 : memref<10000x128xf32, #tpu.memory_space<hbm>>) dst(%arg12 : memref<40x128xf32, #tpu.memory_space<vmem>>)
    %dma_start3A_94 = arith.constant 9960 : i32
    %dma_start3A_95 = tpu.memref_slice %arg7[%dma_start3A_94] : memref<10000xi32, #tpu.memory_space<vmem>> -> memref<40xi32, #tpu.memory_space<vmem>>
    %dma_start3A_96 = arith.constant 0 : i32
    %dma_start3A_97 = arith.constant 0 : i32
    %dma_start3A_98 = tpu.memref_slice %arg13[%dma_start3A_96, %dma_start3A_97] : memref<10000x128xf32, #tpu.memory_space<vmem_shared>> -> memref<10000x128xf32, #tpu.memory_space<vmem_shared>>
    tpu.enqueue_indirect_dma source(%arg12 : memref<40x128xf32, #tpu.memory_space<vmem>>) target(%dma_start3A_98 : memref<10000x128xf32, #tpu.memory_space<vmem_shared>>) offsets(%dma_start3A_95 : memref<40xi32, #tpu.memory_space<vmem>>) semaphore(%arg23 : memref<!tpu.dma_semaphore, #tpu.memory_space<semaphore_mem>>) {add = true}
    %dma_wait3A_99 = arith.constant 0 : i32
    %dma_wait3A_100 = tpu.memref_slice %arg7[%dma_wait3A_99] : memref<10000xi32, #tpu.memory_space<vmem>> -> memref<40xi32, #tpu.memory_space<vmem>>
    %dma_wait3A_101 = arith.constant 0 : i32
    %dma_wait3A_102 = arith.constant 0 : i32
    %dma_wait3A_103 = tpu.memref_slice %arg13[%dma_wait3A_101, %dma_wait3A_102] : memref<10000x128xf32, #tpu.memory_space<vmem_shared>> -> memref<10000x128xf32, #tpu.memory_space<vmem_shared>>
    tpu.wait_indirect_dma semaphore(%arg19 : memref<!tpu.dma_semaphore, #tpu.memory_space<semaphore_mem>>) src(%arg8 : memref<40x128xf32, #tpu.memory_space<vmem>>) dst(%dma_wait3A_103 : memref<10000x128xf32, #tpu.memory_space<vmem_shared>>)
    %dma_wait3A_104 = arith.constant 0 : i32
    %dma_wait3A_105 = tpu.memref_slice %arg7[%dma_wait3A_104] : memref<10000xi32, #tpu.memory_space<vmem>> -> memref<40xi32, #tpu.memory_space<vmem>>
    %dma_wait3A_106 = arith.constant 0 : i32
    %dma_wait3A_107 = arith.constant 0 : i32
    %dma_wait3A_108 = tpu.memref_slice %arg13[%dma_wait3A_106, %dma_wait3A_107] : memref<10000x128xf32, #tpu.memory_space<vmem_shared>> -> memref<10000x128xf32, #tpu.memory_space<vmem_shared>>
    tpu.wait_indirect_dma semaphore(%arg20 : memref<!tpu.dma_semaphore, #tpu.memory_space<semaphore_mem>>) src(%arg9 : memref<40x128xf32, #tpu.memory_space<vmem>>) dst(%dma_wait3A_108 : memref<10000x128xf32, #tpu.memory_space<vmem_shared>>)
    %dma_wait3A_109 = arith.constant 0 : i32
    %dma_wait3A_110 = tpu.memref_slice %arg7[%dma_wait3A_109] : memref<10000xi32, #tpu.memory_space<vmem>> -> memref<40xi32, #tpu.memory_space<vmem>>
    %dma_wait3A_111 = arith.constant 0 : i32
    %dma_wait3A_112 = arith.constant 0 : i32
    %dma_wait3A_113 = tpu.memref_slice %arg13[%dma_wait3A_111, %dma_wait3A_112] : memref<10000x128xf32, #tpu.memory_space<vmem_shared>> -> memref<10000x128xf32, #tpu.memory_space<vmem_shared>>
    tpu.wait_indirect_dma semaphore(%arg21 : memref<!tpu.dma_semaphore, #tpu.memory_space<semaphore_mem>>) src(%arg10 : memref<40x128xf32, #tpu.memory_space<vmem>>) dst(%dma_wait3A_113 : memref<10000x128xf32, #tpu.memory_space<vmem_shared>>)
    %dma_wait3A_114 = arith.constant 0 : i32
    %dma_wait3A_115 = tpu.memref_slice %arg7[%dma_wait3A_114] : memref<10000xi32, #tpu.memory_space<vmem>> -> memref<40xi32, #tpu.memory_space<vmem>>
    %dma_wait3A_116 = arith.constant 0 : i32
    %dma_wait3A_117 = arith.constant 0 : i32
    %dma_wait3A_118 = tpu.memref_slice %arg13[%dma_wait3A_116, %dma_wait3A_117] : memref<10000x128xf32, #tpu.memory_space<vmem_shared>> -> memref<10000x128xf32, #tpu.memory_space<vmem_shared>>
    tpu.wait_indirect_dma semaphore(%arg22 : memref<!tpu.dma_semaphore, #tpu.memory_space<semaphore_mem>>) src(%arg11 : memref<40x128xf32, #tpu.memory_space<vmem>>) dst(%dma_wait3A_118 : memref<10000x128xf32, #tpu.memory_space<vmem_shared>>)
    %dma_wait3A_119 = arith.constant 0 : i32
    %dma_wait3A_120 = tpu.memref_slice %arg7[%dma_wait3A_119] : memref<10000xi32, #tpu.memory_space<vmem>> -> memref<40xi32, #tpu.memory_space<vmem>>
    %dma_wait3A_121 = arith.constant 0 : i32
    %dma_wait3A_122 = arith.constant 0 : i32
    %dma_wait3A_123 = tpu.memref_slice %arg13[%dma_wait3A_121, %dma_wait3A_122] : memref<10000x128xf32, #tpu.memory_space<vmem_shared>> -> memref<10000x128xf32, #tpu.memory_space<vmem_shared>>
    tpu.wait_indirect_dma semaphore(%arg23 : memref<!tpu.dma_semaphore, #tpu.memory_space<semaphore_mem>>) src(%arg12 : memref<40x128xf32, #tpu.memory_space<vmem>>) dst(%dma_wait3A_123 : memref<10000x128xf32, #tpu.memory_space<vmem_shared>>)
    %barrier3A_124 = arith.constant 0 : index
    tpu.barrier barrier_id(%barrier3A_124)
    %lt3A_125 = arith.constant 10 : i32
    %lt3A_126 = arith.cmpi slt, %arg1, %lt3A_125 : i32
    %convert_element_type3A_127 = arith.extui %lt3A_126 : i1 to i32
    %cond3A_128 = arith.constant 0 : i32
    %cond3A_129 = arith.cmpi ne, %convert_element_type3A_127, %cond3A_128 : i32
    scf.if %cond3A_129 {
      %mul3A_130 = arith.constant 1000 : i32
      %mul3A_131 = arith.muli %arg1, %mul3A_130 : i32
      %mul3A_132 = arith.constant 1000 : i32
      %mul3A_133 = arith.muli %arg1, %mul3A_132 : i32
      "tpu.region"() ({
        %run_scoped3A = tpu.sem_alloc : memref<!tpu.dma_semaphore, #tpu.memory_space<semaphore_mem>>
        %dma_start3A_134 = arith.constant 0 : i32
        %dma_start3A_135 = tpu.memref_slice %arg5[%arg0, %mul3A_133, %dma_start3A_134] : memref<2x10000x128xf32, #tpu.memory_space<hbm>> -> memref<1x1000x128xf32, #tpu.memory_space<hbm>>
        %dma_start3A_136 = tpu.memref_squeeze %dma_start3A_135 : memref<1x1000x128xf32, #tpu.memory_space<hbm>> -> memref<1000x128xf32, #tpu.memory_space<hbm>>
        %dma_start3A_137 = arith.constant 0 : i32
        %dma_start3A_138 = tpu.memref_slice %arg13[%mul3A_131, %dma_start3A_137] : memref<10000x128xf32, #tpu.memory_space<vmem_shared>> -> memref<1000x128xf32, #tpu.memory_space<vmem_shared>>
        tpu.enqueue_dma source(%dma_start3A_138 : memref<1000x128xf32, #tpu.memory_space<vmem_shared>>) target(%dma_start3A_136 : memref<1000x128xf32, #tpu.memory_space<hbm>>) target_semaphore(%run_scoped3A : memref<!tpu.dma_semaphore, #tpu.memory_space<semaphore_mem>>)
        %dma_wait3A_139 = arith.constant 0 : i32
        %dma_wait3A_140 = tpu.memref_slice %arg5[%arg0, %mul3A_133, %dma_wait3A_139] : memref<2x10000x128xf32, #tpu.memory_space<hbm>> -> memref<1x1000x128xf32, #tpu.memory_space<hbm>>
        %dma_wait3A_141 = tpu.memref_squeeze %dma_wait3A_140 : memref<1x1000x128xf32, #tpu.memory_space<hbm>> -> memref<1000x128xf32, #tpu.memory_space<hbm>>
        %dma_wait3A_142 = arith.constant 0 : i32
        %dma_wait3A_143 = tpu.memref_slice %arg13[%mul3A_131, %dma_wait3A_142] : memref<10000x128xf32, #tpu.memory_space<vmem_shared>> -> memref<1000x128xf32, #tpu.memory_space<vmem_shared>>
        tpu.wait_dma2 semaphore(%run_scoped3A : memref<!tpu.dma_semaphore, #tpu.memory_space<semaphore_mem>>) src(%dma_wait3A_143 : memref<1000x128xf32, #tpu.memory_space<vmem_shared>>) dst(%dma_wait3A_141 : memref<1000x128xf32, #tpu.memory_space<hbm>>)
        tpu.yield
      }) : () -> ()
    } else {
    }
    return
  }
}

module attributes {stable_mosaic.version = 14 : i64} {
  func.func @_tc1_body(%arg0: i32, %arg1: memref<2000x128xf32, #tpu.memory_space<vmem>>, %arg2: memref<128x128xf32, #tpu.memory_space<vmem>>, %arg3: memref<2x2000x1xf32, #tpu.memory_space<vmem>>, %arg4: memref<2000x128xf32, #tpu.memory_space<vmem>>, %arg5: memref<2000x1xf32, #tpu.memory_space<vmem>>) attributes {dimension_semantics = [#tpu.dimension_semantics<arbitrary>], iteration_bounds = array<i64: 5>, scalar_prefetch = 0 : i64, scratch_operands = 0 : i64, tpu.core_type = #tpu.core_type<tc>, window_params = [{transform_indices = @transform_0, window_bounds = array<i64: 2000, 128>}, {pipeline_mode = #tpu.pipeline_mode<synchronous>, transform_indices = @transform_1, window_bounds = array<i64: 128, 128>}, {transform_indices = @transform_2, window_bounds = array<i64: 2, 2000, 1>}, {transform_indices = @transform_3, window_bounds = array<i64: 2000, 128>}, {transform_indices = @transform_4, window_bounds = array<i64: 2000, 1>}]} {
    %get3A = arith.constant 0 : index
    %get3A_0 = arith.constant 0 : index
    %get3A_1 = arith.constant 0 : index
    %get3A_2 = vector.load %arg3[%get3A, %get3A_0, %get3A_1] : memref<2x2000x1xf32, #tpu.memory_space<vmem>>, vector<2x2000x1xf32>
    %reduce_sum3A = arith.constant dense<0.000000e+00> : vector<2000x1xf32>
    %reduce_sum3A_3 = vector.multi_reduction <add>, %get3A_2, %reduce_sum3A [0] : vector<2x2000x1xf32> to vector<2000x1xf32>
    %max3A = arith.constant 1.000000e+00 : f32
    %max3A_4 = vector.broadcast %max3A : f32 to vector<2000x1xf32>
    %max3A_5 = arith.maximumf %reduce_sum3A_3, %max3A_4 : vector<2000x1xf32>
    %rsqrt3A = math.rsqrt %max3A_5 : vector<2000x1xf32>
    %get3A_6 = arith.constant 0 : index
    %get3A_7 = arith.constant 0 : index
    %get3A_8 = vector.load %arg1[%get3A_6, %get3A_7] : memref<2000x128xf32, #tpu.memory_space<vmem>>, vector<2000x128xf32>
    %get3A_9 = arith.constant 0 : index
    %get3A_10 = arith.constant 0 : index
    %get3A_11 = vector.load %arg2[%get3A_9, %get3A_10] : memref<128x128xf32, #tpu.memory_space<vmem>>, vector<128x128xf32>
    %dot_general3A = arith.constant dense<0.000000e+00> : vector<2000x128xf32>
    %dot_general3A_12 = tpu.matmul %get3A_8, %get3A_11, %dot_general3A {dimension_numbers = #tpu.dot_dimension_numbers<[1], [0], [0], [1], [0, 0, 1, 1], [], []>, transpose_lhs_hint = false} : vector<2000x128xf32>, vector<128x128xf32>, vector<2000x128xf32> -> vector<2000x128xf32>
    %mul3A = vector.broadcast %rsqrt3A : vector<2000x1xf32> to vector<2000x128xf32>
    %mul3A_13 = arith.mulf %dot_general3A_12, %mul3A : vector<2000x128xf32>
    %swap3A = arith.constant 0 : index
    %swap3A_14 = arith.constant 0 : index
    %swap3A_15 = vector.load %arg4[%swap3A, %swap3A_14] : memref<2000x128xf32, #tpu.memory_space<vmem>>, vector<2000x128xf32>
    tpu.vector_store %arg4[%swap3A, %swap3A_14], %mul3A_13 {strides = array<i32>} : memref<2000x128xf32, #tpu.memory_space<vmem>>, vector<2000x128xf32>,
    %swap3A_16 = arith.constant 0 : index
    %swap3A_17 = arith.constant 0 : index
    %swap3A_18 = vector.load %arg5[%swap3A_16, %swap3A_17] : memref<2000x1xf32, #tpu.memory_space<vmem>>, vector<2000x1xf32>
    tpu.vector_store %arg5[%swap3A_16, %swap3A_17], %rsqrt3A {strides = array<i32>} : memref<2000x1xf32, #tpu.memory_space<vmem>>, vector<2000x1xf32>,
    return
  }
  func.func @transform_0(%arg0: i32) -> (i32, i32) {
    %c0_i32 = arith.constant 0 : i32
    %c0_i32_0 = arith.constant 0 : i32
    return %arg0, %c0_i32 : i32, i32
  }
  func.func @transform_1(%arg0: i32) -> (i32, i32) {
    %c0_i32 = arith.constant 0 : i32
    %c0_i32_0 = arith.constant 0 : i32
    %c0_i32_1 = arith.constant 0 : i32
    return %c0_i32, %c0_i32_0 : i32, i32
  }
  func.func @transform_2(%arg0: i32) -> (i32, i32, i32) {
    %c0_i32 = arith.constant 0 : i32
    %c0_i32_0 = arith.constant 0 : i32
    %c0_i32_1 = arith.constant 0 : i32
    return %c0_i32, %arg0, %c0_i32_0 : i32, i32, i32
  }
  func.func @transform_3(%arg0: i32) -> (i32, i32) {
    %c0_i32 = arith.constant 0 : i32
    %c0_i32_0 = arith.constant 0 : i32
    return %arg0, %c0_i32 : i32, i32
  }
  func.func @transform_4(%arg0: i32) -> (i32, i32) {
    %c0_i32 = arith.constant 0 : i32
    %c0_i32_0 = arith.constant 0 : i32
    return %arg0, %c0_i32 : i32, i32
  }
}

module attributes {stable_mosaic.version = 14 : i64} {
  func.func @_tc2_body(%arg0: i32, %arg1: memref<2000x128xf32, #tpu.memory_space<vmem>>, %arg2: memref<2000x128xf32, #tpu.memory_space<vmem>>, %arg3: memref<2000x1xf32, #tpu.memory_space<vmem>>, %arg4: memref<1x128xf32, #tpu.memory_space<vmem>>, %arg5: memref<128x128xf32, #tpu.memory_space<vmem>>, %arg6: memref<2000x128xf32, #tpu.memory_space<vmem>>) attributes {dimension_semantics = [#tpu.dimension_semantics<arbitrary>], iteration_bounds = array<i64: 5>, scalar_prefetch = 0 : i64, scratch_operands = 0 : i64, tpu.core_type = #tpu.core_type<tc>, window_params = [{transform_indices = @transform_0, window_bounds = array<i64: 2000, 128>}, {transform_indices = @transform_1, window_bounds = array<i64: 2000, 128>}, {transform_indices = @transform_2, window_bounds = array<i64: 2000, 1>}, {pipeline_mode = #tpu.pipeline_mode<synchronous>, transform_indices = @transform_3, window_bounds = array<i64: 1, 128>}, {pipeline_mode = #tpu.pipeline_mode<synchronous>, transform_indices = @transform_4, window_bounds = array<i64: 128, 128>}, {transform_indices = @transform_5, window_bounds = array<i64: 2000, 128>}]} {
    %get3A = arith.constant 0 : index
    %get3A_0 = arith.constant 0 : index
    %get3A_1 = vector.load %arg3[%get3A, %get3A_0] : memref<2000x1xf32, #tpu.memory_space<vmem>>, vector<2000x1xf32>
    %get3A_2 = arith.constant 0 : index
    %get3A_3 = arith.constant 0 : index
    %get3A_4 = vector.load %arg1[%get3A_2, %get3A_3] : memref<2000x128xf32, #tpu.memory_space<vmem>>, vector<2000x128xf32>
    %get3A_5 = arith.constant 0 : index
    %get3A_6 = arith.constant 0 : index
    %get3A_7 = vector.load %arg2[%get3A_5, %get3A_6] : memref<2000x128xf32, #tpu.memory_space<vmem>>, vector<2000x128xf32>
    %add3A = arith.addf %get3A_4, %get3A_7 : vector<2000x128xf32>
    %mul3A = vector.broadcast %get3A_1 : vector<2000x1xf32> to vector<2000x128xf32>
    %mul3A_8 = arith.mulf %add3A, %mul3A : vector<2000x128xf32>
    %get3A_9 = arith.constant 0 : index
    %get3A_10 = arith.constant 0 : index
    %get3A_11 = vector.load %arg4[%get3A_9, %get3A_10] : memref<1x128xf32, #tpu.memory_space<vmem>>, vector<1x128xf32>
    %add3A_12 = vector.broadcast %get3A_11 : vector<1x128xf32> to vector<2000x128xf32>
    %add3A_13 = arith.addf %mul3A_8, %add3A_12 : vector<2000x128xf32>
    %max3A = arith.constant 0.000000e+00 : f32
    %max3A_14 = vector.broadcast %max3A : f32 to vector<2000x128xf32>
    %max3A_15 = arith.maximumf %add3A_13, %max3A_14 : vector<2000x128xf32>
    %get3A_16 = arith.constant 0 : index
    %get3A_17 = arith.constant 0 : index
    %get3A_18 = vector.load %arg5[%get3A_16, %get3A_17] : memref<128x128xf32, #tpu.memory_space<vmem>>, vector<128x128xf32>
    %dot_general3A = arith.constant dense<0.000000e+00> : vector<2000x128xf32>
    %dot_general3A_19 = tpu.matmul %max3A_15, %get3A_18, %dot_general3A {dimension_numbers = #tpu.dot_dimension_numbers<[1], [0], [0], [1], [0, 0, 1, 1], [], []>, transpose_lhs_hint = false} : vector<2000x128xf32>, vector<128x128xf32>, vector<2000x128xf32> -> vector<2000x128xf32>
    %mul3A_20 = vector.broadcast %get3A_1 : vector<2000x1xf32> to vector<2000x128xf32>
    %mul3A_21 = arith.mulf %dot_general3A_19, %mul3A_20 : vector<2000x128xf32>
    %swap3A = arith.constant 0 : index
    %swap3A_22 = arith.constant 0 : index
    %swap3A_23 = vector.load %arg6[%swap3A, %swap3A_22] : memref<2000x128xf32, #tpu.memory_space<vmem>>, vector<2000x128xf32>
    tpu.vector_store %arg6[%swap3A, %swap3A_22], %mul3A_21 {strides = array<i32>} : memref<2000x128xf32, #tpu.memory_space<vmem>>, vector<2000x128xf32>,
    return
  }
  func.func @transform_0(%arg0: i32) -> (i32, i32) {
    %c0_i32 = arith.constant 0 : i32
    %c0_i32_0 = arith.constant 0 : i32
    return %arg0, %c0_i32 : i32, i32
  }
  func.func @transform_1(%arg0: i32) -> (i32, i32) {
    %c0_i32 = arith.constant 0 : i32
    %c0_i32_0 = arith.constant 0 : i32
    return %arg0, %c0_i32 : i32, i32
  }
  func.func @transform_2(%arg0: i32) -> (i32, i32) {
    %c0_i32 = arith.constant 0 : i32
    %c0_i32_0 = arith.constant 0 : i32
    return %arg0, %c0_i32 : i32, i32
  }
  func.func @transform_3(%arg0: i32) -> (i32, i32) {
    %c0_i32 = arith.constant 0 : i32
    %c0_i32_0 = arith.constant 0 : i32
    %c0_i32_1 = arith.constant 0 : i32
    return %c0_i32, %c0_i32_0 : i32, i32
  }
  func.func @transform_4(%arg0: i32) -> (i32, i32) {
    %c0_i32 = arith.constant 0 : i32
    %c0_i32_0 = arith.constant 0 : i32
    %c0_i32_1 = arith.constant 0 : i32
    return %c0_i32, %c0_i32_0 : i32, i32
  }
  func.func @transform_5(%arg0: i32) -> (i32, i32) {
    %c0_i32 = arith.constant 0 : i32
    %c0_i32_0 = arith.constant 0 : i32
    return %arg0, %c0_i32 : i32, i32
  }
}

module attributes {stable_mosaic.version = 14 : i64} {
  func.func @_tc3_body(%arg0: i32, %arg1: memref<2000x128xf32, #tpu.memory_space<vmem>>, %arg2: memref<2000x128xf32, #tpu.memory_space<vmem>>, %arg3: memref<2000x1xf32, #tpu.memory_space<vmem>>, %arg4: memref<1x128xf32, #tpu.memory_space<vmem>>, %arg5: memref<2000x128xf32, #tpu.memory_space<vmem>>) attributes {dimension_semantics = [#tpu.dimension_semantics<arbitrary>], iteration_bounds = array<i64: 5>, scalar_prefetch = 0 : i64, scratch_operands = 0 : i64, tpu.core_type = #tpu.core_type<tc>, window_params = [{transform_indices = @transform_0, window_bounds = array<i64: 2000, 128>}, {transform_indices = @transform_1, window_bounds = array<i64: 2000, 128>}, {transform_indices = @transform_2, window_bounds = array<i64: 2000, 1>}, {pipeline_mode = #tpu.pipeline_mode<synchronous>, transform_indices = @transform_3, window_bounds = array<i64: 1, 128>}, {transform_indices = @transform_4, window_bounds = array<i64: 2000, 128>}]} {
    %get3A = arith.constant 0 : index
    %get3A_0 = arith.constant 0 : index
    %get3A_1 = vector.load %arg1[%get3A, %get3A_0] : memref<2000x128xf32, #tpu.memory_space<vmem>>, vector<2000x128xf32>
    %get3A_2 = arith.constant 0 : index
    %get3A_3 = arith.constant 0 : index
    %get3A_4 = vector.load %arg2[%get3A_2, %get3A_3] : memref<2000x128xf32, #tpu.memory_space<vmem>>, vector<2000x128xf32>
    %add3A = arith.addf %get3A_1, %get3A_4 : vector<2000x128xf32>
    %get3A_5 = arith.constant 0 : index
    %get3A_6 = arith.constant 0 : index
    %get3A_7 = vector.load %arg3[%get3A_5, %get3A_6] : memref<2000x1xf32, #tpu.memory_space<vmem>>, vector<2000x1xf32>
    %mul3A = vector.broadcast %get3A_7 : vector<2000x1xf32> to vector<2000x128xf32>
    %mul3A_8 = arith.mulf %add3A, %mul3A : vector<2000x128xf32>
    %get3A_9 = arith.constant 0 : index
    %get3A_10 = arith.constant 0 : index
    %get3A_11 = vector.load %arg4[%get3A_9, %get3A_10] : memref<1x128xf32, #tpu.memory_space<vmem>>, vector<1x128xf32>
    %add3A_12 = vector.broadcast %get3A_11 : vector<1x128xf32> to vector<2000x128xf32>
    %add3A_13 = arith.addf %mul3A_8, %add3A_12 : vector<2000x128xf32>
    %swap3A = arith.constant 0 : index
    %swap3A_14 = arith.constant 0 : index
    %swap3A_15 = vector.load %arg5[%swap3A, %swap3A_14] : memref<2000x128xf32, #tpu.memory_space<vmem>>, vector<2000x128xf32>
    tpu.vector_store %arg5[%swap3A, %swap3A_14], %add3A_13 {strides = array<i32>} : memref<2000x128xf32, #tpu.memory_space<vmem>>, vector<2000x128xf32>,
    return
  }
  func.func @transform_0(%arg0: i32) -> (i32, i32) {
    %c0_i32 = arith.constant 0 : i32
    %c0_i32_0 = arith.constant 0 : i32
    return %arg0, %c0_i32 : i32, i32
  }
  func.func @transform_1(%arg0: i32) -> (i32, i32) {
    %c0_i32 = arith.constant 0 : i32
    %c0_i32_0 = arith.constant 0 : i32
    return %arg0, %c0_i32 : i32, i32
  }
  func.func @transform_2(%arg0: i32) -> (i32, i32) {
    %c0_i32 = arith.constant 0 : i32
    %c0_i32_0 = arith.constant 0 : i32
    return %arg0, %c0_i32 : i32, i32
  }
  func.func @transform_3(%arg0: i32) -> (i32, i32) {
    %c0_i32 = arith.constant 0 : i32
    %c0_i32_0 = arith.constant 0 : i32
    %c0_i32_1 = arith.constant 0 : i32
    return %c0_i32, %c0_i32_0 : i32, i32
  }
  func.func @transform_4(%arg0: i32) -> (i32, i32) {
    %c0_i32 = arith.constant 0 : i32
    %c0_i32_0 = arith.constant 0 : i32
    return %arg0, %c0_i32 : i32, i32
  }
}

</mosaic_0001>

<sc_bundles>
// kernel: kernel.11.cloned.1.call-start
scs
__scs_entry_jumppad:
0x0: {  	(pc) =	sbr.rel $0x88, $3  }
0x1: {  	(tag) =	ssettag $0x0;
	lr =	simm.s32 $0x1  }
0x2: {  	[smem:$0x3F9B] =	sst lr;
	_ =	strace $0xD0000000  }
0x3: {  	_ = 	snop  }
0x4: {  	_ = 	snop  }
0x5: {  	_ = 	snop  }
0x6: {  	_ = 	snop  }
0x7: {  	_ = 	snop  }
__scs_overlays_trampoline_lowered:
0x8: {  	[smem:$0x3FAA] =	sst s0  }
0x9: {  	[smem:$0x3FAB] =	sst s1  }
0xa: {  	[smem:$0x3FAC] =	sst s2  }
0xb: {  	[smem:$0x3FAD] =	sst s3  }
0xc: {  	[smem:$0x3FAE] =	sst s4  }
0xd: {  	[smem:$0x3FAF] =	sst s5  }
0xe: {  	[smem:$0x3FB0] =	sst s6  }
0xf: {  	[smem:$0x3FB1] =	sst s7  }
0x10: {  	[smem:$0x3FB2] =	sst s8  }
0x11: {  	[smem:$0x3FB3] =	sst s9;
	s0 =	simm.s32 @!p0 $0x0  }
0x12: {  	s1 =	sld [smem:$0x3F99];
	s0 =	simm.s32 @p0 $0x1  }
0x13: {  	[smem:$0x3FB4] =	sst s0;
	s0 =	simm.s32 @!p1 $0x0  }
0x14: {  	s2 =	sld [smem:$0x3F98];
	s0 =	simm.s32 @p1 $0x1  }
0x15: {  	[smem:$0x3FB5] =	sst s0;
	s0 =	simm.s32 @!p2 $0x0  }
0x16: {  	s3 =	sld [smem:$0x3FDB];
	s0 =	simm.s32 @p2 $0x1  }
0x17: {  	s4 =	simm.s32 $0x1BF5;
	[smem:$0x3FB7] =	sst s0  }
0x18: {  	s0 =	sld [smem:$0x3F9A];
	_ =	swait.ge [sflag:s4], $0x0  }
0x19: {  	s7 =	sld [smem:$0x3F9B]  }
0x1a: {  	s8 =	sadd.s32 $0xFFFFE003, lr  }
0x1b: {  	s9 =	sadd.s32 $0xFFFFFEF7, lr;
	s5 =	simm.s32 $0xFFFFFFFF;
	p2 =	slt.u32 s8, $0xFFFFF086  }
0x1c: {  	p1 =	slt.u32 s9, $0xF7A;
	s5 =	simm.s32 @!p2 $0x0  }
0x1d: {  	s5 =	simm.s32 @p1 $0x1;
	p0 =	seq.s32 s7, s2  }
0x1e: {  	s7 =	smul.u32 @!p0 $0xF7A, s2;
	p2 =	seq.s32 @!p0 s5, $0x0  }
0x1f: {  	s9 =	smul.u32 $0xF7A, s1;
	s8 =	simm.s32 @!p0 $0x1BF5;
	p2 =	por !p2, p0  }
0x20: {  	[sflag:s8] =	ssyncset.s32 @!p0 $0xFFFFF086;
	s6 =	sadd.s32 @!p0 s3, s7;
	s7 =	simm.s32 @!p0 $0x108  }
0x21: {  	s3 =	sadd.s32 s3, s9;
	s6 =	sadd.s32 @!p0 $0x88, s6;
	s7 =	simm.s32 @p2 $0x1082  }
0x22: {  	[simem:s7], [sflag:s8] =	dma.local @!p0 [hbm:s6], $0xF7A  }
0x23: {  	s9 =	sor.u32 $0xD0000000, s2;
	s6 =	simm.s32 $0x108;
	_ =	swait.ge @!p0 [sflag:s8], $0x0  }
0x24: {  	s3 =	sadd.s32 $0x88, s3;
	s6 =	simm.s32 @!p1 $0x1082;
	[sflag:s4] =	ssyncset.s32 $0xFFFFF086  }
0x25: {  	[simem:s6], [sflag:s4] =	dma.local [hbm:s3], $0xF7A  }
0x26: {  	[smem:$0x3F9B] =	sst s1;
	(tag) =	ssettag s2;
	_ =	strace s9  }
0x27: {  	s1 =	sld [smem:$0x3FAB]  }
0x28: {  	s2 =	sld [smem:$0x3FAC]  }
0x29: {  	s4 =	sld [smem:$0x3FAE]  }
0x2a: {  	p0 =	seq.s32 s5, $0x0;
	s5 =	sld [smem:$0x3FAF]  }
0x2b: {  	s6 =	sld [smem:$0x3FB0]  }
0x2c: {  	s7 =	sld [smem:$0x3FB1]  }
0x2d: {  	s3 =	simm.s32 $0x108;
	s8 =	sld [smem:$0x3FB2]  }
0x2e: {  	s3 =	simm.s32 @!p0 $0x1082;
	s9 =	sld [smem:$0x3FB3]  }
0x2f: {  	lr =	sadd.s32 s0, s3;
	s0 =	sld [smem:$0x3FAA]  }
0x30: {  	s3 =	sld [smem:$0x3FAD]  }
0x31: {  	[smem:$0x3FB6] =	sst s10  }
0x32: {  	s10 =	sld [smem:$0x3FB4];
	_ =	sdelay $0x3  }
0x33: {  	p0 =	seq.s32 s10, $0x1;
	s10 =	sld [smem:$0x3FB6];
	_ =	sdelay $0x3  }
0x34: {  	[smem:$0x3FB6] =	sst s10  }
0x35: {  	s10 =	sld [smem:$0x3FB5];
	_ =	sdelay $0x3  }
0x36: {  	p1 =	seq.s32 s10, $0x1;
	s10 =	sld [smem:$0x3FB6];
	_ =	sdelay $0x3  }
0x37: {  	[smem:$0x3FB6] =	sst s10  }
0x38: {  	s10 =	sld [smem:$0x3FB7]  }
0x39: {  	_ = 	snop;
	(pc) =	sbr.ind lr, $3  }
0x3a: {  	_ = 	snop  }
0x3b: {  	_ = 	snop  }
0x3c: {  	p2 =	seq.s32 s10, $0x1;
	s10 =	sld [smem:$0x3FB6]  }
0x3d: {  	_ =	shalt  }
0x3e: {  	_ =	shalt  }
0x3f: {  	_ =	shalt  }
0x40: {  	_ =	shalt  }
0x41: {  	_ =	shalt  }
0x42: {  	_ =	shalt  }
0x43: {  	_ =	shalt  }
0x44: {  	_ =	shalt  }
0x45: {  	_ =	shalt  }
0x46: {  	_ =	shalt  }
0x47: {  	_ =	shalt  }
0x48: {  	_ =	shalt  }
0x49: {  	_ =	shalt  }
0x4a: {  	_ =	shalt  }
0x4b: {  	_ =	shalt  }
0x4c: {  	_ =	shalt  }
0x4d: {  	_ =	shalt  }
0x4e: {  	_ =	shalt  }
0x4f: {  	_ =	shalt  }
0x50: {  	_ =	shalt  }
0x51: {  	_ =	shalt  }
0x52: {  	_ =	shalt  }
0x53: {  	_ =	shalt  }
0x54: {  	_ =	shalt  }
0x55: {  	_ =	shalt  }
0x56: {  	_ =	shalt  }
0x57: {  	_ =	shalt  }
0x58: {  	_ =	shalt  }
0x59: {  	_ =	shalt  }
0x5a: {  	_ =	shalt  }
0x5b: {  	_ =	shalt  }
0x5c: {  	_ =	shalt  }
0x5d: {  	_ =	shalt  }
0x5e: {  	_ =	shalt  }
0x5f: {  	_ =	shalt  }
0x60: {  	_ =	shalt  }
0x61: {  	_ =	shalt  }
0x62: {  	_ =	shalt  }
0x63: {  	_ =	shalt  }
0x64: {  	_ =	shalt  }
0x65: {  	_ =	shalt  }
0x66: {  	_ =	shalt  }
0x67: {  	_ =	shalt  }
0x68: {  	_ =	shalt  }
0x69: {  	_ =	shalt  }
0x6a: {  	_ =	shalt  }
0x6b: {  	_ =	shalt  }
0x6c: {  	_ =	shalt  }
0x6d: {  	_ =	shalt  }
0x6e: {  	_ =	shalt  }
0x6f: {  	_ =	shalt  }
0x70: {  	_ =	shalt  }
0x71: {  	_ =	shalt  }
0x72: {  	_ =	shalt  }
0x73: {  	_ =	shalt  }
0x74: {  	_ =	shalt  }
0x75: {  	_ =	shalt  }
0x76: {  	_ =	shalt  }
0x77: {  	_ =	shalt  }
0x78: {  	_ =	shalt  }
0x79: {  	_ =	shalt  }
0x7a: {  	_ =	shalt  }
0x7b: {  	_ =	shalt  }
0x7c: {  	_ =	shalt  }
0x7d: {  	_ =	shalt  }
0x7e: {  	_ =	shalt  }
0x7f: {  	_ =	shalt  }
0x80: {  	_ =	shalt  }
0x81: {  	_ =	shalt  }
0x82: {  	_ =	shalt  }
0x83: {  	_ =	shalt  }
0x84: {  	_ =	shalt  }
0x85: {  	_ =	shalt  }
0x86: {  	_ =	shalt  }
0x87: {  	_ =	shalt  }
.Lfunc_end0:
.L_simem_size_0:
called_computation.1_lowered:
.L_overlay_start_0:
0x88: {  	s2 =	sld [smem:$0x3FD9]  }
0x89: {  	s3 =	sld [smem:$0x3FFE];
	_ =	sdelay $0x1  }
0x8a: {  	s1 =	srdreg.scid  }
0x8b: {  	s0 =	sand.u32 $0x1, s1  }
0x8c: {  	s17 =	sshll.u32 s0, $0xA;
	s2 =	sadd.s32 s3, s2  }
0x8d: {  	s2 =	sadd.s32 s2, s17  }
0x8e: {  	[smem:$0x3FC2] =	sst s2  }
0x8f: {  	_ = 	snop  }
0x90: {  	s2 =	sld [smem:$0x3FD0];
	(tm) =	ssettm $0x1  }
0x91: {  	s18 =	sld [smem:$0x3FFB];
	_ =	sdelay $0x3  }
0x92: {  	_ =	strace s18  }
0x93: {  	s3 =	sld [smem:$0x3FFC];
	_ =	sdelay $0x3  }
0x94: {  	_ =	strace s3  }
0x95: {  	s3 =	sld [smem:$0x3FFD];
	_ =	sdelay $0x3  }
0x96: {  	_ =	strace s3  }
0x97: {  	_ =	strace $0x8FFFFFFF  }
0x98: {  	s19 =	sld [smem:$0x3FDB];
	_ =	sdelay $0x1  }
0x99: {  	s4 =	simm.s32 $_scs_section_size  }
0x9a: {  	s5 =	simm.s32 $_size__tile_overlayer_lowered;
	s6 =	simm.s32 $_tile_overlayer_lowered  }
0x9b: {  	s22 =	simm.s32 $0x1BFF;
	s21 =	sshll.u32 s6, $0x1;
	s3 =	sadd.s32 s4, s19  }
0x9c: {  	s7 =	simm.s32 $0x0;
	s20 =	sshll.u32 s5, $0x1;
	s5 =	sadd.s32 s21, s3  }
0x9d: {  	[timem:s7], [sflag:s22] =	dma.local [hbm:s5], s20  }
0x9e: {  	_ =	swait.ge [sflag:s22], s20  }
0x9f: {  	s4 =	ssub.s32 $0x0, s20;
	[sflag:s22] =	ssyncset.done $0x0  }
0xa0: {  	[sflag:s22] =	ssyncadd.s32 s4;
	_ =	sdelay $0x1  }
0xa1: {  	s23 =	simm.s32 $0x1B8B  }
0xa2: {  	_ =	swait.ge [sflag:s23], $0x1  }
0xa3: {  	[sflag:s23] =	ssyncset.done $0x0  }
0xa4: {  	s25 =	simm.s32 $0x1B8E;
	s24 =	sld [smem:$0x3FFE];
	[sflag:s23] =	ssyncadd.s32 $0xFFFFFFFF  }
0xa5: {  	s26 =	simm.s32 $execute0_lowered;
	[smem:$0x3FD2] =	sst s25  }
0xa6: {  	s5 =	sshll.u32 s26, $0x1;
	_ =	strace $0x80000049;
	[dreg:$0x1] =	wrdreg $0xFFFFFFFF  }
0xa7: {  	s28 =	simm.s32 $_size_execute0_lowered;
	s3 =	sadd.s32 s3, s5;
	[dreg:$0x0] =	wrdreg $0x0  }
0xa8: {  	s5 =	sshll.u32 s28, $0x1;
	[dreg:$0x2] =	wrdreg s3  }
0xa9: {  	[dreg:$0x3] =	wrdreg s5  }
0xaa: {  	[dreg:$0x4] =	wrdreg $0xC0  }
0xab: {  	_ =	task [dreg:s7], $0x5FFFF  }
0xac: {  	[dreg:$0x1] =	wrdreg $0xFFFFFFFF  }
0xad: {  	[dreg:$0x0] =	wrdreg $0x60  }
0xae: {  	[dreg:$0x2] =	wrdreg s2  }
0xaf: {  	[dreg:$0x3] =	wrdreg s24  }
0xb0: {  	[dreg:$0x4] =	wrdreg $0xB3000  }
0xb1: {  	[dreg:$0x5] =	wrdreg $0x9  }
0xb2: {  	_ =	task.clear_ibuf [dreg:s7], $0x6FFFF;
	_ =	strace $0x90000049  }
0xb3: {  	s29 =	simm.s32 $0x9;
	_ =	strace $0x8000004B  }
0xb4: {  	_ =	swait.ge [sflag:s29], $0x1  }
0xb5: {  	[sflag:s29] =	ssyncadd.s32 $0xFFFFFFFF  }
0xb6: {  	_ =	strace $0x9000004B  }
0xb7: {  	_ =	sfence  }
0xb8: {  	s30 =	sld [smem:$0x0];
	_ =	sdelay $0x2  }
0xb9: {  	s31 =	sshll.u32 s1, $0xD;
	s1 =	sshrl.u32 s1, $0x2  }
0xba: {  	s3 =	sand.u32 $0x4000, s31;
	s1 =	sadd.s32 s1, s30  }
0xbb: {  	s0 =	sor.u32 s3, s0;
	s1 =	sshll.u32 s1, $0x11  }
0xbc: {  	s0 =	sor.u32 s1, s0  }
0xbd: {  	s0 =	sadd.s32 $0x8F2B, s0  }
0xbe: {  	[sflag:s0] =	ssyncadd.remote.s32 $0x1  }
0xbf: {  	_ =	sfence.sel $0xFFFF  }
0xc0: {  	[dreg:$0x0] =	wrdreg $0xFFFFFFFF;
	(pc) =	sbr.abs _section_cstart, $3  }
0xc1: {  	[dreg:$0x1] =	wrdreg $0xFFFFFFFF  }
0xc2: {  	_ =	task.clear_ibuf [dreg:s7], $0x2FFFF;
	_ =	strace $0x9FFFFFFF  }
0xc3: {  	(tm) =	ssettm $0x7FFFFFFF  }
tec
execute0_lowered:
.L_overlay_start_1:
0x0: {  	(tag) =	ssettag $0x1  }
0x1: {  	s9 =	stileid.u32  }
0x2: {  	s3 =	srdreg.scid;
	s7 =	smul.u32 $0x1F400, s9  }
0x3: {  	s1 =	rddreg [dreg:$0x0];
	s3 =	sand.u32 $0x1, s3;
	s15 =	smul.u32 $0x7D000, s9  }
0x4: {  	s0 =	rddreg [dreg:$0x1];
	s6 =	smul.u32 $0x138800, s3  }
0x5: {  	s2 =	rddreg [dreg:$0x2];
	s4 =	simm.s32 $0x0  }
0x6: {  	s28 =	simm.s32 $0x6;
	s6 =	sadd.s32 s7, s6;
	s7 =	sshrl.u32 s15, $0x2  }
0x7: {  	s29 =	simm.s32 $0x7;
	s30 =	simm.s32 $0x8;
	s7 =	sadd.s32 s7, s2  }
0x8: {  	s31 =	simm.s32 $0xA;
	[smem:$0x7FF] =	sst s4;
	s18 =	sadd.s32 $0x1400, s7  }
0x9: {  	_ =	strace $0x8000004A;
	s19 =	sadd.s32 $0x2800, s7;
	[dreg:$0x4] =	wrdreg s18  }
0xa: {  	p0 =	sgt.u32 s9, $0x9;
	s20 =	sadd.s32 $0x3C00, s7;
	[dreg:$0x5] =	wrdreg s19  }
0xb: {  	s5 =	sshll.u32 s3, $0x4;
	s21 =	sadd.s32 $0x5000, s7;
	[dreg:$0x6] =	wrdreg s20  }
0xc: {  	s3 =	ssub.s32 $0x2, s3;
	s22 =	sadd.s32 $0x6400, s7;
	[dreg:$0x7] =	wrdreg s21  }
0xd: {  	s5 =	sor.u32 s9, s5;
	s23 =	sadd.s32 $0x7800, s7;
	[dreg:$0x8] =	wrdreg s22  }
0xe: {  	s17 =	sshrl.u32 s3, $0x1;
	s24 =	sadd.s32 $0x8C00, s7;
	[dreg:$0x9] =	wrdreg s23  }
0xf: {  	s9 =	simm.s32 $0x4E68;
	s25 =	sadd.s32 $0xA000, s7;
	[dreg:$0xa] =	wrdreg s24  }
0x10: {  	s5 =	smul.u32 $0x4E2, s5;
	s26 =	sadd.s32 $0xB400, s7;
	[dreg:$0xb] =	wrdreg s25  }
0x11: {  	s3 =	ssub.s32 s3, s17;
	s10 =	sadd.s32 $0xC800, s7;
	[dreg:$0xc] =	wrdreg s26  }
0x12: {  	s16 =	sshrl.u32 s6, $0x3;
	s11 =	sadd.s32 $0xDC00, s7;
	[dreg:$0xd] =	wrdreg s10  }
0x13: {  	s8 =	sadd.s32 s5, s0;
	s12 =	sadd.s32 $0xF000, s7;
	[dreg:$0xe] =	wrdreg s11  }
0x14: {  	s0 =	sadd.s32 s16, s0;
	s13 =	sadd.s32 $0x10400, s7;
	[dreg:$0xf] =	wrdreg s12  }
0x15: {  	s14 =	sadd.s32 $0x11800, s7;
	s15 =	sadd.s32 $0x12C00, s7;
	[dreg:$0x10] =	wrdreg s13  }
0x16: {  	s16 =	sadd.s32 $0x14000, s7;
	s17 =	sadd.s32 $0x15400, s7;
	[dreg:$0x11] =	wrdreg s14  }
0x17: {  	s5 =	sadd.s32 $0x1E00, s8;
	s6 =	sadd.s32 $0xBC00, s8;
	[dreg:$0x12] =	wrdreg s15  }
0x18: {  	[dreg:$0x13] =	wrdreg s16;
	s24 =	sadd.s32 $0x15A00, s0;
	s25 =	smax.u32 s3, $0x1  }
0x19: {  	[dreg:$0x14] =	wrdreg s17;
	s18 =	sadd.s32 $0x16800, s7;
	s19 =	sadd.s32 $0x17C00, s7  }
0x1a: {  	s20 =	sadd.s32 $0x19000, s7;
	s21 =	sadd.s32 $0x1A400, s7;
	[dreg:$0x15] =	wrdreg s18  }
0x1b: {  	s22 =	sadd.s32 $0x1B800, s7;
	s23 =	sadd.s32 $0x1CC00, s7;
	[dreg:$0x16] =	wrdreg s19  }
0x1c: {  	s26 =	sadd.s32 $0x1E000, s7;
	s11 =	simm.s32 $0x4F00;
	[dreg:$0x17] =	wrdreg s20  }
0x1d: {  	s12 =	simm.s32 $0xB;
	s13 =	simm.s32 $0x1;
	[dreg:$0x18] =	wrdreg s21  }
0x1e: {  	s14 =	simm.s32 $0x2;
	s15 =	simm.s32 $0x28;
	[dreg:$0x19] =	wrdreg s22  }
0x1f: {  	s16 =	simm.s32 $0x6300;
	s10 =	simm.s32 $0x3;
	[dreg:$0x1a] =	wrdreg s23  }
0x20: {  	s17 =	simm.s32 $0x9;
	s8 =	simm.s32 $0x4E40;
	[dreg:$0x1b] =	wrdreg s26  }
0x21: {  	s18 =	simm.s32 $0x7700;
	s20 =	simm.s32 $0x8B00;
	s22 =	simm.s32 $0x9F00  }
0x22: {  	v0 =	vimm.f32 $0.0e+00;
	s23 =	simm.s32 $0x4;
	s26 =	simm.s32 $0x5;
	s21 =	simm.s32 $0x0  }
.LBB2_1:
0x23: {  	[tilespmem:s4], [sflag:$0x1] =	stream.linear.gather [hbm4b:s5+s4], $0x2710, $0x38;
	[tilespmem:$0x1EB80] =	vst v63  }
0x24: {  	s0 =	simm.s32 $0x2780  }
0x25: {  	[tilespmem:s0], [sflag:$0x2] =	stream.linear.gather [hbm4b:s6+s4], $0x2710, $0x38;
	[tilespmem:$0x1EB80] =	vst v63  }
0x26: {  	s3 =	simm.s32 $0x3C0;
	s0 =	simm.s32 $0x70  }
.LBB2_2:
0x27: {  	p1 =	sne.s32 s3, $0x4FC0;
	[tilespmem:s0+$0x4F00] =	vst v0  }
0x28: {  	[tilespmem:s0+$0x4E90] =	vst v0  }
0x29: {  	[tilespmem:s0+$0x4EA0] =	vst v0  }
.Ltmp0:
0x2a: {  	[tilespmem:s0+$0x4EB0] =	vst v0;
	(pc) =	sbr.rel @p1 .LBB2_2-.Ltmp0, $4  }
0x2b: {  	[tilespmem:s0+$0x4EC0] =	vst v0  }
0x2c: {  	[tilespmem:s0+$0x4ED0] =	vst v0  }
0x2d: {  	[tilespmem:s0+$0x4EE0] =	vst v0  }
0x2e: {  	[tilespmem:s0+$0x4EF0] =	vst v0;
	s0 =	sshra.s32 s3, $0x2;
	s3 =	sadd.s32 $0x200, s3  }
0x2f: {  	[tilespmem:s0+$0x4F00] =	vst v0  }
0x30: {  	[tilespmem:s0+$0x4E90] =	vst v0  }
0x31: {  	[tilespmem:s0+$0x4EA0] =	vst v0  }
.Ltmp1:
0x32: {  	[tilespmem:s0+$0x4EB0] =	vst v0;
	(pc) =	sbr.rel @p0 .LBB2_5-.Ltmp1, $4  }
0x33: {  	[tilespmem:s0+$0x4EC0] =	vst v0  }
0x34: {  	[tilespmem:s0+$0x4ED0] =	vst v0  }
0x35: {  	[tilespmem:s0+$0x4EE0] =	vst v0  }
0x36: {  	[tilespmem:s0+$0x4EF0] =	vst v0  }
0x37: {  	[spmem:s7] =	stream.linear.scatter [tilespmem:s11], [sflag:$0xB], $0x1400, $0x38;
	[tilespmem:$0x1EB80] =	vst v63  }
0x38: {  	_ =	swait.ge [sflag:s12], $0x1400  }
0x39: {  	[sflag:s12] =	ssyncset.done $0x0  }
0x3a: {  	s0 =	rddreg [dreg:$0x4];
	[sflag:s12] =	ssyncadd.s32 $0xFFFFEC00  }
0x3b: {  	[spmem:s0] =	stream.linear.scatter [tilespmem:s11], [sflag:$0xB], $0x1400, $0x38;
	[tilespmem:$0x1EB80] =	vst v63  }
0x3c: {  	_ =	swait.ge [sflag:s12], $0x1400  }
0x3d: {  	[sflag:s12] =	ssyncset.done $0x0  }
0x3e: {  	s19 =	rddreg [dreg:$0x5];
	[sflag:s12] =	ssyncadd.s32 $0xFFFFEC00  }
0x3f: {  	[spmem:s19] =	stream.linear.scatter [tilespmem:s11], [sflag:$0xB], $0x1400, $0x38;
	[tilespmem:$0x1EB80] =	vst v63  }
0x40: {  	_ =	swait.ge [sflag:s12], $0x1400  }
0x41: {  	[sflag:s12] =	ssyncset.done $0x0  }
0x42: {  	s3 =	rddreg [dreg:$0x6];
	[sflag:s12] =	ssyncadd.s32 $0xFFFFEC00  }
0x43: {  	[spmem:s3] =	stream.linear.scatter [tilespmem:s11], [sflag:$0xB], $0x1400, $0x38;
	[tilespmem:$0x1EB80] =	vst v63  }
0x44: {  	_ =	swait.ge [sflag:s12], $0x1400  }
0x45: {  	[sflag:s12] =	ssyncset.done $0x0  }
0x46: {  	s19 =	rddreg [dreg:$0x7];
	[sflag:s12] =	ssyncadd.s32 $0xFFFFEC00  }
0x47: {  	[spmem:s19] =	stream.linear.scatter [tilespmem:s11], [sflag:$0xB], $0x1400, $0x38;
	[tilespmem:$0x1EB80] =	vst v63  }
0x48: {  	_ =	swait.ge [sflag:s12], $0x1400  }
0x49: {  	[sflag:s12] =	ssyncset.done $0x0  }
0x4a: {  	s3 =	rddreg [dreg:$0x8];
	[sflag:s12] =	ssyncadd.s32 $0xFFFFEC00  }
0x4b: {  	[spmem:s3] =	stream.linear.scatter [tilespmem:s11], [sflag:$0xB], $0x1400, $0x38;
	[tilespmem:$0x1EB80] =	vst v63  }
0x4c: {  	_ =	swait.ge [sflag:s12], $0x1400  }
0x4d: {  	[sflag:s12] =	ssyncset.done $0x0  }
0x4e: {  	s19 =	rddreg [dreg:$0x9];
	[sflag:s12] =	ssyncadd.s32 $0xFFFFEC00  }
0x4f: {  	[spmem:s19] =	stream.linear.scatter [tilespmem:s11], [sflag:$0xB], $0x1400, $0x38;
	[tilespmem:$0x1EB80] =	vst v63  }
0x50: {  	_ =	swait.ge [sflag:s12], $0x1400  }
0x51: {  	[sflag:s12] =	ssyncset.done $0x0  }
0x52: {  	s3 =	rddreg [dreg:$0xa];
	[sflag:s12] =	ssyncadd.s32 $0xFFFFEC00  }
0x53: {  	[spmem:s3] =	stream.linear.scatter [tilespmem:s11], [sflag:$0xB], $0x1400, $0x38;
	[tilespmem:$0x1EB80] =	vst v63  }
0x54: {  	_ =	swait.ge [sflag:s12], $0x1400  }
0x55: {  	[sflag:s12] =	ssyncset.done $0x0  }
0x56: {  	s19 =	rddreg [dreg:$0xb];
	[sflag:s12] =	ssyncadd.s32 $0xFFFFEC00  }
0x57: {  	[spmem:s19] =	stream.linear.scatter [tilespmem:s11], [sflag:$0xB], $0x1400, $0x38;
	[tilespmem:$0x1EB80] =	vst v63  }
0x58: {  	_ =	swait.ge [sflag:s12], $0x1400  }
0x59: {  	[sflag:s12] =	ssyncset.done $0x0  }
0x5a: {  	s3 =	rddreg [dreg:$0xc];
	[sflag:s12] =	ssyncadd.s32 $0xFFFFEC00  }
0x5b: {  	[spmem:s3] =	stream.linear.scatter [tilespmem:s11], [sflag:$0xB], $0x1400, $0x38;
	[tilespmem:$0x1EB80] =	vst v63  }
0x5c: {  	_ =	swait.ge [sflag:s12], $0x1400  }
0x5d: {  	[sflag:s12] =	ssyncset.done $0x0  }
0x5e: {  	s19 =	rddreg [dreg:$0xd];
	[sflag:s12] =	ssyncadd.s32 $0xFFFFEC00  }
0x5f: {  	[spmem:s19] =	stream.linear.scatter [tilespmem:s11], [sflag:$0xB], $0x1400, $0x38;
	[tilespmem:$0x1EB80] =	vst v63  }
0x60: {  	_ =	swait.ge [sflag:s12], $0x1400  }
0x61: {  	[sflag:s12] =	ssyncset.done $0x0  }
0x62: {  	s3 =	rddreg [dreg:$0xe];
	[sflag:s12] =	ssyncadd.s32 $0xFFFFEC00  }
0x63: {  	[spmem:s3] =	stream.linear.scatter [tilespmem:s11], [sflag:$0xB], $0x1400, $0x38;
	[tilespmem:$0x1EB80] =	vst v63  }
0x64: {  	_ =	swait.ge [sflag:s12], $0x1400  }
0x65: {  	[sflag:s12] =	ssyncset.done $0x0  }
0x66: {  	s19 =	rddreg [dreg:$0xf];
	[sflag:s12] =	ssyncadd.s32 $0xFFFFEC00  }
0x67: {  	[spmem:s19] =	stream.linear.scatter [tilespmem:s11], [sflag:$0xB], $0x1400, $0x38;
	[tilespmem:$0x1EB80] =	vst v63  }
0x68: {  	_ =	swait.ge [sflag:s12], $0x1400  }
0x69: {  	[sflag:s12] =	ssyncset.done $0x0  }
0x6a: {  	s3 =	rddreg [dreg:$0x10];
	[sflag:s12] =	ssyncadd.s32 $0xFFFFEC00  }
0x6b: {  	[spmem:s3] =	stream.linear.scatter [tilespmem:s11], [sflag:$0xB], $0x1400, $0x38;
	[tilespmem:$0x1EB80] =	vst v63  }
0x6c: {  	_ =	swait.ge [sflag:s12], $0x1400  }
0x6d: {  	[sflag:s12] =	ssyncset.done $0x0  }
0x6e: {  	s19 =	rddreg [dreg:$0x11];
	[sflag:s12] =	ssyncadd.s32 $0xFFFFEC00  }
0x6f: {  	[spmem:s19] =	stream.linear.scatter [tilespmem:s11], [sflag:$0xB], $0x1400, $0x38;
	[tilespmem:$0x1EB80] =	vst v63  }
0x70: {  	_ =	swait.ge [sflag:s12], $0x1400  }
0x71: {  	[sflag:s12] =	ssyncset.done $0x0  }
0x72: {  	s3 =	rddreg [dreg:$0x12];
	[sflag:s12] =	ssyncadd.s32 $0xFFFFEC00  }
0x73: {  	[spmem:s3] =	stream.linear.scatter [tilespmem:s11], [sflag:$0xB], $0x1400, $0x38;
	[tilespmem:$0x1EB80] =	vst v63  }
0x74: {  	_ =	swait.ge [sflag:s12], $0x1400  }
0x75: {  	[sflag:s12] =	ssyncset.done $0x0  }
0x76: {  	s19 =	rddreg [dreg:$0x13];
	[sflag:s12] =	ssyncadd.s32 $0xFFFFEC00  }
0x77: {  	[spmem:s19] =	stream.linear.scatter [tilespmem:s11], [sflag:$0xB], $0x1400, $0x38;
	[tilespmem:$0x1EB80] =	vst v63  }
0x78: {  	_ =	swait.ge [sflag:s12], $0x1400  }
0x79: {  	[sflag:s12] =	ssyncset.done $0x0  }
0x7a: {  	s3 =	rddreg [dreg:$0x14];
	[sflag:s12] =	ssyncadd.s32 $0xFFFFEC00  }
0x7b: {  	[spmem:s3] =	stream.linear.scatter [tilespmem:s11], [sflag:$0xB], $0x1400, $0x38;
	[tilespmem:$0x1EB80] =	vst v63  }
0x7c: {  	_ =	swait.ge [sflag:s12], $0x1400  }
0x7d: {  	[sflag:s12] =	ssyncset.done $0x0  }
0x7e: {  	s19 =	rddreg [dreg:$0x15];
	[sflag:s12] =	ssyncadd.s32 $0xFFFFEC00  }
0x7f: {  	[spmem:s19] =	stream.linear.scatter [tilespmem:s11], [sflag:$0xB], $0x1400, $0x38;
	[tilespmem:$0x1EB80] =	vst v63  }
0x80: {  	_ =	swait.ge [sflag:s12], $0x1400  }
0x81: {  	[sflag:s12] =	ssyncset.done $0x0  }
0x82: {  	s3 =	rddreg [dreg:$0x16];
	[sflag:s12] =	ssyncadd.s32 $0xFFFFEC00  }
0x83: {  	[spmem:s3] =	stream.linear.scatter [tilespmem:s11], [sflag:$0xB], $0x1400, $0x38;
	[tilespmem:$0x1EB80] =	vst v63  }
0x84: {  	_ =	swait.ge [sflag:s12], $0x1400  }
0x85: {  	[sflag:s12] =	ssyncset.done $0x0  }
0x86: {  	s19 =	rddreg [dreg:$0x17];
	[sflag:s12] =	ssyncadd.s32 $0xFFFFEC00  }
0x87: {  	[spmem:s19] =	stream.linear.scatter [tilespmem:s11], [sflag:$0xB], $0x1400, $0x38;
	[tilespmem:$0x1EB80] =	vst v63  }
0x88: {  	_ =	swait.ge [sflag:s12], $0x1400  }
0x89: {  	[sflag:s12] =	ssyncset.done $0x0  }
0x8a: {  	s3 =	rddreg [dreg:$0x18];
	[sflag:s12] =	ssyncadd.s32 $0xFFFFEC00  }
0x8b: {  	[spmem:s3] =	stream.linear.scatter [tilespmem:s11], [sflag:$0xB], $0x1400, $0x38;
	[tilespmem:$0x1EB80] =	vst v63  }
0x8c: {  	_ =	swait.ge [sflag:s12], $0x1400  }
0x8d: {  	[sflag:s12] =	ssyncset.done $0x0  }
0x8e: {  	s19 =	rddreg [dreg:$0x19];
	[sflag:s12] =	ssyncadd.s32 $0xFFFFEC00  }
0x8f: {  	[spmem:s19] =	stream.linear.scatter [tilespmem:s11], [sflag:$0xB], $0x1400, $0x38;
	[tilespmem:$0x1EB80] =	vst v63  }
0x90: {  	_ =	swait.ge [sflag:s12], $0x1400  }
0x91: {  	[sflag:s12] =	ssyncset.done $0x0  }
0x92: {  	s3 =	rddreg [dreg:$0x1a];
	[sflag:s12] =	ssyncadd.s32 $0xFFFFEC00  }
0x93: {  	[spmem:s3] =	stream.linear.scatter [tilespmem:s11], [sflag:$0xB], $0x1400, $0x38;
	[tilespmem:$0x1EB80] =	vst v63  }
0x94: {  	_ =	swait.ge [sflag:s12], $0x1400  }
0x95: {  	[sflag:s12] =	ssyncset.done $0x0  }
0x96: {  	s19 =	rddreg [dreg:$0x1b];
	[sflag:s12] =	ssyncadd.s32 $0xFFFFEC00  }
0x97: {  	[spmem:s19] =	stream.linear.scatter [tilespmem:s11], [sflag:$0xB], $0x1400, $0x38;
	[tilespmem:$0x1EB80] =	vst v63  }
0x98: {  	_ =	swait.ge [sflag:s12], $0x1400  }
0x99: {  	[sflag:s12] =	ssyncset.done $0x0  }
0x9a: {  	[sflag:s12] =	ssyncadd.s32 $0xFFFFEC00  }
.LBB2_5:
0x9b: {  	_ =	swait.ge [sflag:s13], $0x2710  }
0x9c: {  	[sflag:s13] =	ssyncset.done $0x0  }
0x9d: {  	[sflag:s13] =	ssyncadd.s32 $0xFFFFD8F0  }
0x9e: {  	_ =	swait.ge [sflag:s14], $0x2710  }
0x9f: {  	[sflag:s14] =	ssyncset.done $0x0  }
0xa0: {  	[sflag:s14] =	ssyncadd.s32 $0xFFFFD8F0  }
0xa1: {  	s0 =	simm.s32 $0x0;
	[bflag:$0x0] =	sbarrier.arrive $0xFFFF  }
0xa2: {  	[tilespmem:s11], [sflag:$0x1] =	stream.indirect.gather [hbm4b:s1+s15], $0x80, s0, s15, $0xb8;
	[tilespmem:$0x1EB80] =	vst v63  }
0xa3: {  	_ = 	snop  }
0xa4: {  	[tilespmem:s16], [sflag:$0x2] =	stream.indirect.gather [hbm4b:s1+s15], $0x80, s15, s15, $0xb8;
	[tilespmem:$0x1EB80] =	vst v63  }
0xa5: {  	s3 =	simm.s32 $0x50  }
0xa6: {  	[tilespmem:s18], [sflag:$0x3] =	stream.indirect.gather [hbm4b:s1+s15], $0x80, s3, s15, $0xb8;
	[tilespmem:$0x1EB80] =	vst v63  }
0xa7: {  	s19 =	simm.s32 $0x78  }
0xa8: {  	[tilespmem:s20], [sflag:$0x4] =	stream.indirect.gather [hbm4b:s1+s15], $0x80, s19, s15, $0xb8;
	[tilespmem:$0x1EB80] =	vst v63  }
0xa9: {  	s3 =	simm.s32 $0xA0  }
0xaa: {  	[tilespmem:s22], [sflag:$0x5] =	stream.indirect.gather [hbm4b:s1+s15], $0x80, s3, s15, $0xb8;
	[tilespmem:$0x1EB80] =	vst v63  }
0xab: {  	_ =	swait.ge [sflag:s13], $0x1400  }
0xac: {  	[sflag:s13] =	ssyncset.done $0x0  }
0xad: {  	s19 =	simm.s32 $0x2780;
	[sflag:s13] =	ssyncadd.s32 $0xFFFFEC00  }
0xae: {  	[spmem:s2] =	stream.indirect.scatter.add.f32 [tilespmem:s11], [sflag:$0x6], $0x80, s19, s15, $0xb8;
	[tilespmem:$0x1EB80] =	vst v63  }
0xaf: {  	_ =	swait.ge [sflag:s14], $0x1400  }
0xb0: {  	[sflag:s14] =	ssyncset.done $0x0  }
0xb1: {  	s3 =	simm.s32 $0x27A8;
	[sflag:s14] =	ssyncadd.s32 $0xFFFFEC00  }
0xb2: {  	[spmem:s2] =	stream.indirect.scatter.add.f32 [tilespmem:s16], [sflag:$0x7], $0x80, s3, s15, $0xb8;
	[tilespmem:$0x1EB80] =	vst v63  }
0xb3: {  	_ =	swait.ge [sflag:s10], $0x1400  }
0xb4: {  	[sflag:s10] =	ssyncset.done $0x0  }
0xb5: {  	s19 =	simm.s32 $0x27D0;
	[sflag:s10] =	ssyncadd.s32 $0xFFFFEC00  }
0xb6: {  	[spmem:s2] =	stream.indirect.scatter.add.f32 [tilespmem:s18], [sflag:$0x8], $0x80, s19, s15, $0xb8;
	[tilespmem:$0x1EB80] =	vst v63  }
0xb7: {  	_ =	swait.ge [sflag:s23], $0x1400  }
0xb8: {  	[sflag:s23] =	ssyncset.done $0x0  }
0xb9: {  	s3 =	simm.s32 $0x27F8;
	[sflag:s23] =	ssyncadd.s32 $0xFFFFEC00  }
0xba: {  	[spmem:s2] =	stream.indirect.scatter.add.f32 [tilespmem:s20], [sflag:$0x9], $0x80, s3, s15, $0xb8;
	[tilespmem:$0x1EB80] =	vst v63  }
0xbb: {  	_ =	swait.ge [sflag:s26], $0x1400  }
0xbc: {  	[sflag:s26] =	ssyncset.done $0x0  }
0xbd: {  	s19 =	simm.s32 $0x2820;
	[sflag:s26] =	ssyncadd.s32 $0xFFFFEC00  }
0xbe: {  	[spmem:s2] =	stream.indirect.scatter.add.f32 [tilespmem:s22], [sflag:$0xA], $0x80, s19, s15, $0xb8;
	[tilespmem:$0x1EB80] =	vst v63  }
0xbf: {  	_ =	swait.ge [sflag:s28], $0x1400  }
0xc0: {  	[sflag:s28] =	ssyncset.done $0x0  }
0xc1: {  	s3 =	simm.s32 $0xC8;
	[sflag:s28] =	ssyncadd.s32 $0xFFFFEC00  }
0xc2: {  	[tilespmem:s11], [sflag:$0x1] =	stream.indirect.gather [hbm4b:s1+s15], $0x80, s3, s15, $0xb8;
	[tilespmem:$0x1EB80] =	vst v63  }
0xc3: {  	_ =	swait.ge [sflag:s29], $0x1400  }
0xc4: {  	[sflag:s29] =	ssyncset.done $0x0  }
0xc5: {  	s19 =	simm.s32 $0xF0;
	[sflag:s29] =	ssyncadd.s32 $0xFFFFEC00  }
0xc6: {  	[tilespmem:s16], [sflag:$0x2] =	stream.indirect.gather [hbm4b:s1+s15], $0x80, s19, s15, $0xb8;
	[tilespmem:$0x1EB80] =	vst v63  }
0xc7: {  	_ =	swait.ge [sflag:s30], $0x1400  }
0xc8: {  	[sflag:s30] =	ssyncset.done $0x0  }
0xc9: {  	s3 =	simm.s32 $0x118;
	[sflag:s30] =	ssyncadd.s32 $0xFFFFEC00  }
0xca: {  	[tilespmem:s18], [sflag:$0x3] =	stream.indirect.gather [hbm4b:s1+s15], $0x80, s3, s15, $0xb8;
	[tilespmem:$0x1EB80] =	vst v63  }
0xcb: {  	_ =	swait.ge [sflag:s17], $0x1400  }
0xcc: {  	[sflag:s17] =	ssyncset.done $0x0  }
0xcd: {  	s19 =	simm.s32 $0x140;
	[sflag:s17] =	ssyncadd.s32 $0xFFFFEC00  }
0xce: {  	[tilespmem:s20], [sflag:$0x4] =	stream.indirect.gather [hbm4b:s1+s15], $0x80, s19, s15, $0xb8;
	[tilespmem:$0x1EB80] =	vst v63  }
0xcf: {  	_ =	swait.ge [sflag:s31], $0x1400  }
0xd0: {  	[sflag:s31] =	ssyncset.done $0x0  }
0xd1: {  	s0 =	simm.s32 $0x168;
	s3 =	simm.s32 $0x320;
	[sflag:s31] =	ssyncadd.s32 $0xFFFFEC00  }
.LBB2_6:
0xd2: {  	[tilespmem:s22], [sflag:$0x5] =	stream.indirect.gather [hbm4b:s1+s15], $0x80, s0, s15, $0xb8;
	[tilespmem:$0x1EB80] =	vst v63  }
0xd3: {  	s0 =	smov.u32 s3  }
0xd4: {  	p1 =	sne.s32 s3, $0x9600;
	s3 =	sadd.s32 $0x320, s3;
	_ =	swait.ge [sflag:s13], $0x1400  }
0xd5: {  	s0 =	sshra.s32 s0, $0x2;
	[sflag:s13] =	ssyncset.done $0x0  }
0xd6: {  	s19 =	sadd.s32 $0x2780, s0;
	[sflag:s13] =	ssyncadd.s32 $0xFFFFEC00  }
0xd7: {  	[spmem:s2] =	stream.indirect.scatter.add.f32 [tilespmem:s11], [sflag:$0x6], $0x80, s19, s15, $0xb8;
	[tilespmem:$0x1EB80] =	vst v63  }
0xd8: {  	_ =	swait.ge [sflag:s14], $0x1400  }
0xd9: {  	[sflag:s14] =	ssyncset.done $0x0  }
0xda: {  	s19 =	sadd.s32 $0x27A8, s0;
	[sflag:s14] =	ssyncadd.s32 $0xFFFFEC00  }
0xdb: {  	[spmem:s2] =	stream.indirect.scatter.add.f32 [tilespmem:s16], [sflag:$0x7], $0x80, s19, s15, $0xb8;
	[tilespmem:$0x1EB80] =	vst v63  }
0xdc: {  	_ =	swait.ge [sflag:s10], $0x1400  }
0xdd: {  	[sflag:s10] =	ssyncset.done $0x0  }
0xde: {  	s19 =	sadd.s32 $0x27D0, s0;
	[sflag:s10] =	ssyncadd.s32 $0xFFFFEC00  }
0xdf: {  	[spmem:s2] =	stream.indirect.scatter.add.f32 [tilespmem:s18], [sflag:$0x8], $0x80, s19, s15, $0xb8;
	[tilespmem:$0x1EB80] =	vst v63  }
0xe0: {  	_ =	swait.ge [sflag:s23], $0x1400  }
0xe1: {  	[sflag:s23] =	ssyncset.done $0x0  }
0xe2: {  	s19 =	sadd.s32 $0x27F8, s0;
	[sflag:s23] =	ssyncadd.s32 $0xFFFFEC00  }
0xe3: {  	[spmem:s2] =	stream.indirect.scatter.add.f32 [tilespmem:s20], [sflag:$0x9], $0x80, s19, s15, $0xb8;
	[tilespmem:$0x1EB80] =	vst v63  }
0xe4: {  	_ =	swait.ge [sflag:s26], $0x1400  }
0xe5: {  	[sflag:s26] =	ssyncset.done $0x0  }
0xe6: {  	s19 =	sadd.s32 $0x2820, s0;
	[sflag:s26] =	ssyncadd.s32 $0xFFFFEC00  }
0xe7: {  	[spmem:s2] =	stream.indirect.scatter.add.f32 [tilespmem:s22], [sflag:$0xA], $0x80, s19, s15, $0xb8;
	[tilespmem:$0x1EB80] =	vst v63  }
0xe8: {  	_ =	swait.ge [sflag:s28], $0x1400  }
0xe9: {  	[sflag:s28] =	ssyncset.done $0x0  }
0xea: {  	s19 =	sadd.s32 $0xC8, s0;
	[sflag:s28] =	ssyncadd.s32 $0xFFFFEC00  }
0xeb: {  	[tilespmem:s11], [sflag:$0x1] =	stream.indirect.gather [hbm4b:s1+s15], $0x80, s19, s15, $0xb8;
	[tilespmem:$0x1EB80] =	vst v63  }
0xec: {  	_ =	swait.ge [sflag:s29], $0x1400  }
0xed: {  	[sflag:s29] =	ssyncset.done $0x0  }
0xee: {  	s19 =	sadd.s32 $0xF0, s0;
	[sflag:s29] =	ssyncadd.s32 $0xFFFFEC00  }
0xef: {  	[tilespmem:s16], [sflag:$0x2] =	stream.indirect.gather [hbm4b:s1+s15], $0x80, s19, s15, $0xb8;
	[tilespmem:$0x1EB80] =	vst v63  }
0xf0: {  	_ =	swait.ge [sflag:s30], $0x1400  }
0xf1: {  	[sflag:s30] =	ssyncset.done $0x0  }
0xf2: {  	s19 =	sadd.s32 $0x118, s0;
	[sflag:s30] =	ssyncadd.s32 $0xFFFFEC00  }
0xf3: {  	[tilespmem:s18], [sflag:$0x3] =	stream.indirect.gather [hbm4b:s1+s15], $0x80, s19, s15, $0xb8;
	[tilespmem:$0x1EB80] =	vst v63  }
0xf4: {  	_ =	swait.ge [sflag:s17], $0x1400  }
0xf5: {  	[sflag:s17] =	ssyncset.done $0x0  }
.Ltmp2:
0xf6: {  	s19 =	sadd.s32 $0x140, s0;
	[sflag:s17] =	ssyncadd.s32 $0xFFFFEC00;
	(pc) =	sbr.rel @p1 .LBB2_6-.Ltmp2, $4  }
0xf7: {  	[tilespmem:s20], [sflag:$0x4] =	stream.indirect.gather [hbm4b:s1+s15], $0x80, s19, s15, $0xb8;
	[tilespmem:$0x1EB80] =	vst v63  }
0xf8: {  	_ =	swait.ge [sflag:s31], $0x1400  }
0xf9: {  	[sflag:s31] =	ssyncset.done $0x0  }
0xfa: {  	s0 =	sadd.s32 $0x168, s0;
	[sflag:s31] =	ssyncadd.s32 $0xFFFFEC00  }
0xfb: {  	[tilespmem:s22], [sflag:$0x5] =	stream.indirect.gather [hbm4b:s1+s15], $0x80, s0, s15, $0xb8;
	[tilespmem:$0x1EB80] =	vst v63  }
0xfc: {  	_ =	swait.ge [sflag:s13], $0x1400  }
0xfd: {  	[sflag:s13] =	ssyncset.done $0x0  }
0xfe: {  	s19 =	simm.s32 $0x4DC8;
	[sflag:s13] =	ssyncadd.s32 $0xFFFFEC00  }
0xff: {  	[spmem:s2] =	stream.indirect.scatter.add.f32 [tilespmem:s11], [sflag:$0x6], $0x80, s19, s15, $0xb8;
	[tilespmem:$0x1EB80] =	vst v63  }
0x100: {  	_ =	swait.ge [sflag:s14], $0x1400  }
0x101: {  	[sflag:s14] =	ssyncset.done $0x0  }
0x102: {  	s3 =	simm.s32 $0x4DF0;
	[sflag:s14] =	ssyncadd.s32 $0xFFFFEC00  }
0x103: {  	[spmem:s2] =	stream.indirect.scatter.add.f32 [tilespmem:s16], [sflag:$0x7], $0x80, s3, s15, $0xb8;
	[tilespmem:$0x1EB80] =	vst v63  }
0x104: {  	_ =	swait.ge [sflag:s10], $0x1400  }
0x105: {  	[sflag:s10] =	ssyncset.done $0x0  }
0x106: {  	s19 =	simm.s32 $0x4E18;
	[sflag:s10] =	ssyncadd.s32 $0xFFFFEC00  }
0x107: {  	[spmem:s2] =	stream.indirect.scatter.add.f32 [tilespmem:s18], [sflag:$0x8], $0x80, s19, s15, $0xb8;
	[tilespmem:$0x1EB80] =	vst v63  }
0x108: {  	_ =	swait.ge [sflag:s23], $0x1400  }
0x109: {  	[sflag:s23] =	ssyncset.done $0x0  }
0x10a: {  	[sflag:s23] =	ssyncadd.s32 $0xFFFFEC00  }
0x10b: {  	[spmem:s2] =	stream.indirect.scatter.add.f32 [tilespmem:s20], [sflag:$0x9], $0x80, s8, s15, $0xb8;
	[tilespmem:$0x1EB80] =	vst v63  }
0x10c: {  	_ =	swait.ge [sflag:s26], $0x1400  }
0x10d: {  	[sflag:s26] =	ssyncset.done $0x0  }
0x10e: {  	[sflag:s26] =	ssyncadd.s32 $0xFFFFEC00  }
0x10f: {  	[spmem:s2] =	stream.indirect.scatter.add.f32 [tilespmem:s22], [sflag:$0xA], $0x80, s9, s15, $0xb8;
	[tilespmem:$0x1EB80] =	vst v63  }
0x110: {  	_ =	swait.ge [sflag:s28], $0x1400  }
0x111: {  	[sflag:s28] =	ssyncset.done $0x0  }
0x112: {  	[sflag:s28] =	ssyncadd.s32 $0xFFFFEC00  }
0x113: {  	_ =	swait.ge [sflag:s29], $0x1400  }
0x114: {  	[sflag:s29] =	ssyncset.done $0x0  }
0x115: {  	[sflag:s29] =	ssyncadd.s32 $0xFFFFEC00  }
0x116: {  	_ =	swait.ge [sflag:s30], $0x1400  }
0x117: {  	[sflag:s30] =	ssyncset.done $0x0  }
0x118: {  	[sflag:s30] =	ssyncadd.s32 $0xFFFFEC00  }
0x119: {  	_ =	swait.ge [sflag:s17], $0x1400  }
0x11a: {  	[sflag:s17] =	ssyncset.done $0x0  }
0x11b: {  	[sflag:s17] =	ssyncadd.s32 $0xFFFFEC00  }
0x11c: {  	_ =	swait.ge [sflag:s31], $0x1400  }
0x11d: {  	s0 =	stileid.u32;
	s21 =	sadd.s32 $0x1, s21;
	[sflag:s31] =	ssyncset.done $0x0  }
0x11e: {  	s0 =	sshll.u32 @!p0 s0, $0x6;
	p1 =	sne.s32 s21, s25;
	[sflag:s31] =	ssyncadd.s32 $0xFFFFEC00  }
0x11f: {  	s0 =	sor.u32 @!p0 $0x1C0B, s0;
	s3 =	sshrl.u32 @!p0 s7, $0x3;
	[bflag:$0x0] =	sbarrier.arrive $0xFFFF  }
0x120: {  	[hbm:s24], [sflag:s0] =	dma.local @!p0 [spmem:s3], $0x3E80  }
.Ltmp3:
0x121: {  	_ = 	snop;
	(pc) =	sbr.rel @p1 .LBB2_1-.Ltmp3, $4  }
0x122: {  	s0 =	simm.s32 @!p0 $0xB  }
0x123: {  	_ =	swait.ge @!p0 [sflag:s0], $0x3E80  }
0x124: {  	[sflag:s0] =	ssyncset.done @!p0 $0x0  }
0x125: {  	[sflag:s0] =	ssyncadd.s32 @!p0 $0xFFFFC180  }
0x126: {  	_ =	sfence.sel $0x180000  }
0x127: {  	[bflag:$0x0] =	sbarrier.arrive $0xFFFF  }
0x128: {  	_ =	strace $0x9000004A  }
0x129: {  	s0 =	stileid.u32;
	[bflag:$0x2] =	sbarrier.arrive $0xFFFF  }
0x12a: {  	p0 =	sne.s32 s0, $0x0;
	s0 =	rddreg [dreg:$0x3]  }
0x12b: {  	s0 =	sadd.s32 @!p0 $0x100000, s0  }
0x12c: {  	[sflag:s0] =	ssyncadd.tile.s32 @!p0 $0x1;
	_ =	shalt  }
.Lfunc_end2:
_tile_overlayer_lowered:
.L_overlay_start_2:
0x12d: {  	(tag) =	ssettag $0x2  }
0x12e: {  	s0 =	rddreg [dreg:$0x0];
	s2 =	stileid.u32  }
0x12f: {  	s1 =	rddreg [dreg:$0x1];
	p0 =	sne.s32 s2, $0x0  }
0x130: {  	s3 =	rddreg [dreg:$0x2];
	[bflag:$0x3] =	sbarrier.arrive $0xFFFF;
	s2 =	simm.s32 @!p0 $0x1C0B  }
0x131: {  	[timem:s3], [sflag:s2] =	dma.local @!p0 [hbm:s0], s1  }
0x132: {  	s0 =	simm.s32 @!p0 $0xB  }
0x133: {  	_ =	swait.ge @!p0 [sflag:s0], s1  }
0x134: {  	s1 =	ssub.s32 @!p0 $0x0, s1;
	[sflag:s0] =	ssyncset.done @!p0 $0x0  }
0x135: {  	[sflag:s0] =	ssyncadd.s32 @!p0 s1  }
0x136: {  	[bflag:$0x3] =	sbarrier.arrive $0xFFFF  }
0x137: {  	_ =	shalt  }

// kernel: kernel.14.cloned.1.call-start
scs
__scs_entry_jumppad:
0x0: {  	(pc) =	sbr.rel $0x88, $3  }
0x1: {  	(tag) =	ssettag $0x0;
	lr =	simm.s32 $0x1  }
0x2: {  	[smem:$0x3F9B] =	sst lr;
	_ =	strace $0xD0000000  }
0x3: {  	_ = 	snop  }
0x4: {  	_ = 	snop  }
0x5: {  	_ = 	snop  }
0x6: {  	_ = 	snop  }
0x7: {  	_ = 	snop  }
__scs_overlays_trampoline_lowered:
0x8: {  	[smem:$0x3FAA] =	sst s0  }
0x9: {  	[smem:$0x3FAB] =	sst s1  }
0xa: {  	[smem:$0x3FAC] =	sst s2  }
0xb: {  	[smem:$0x3FAD] =	sst s3  }
0xc: {  	[smem:$0x3FAE] =	sst s4  }
0xd: {  	[smem:$0x3FAF] =	sst s5  }
0xe: {  	[smem:$0x3FB0] =	sst s6  }
0xf: {  	[smem:$0x3FB1] =	sst s7  }
0x10: {  	[smem:$0x3FB2] =	sst s8  }
0x11: {  	[smem:$0x3FB3] =	sst s9;
	s0 =	simm.s32 @!p0 $0x0  }
0x12: {  	s1 =	sld [smem:$0x3F99];
	s0 =	simm.s32 @p0 $0x1  }
0x13: {  	[smem:$0x3FB4] =	sst s0;
	s0 =	simm.s32 @!p1 $0x0  }
0x14: {  	s2 =	sld [smem:$0x3F98];
	s0 =	simm.s32 @p1 $0x1  }
0x15: {  	[smem:$0x3FB5] =	sst s0;
	s0 =	simm.s32 @!p2 $0x0  }
0x16: {  	s3 =	sld [smem:$0x3FDB];
	s0 =	simm.s32 @p2 $0x1  }
0x17: {  	s4 =	simm.s32 $0x1BF5;
	[smem:$0x3FB7] =	sst s0  }
0x18: {  	s0 =	sld [smem:$0x3F9A];
	_ =	swait.ge [sflag:s4], $0x0  }
0x19: {  	s7 =	sld [smem:$0x3F9B]  }
0x1a: {  	s8 =	sadd.s32 $0xFFFFE003, lr  }
0x1b: {  	s9 =	sadd.s32 $0xFFFFFEF7, lr;
	s5 =	simm.s32 $0xFFFFFFFF;
	p2 =	slt.u32 s8, $0xFFFFF086  }
0x1c: {  	p1 =	slt.u32 s9, $0xF7A;
	s5 =	simm.s32 @!p2 $0x0  }
0x1d: {  	s5 =	simm.s32 @p1 $0x1;
	p0 =	seq.s32 s7, s2  }
0x1e: {  	s7 =	smul.u32 @!p0 $0xF7A, s2;
	p2 =	seq.s32 @!p0 s5, $0x0  }
0x1f: {  	s9 =	smul.u32 $0xF7A, s1;
	s8 =	simm.s32 @!p0 $0x1BF5;
	p2 =	por !p2, p0  }
0x20: {  	[sflag:s8] =	ssyncset.s32 @!p0 $0xFFFFF086;
	s6 =	sadd.s32 @!p0 s3, s7;
	s7 =	simm.s32 @!p0 $0x108  }
0x21: {  	s3 =	sadd.s32 s3, s9;
	s6 =	sadd.s32 @!p0 $0x88, s6;
	s7 =	simm.s32 @p2 $0x1082  }
0x22: {  	[simem:s7], [sflag:s8] =	dma.local @!p0 [hbm:s6], $0xF7A  }
0x23: {  	s9 =	sor.u32 $0xD0000000, s2;
	s6 =	simm.s32 $0x108;
	_ =	swait.ge @!p0 [sflag:s8], $0x0  }
0x24: {  	s3 =	sadd.s32 $0x88, s3;
	s6 =	simm.s32 @!p1 $0x1082;
	[sflag:s4] =	ssyncset.s32 $0xFFFFF086  }
0x25: {  	[simem:s6], [sflag:s4] =	dma.local [hbm:s3], $0xF7A  }
0x26: {  	[smem:$0x3F9B] =	sst s1;
	(tag) =	ssettag s2;
	_ =	strace s9  }
0x27: {  	s1 =	sld [smem:$0x3FAB]  }
0x28: {  	s2 =	sld [smem:$0x3FAC]  }
0x29: {  	s4 =	sld [smem:$0x3FAE]  }
0x2a: {  	p0 =	seq.s32 s5, $0x0;
	s5 =	sld [smem:$0x3FAF]  }
0x2b: {  	s6 =	sld [smem:$0x3FB0]  }
0x2c: {  	s7 =	sld [smem:$0x3FB1]  }
0x2d: {  	s3 =	simm.s32 $0x108;
	s8 =	sld [smem:$0x3FB2]  }
0x2e: {  	s3 =	simm.s32 @!p0 $0x1082;
	s9 =	sld [smem:$0x3FB3]  }
0x2f: {  	lr =	sadd.s32 s0, s3;
	s0 =	sld [smem:$0x3FAA]  }
0x30: {  	s3 =	sld [smem:$0x3FAD]  }
0x31: {  	[smem:$0x3FB6] =	sst s10  }
0x32: {  	s10 =	sld [smem:$0x3FB4];
	_ =	sdelay $0x3  }
0x33: {  	p0 =	seq.s32 s10, $0x1;
	s10 =	sld [smem:$0x3FB6];
	_ =	sdelay $0x3  }
0x34: {  	[smem:$0x3FB6] =	sst s10  }
0x35: {  	s10 =	sld [smem:$0x3FB5];
	_ =	sdelay $0x3  }
0x36: {  	p1 =	seq.s32 s10, $0x1;
	s10 =	sld [smem:$0x3FB6];
	_ =	sdelay $0x3  }
0x37: {  	[smem:$0x3FB6] =	sst s10  }
0x38: {  	s10 =	sld [smem:$0x3FB7]  }
0x39: {  	_ = 	snop;
	(pc) =	sbr.ind lr, $3  }
0x3a: {  	_ = 	snop  }
0x3b: {  	_ = 	snop  }
0x3c: {  	p2 =	seq.s32 s10, $0x1;
	s10 =	sld [smem:$0x3FB6]  }
0x3d: {  	_ =	shalt  }
0x3e: {  	_ =	shalt  }
0x3f: {  	_ =	shalt  }
0x40: {  	_ =	shalt  }
0x41: {  	_ =	shalt  }
0x42: {  	_ =	shalt  }
0x43: {  	_ =	shalt  }
0x44: {  	_ =	shalt  }
0x45: {  	_ =	shalt  }
0x46: {  	_ =	shalt  }
0x47: {  	_ =	shalt  }
0x48: {  	_ =	shalt  }
0x49: {  	_ =	shalt  }
0x4a: {  	_ =	shalt  }
0x4b: {  	_ =	shalt  }
0x4c: {  	_ =	shalt  }
0x4d: {  	_ =	shalt  }
0x4e: {  	_ =	shalt  }
0x4f: {  	_ =	shalt  }
0x50: {  	_ =	shalt  }
0x51: {  	_ =	shalt  }
0x52: {  	_ =	shalt  }
0x53: {  	_ =	shalt  }
0x54: {  	_ =	shalt  }
0x55: {  	_ =	shalt  }
0x56: {  	_ =	shalt  }
0x57: {  	_ =	shalt  }
0x58: {  	_ =	shalt  }
0x59: {  	_ =	shalt  }
0x5a: {  	_ =	shalt  }
0x5b: {  	_ =	shalt  }
0x5c: {  	_ =	shalt  }
0x5d: {  	_ =	shalt  }
0x5e: {  	_ =	shalt  }
0x5f: {  	_ =	shalt  }
0x60: {  	_ =	shalt  }
0x61: {  	_ =	shalt  }
0x62: {  	_ =	shalt  }
0x63: {  	_ =	shalt  }
0x64: {  	_ =	shalt  }
0x65: {  	_ =	shalt  }
0x66: {  	_ =	shalt  }
0x67: {  	_ =	shalt  }
0x68: {  	_ =	shalt  }
0x69: {  	_ =	shalt  }
0x6a: {  	_ =	shalt  }
0x6b: {  	_ =	shalt  }
0x6c: {  	_ =	shalt  }
0x6d: {  	_ =	shalt  }
0x6e: {  	_ =	shalt  }
0x6f: {  	_ =	shalt  }
0x70: {  	_ =	shalt  }
0x71: {  	_ =	shalt  }
0x72: {  	_ =	shalt  }
0x73: {  	_ =	shalt  }
0x74: {  	_ =	shalt  }
0x75: {  	_ =	shalt  }
0x76: {  	_ =	shalt  }
0x77: {  	_ =	shalt  }
0x78: {  	_ =	shalt  }
0x79: {  	_ =	shalt  }
0x7a: {  	_ =	shalt  }
0x7b: {  	_ =	shalt  }
0x7c: {  	_ =	shalt  }
0x7d: {  	_ =	shalt  }
0x7e: {  	_ =	shalt  }
0x7f: {  	_ =	shalt  }
0x80: {  	_ =	shalt  }
0x81: {  	_ =	shalt  }
0x82: {  	_ =	shalt  }
0x83: {  	_ =	shalt  }
0x84: {  	_ =	shalt  }
0x85: {  	_ =	shalt  }
0x86: {  	_ =	shalt  }
0x87: {  	_ =	shalt  }
.Lfunc_end0:
.L_simem_size_0:
called_computation.2_lowered:
.L_overlay_start_0:
0x88: {  	s2 =	sld [smem:$0x3FD9]  }
0x89: {  	s3 =	sld [smem:$0x3FFE];
	_ =	sdelay $0x1  }
0x8a: {  	s1 =	srdreg.scid  }
0x8b: {  	s0 =	sand.u32 $0x1, s1  }
0x8c: {  	s17 =	sshll.u32 s0, $0xA;
	s2 =	sadd.s32 s3, s2  }
0x8d: {  	s2 =	sadd.s32 s2, s17  }
0x8e: {  	[smem:$0x3FC2] =	sst s2  }
0x8f: {  	_ = 	snop  }
0x90: {  	s2 =	sld [smem:$0x3FD0];
	(tm) =	ssettm $0x1  }
0x91: {  	s18 =	sld [smem:$0x3FFB];
	_ =	sdelay $0x3  }
0x92: {  	_ =	strace s18  }
0x93: {  	s3 =	sld [smem:$0x3FFC];
	_ =	sdelay $0x3  }
0x94: {  	_ =	strace s3  }
0x95: {  	s3 =	sld [smem:$0x3FFD];
	_ =	sdelay $0x3  }
0x96: {  	_ =	strace s3  }
0x97: {  	_ =	strace $0x8FFFFFFF  }
0x98: {  	s19 =	sld [smem:$0x3FDB];
	_ =	sdelay $0x1  }
0x99: {  	s4 =	simm.s32 $_scs_section_size  }
0x9a: {  	s5 =	simm.s32 $_size__tile_overlayer_lowered;
	s6 =	simm.s32 $_tile_overlayer_lowered  }
0x9b: {  	s22 =	simm.s32 $0x1BFF;
	s21 =	sshll.u32 s6, $0x1;
	s3 =	sadd.s32 s4, s19  }
0x9c: {  	s7 =	simm.s32 $0x0;
	s20 =	sshll.u32 s5, $0x1;
	s5 =	sadd.s32 s21, s3  }
0x9d: {  	[timem:s7], [sflag:s22] =	dma.local [hbm:s5], s20  }
0x9e: {  	_ =	swait.ge [sflag:s22], s20  }
0x9f: {  	s4 =	ssub.s32 $0x0, s20;
	[sflag:s22] =	ssyncset.done $0x0  }
0xa0: {  	[sflag:s22] =	ssyncadd.s32 s4;
	_ =	sdelay $0x1  }
0xa1: {  	s23 =	simm.s32 $0x1B8B  }
0xa2: {  	_ =	swait.ge [sflag:s23], $0x1  }
0xa3: {  	[sflag:s23] =	ssyncset.done $0x0  }
0xa4: {  	s25 =	simm.s32 $0x1B8E;
	s24 =	sld [smem:$0x3FFE];
	[sflag:s23] =	ssyncadd.s32 $0xFFFFFFFF  }
0xa5: {  	s26 =	simm.s32 $execute0_lowered;
	[smem:$0x3FD2] =	sst s25  }
0xa6: {  	s5 =	sshll.u32 s26, $0x1;
	_ =	strace $0x8000004C;
	[dreg:$0x1] =	wrdreg $0xFFFFFFFF  }
0xa7: {  	s28 =	simm.s32 $_size_execute0_lowered;
	s3 =	sadd.s32 s3, s5;
	[dreg:$0x0] =	wrdreg $0x0  }
0xa8: {  	s5 =	sshll.u32 s28, $0x1;
	[dreg:$0x2] =	wrdreg s3  }
0xa9: {  	[dreg:$0x3] =	wrdreg s5  }
0xaa: {  	[dreg:$0x4] =	wrdreg $0xC0  }
0xab: {  	_ =	task [dreg:s7], $0x5FFFF  }
0xac: {  	[dreg:$0x1] =	wrdreg $0xFFFFFFFF  }
0xad: {  	[dreg:$0x0] =	wrdreg $0x60  }
0xae: {  	[dreg:$0x2] =	wrdreg s2  }
0xaf: {  	[dreg:$0x3] =	wrdreg s24  }
0xb0: {  	[dreg:$0x4] =	wrdreg $0xB3000  }
0xb1: {  	[dreg:$0x5] =	wrdreg $0x9  }
0xb2: {  	_ =	task.clear_ibuf [dreg:s7], $0x6FFFF;
	_ =	strace $0x9000004C  }
0xb3: {  	s29 =	simm.s32 $0x9;
	_ =	strace $0x8000004E  }
0xb4: {  	_ =	swait.ge [sflag:s29], $0x1  }
0xb5: {  	[sflag:s29] =	ssyncadd.s32 $0xFFFFFFFF  }
0xb6: {  	_ =	strace $0x9000004E  }
0xb7: {  	_ =	sfence  }
0xb8: {  	s30 =	sld [smem:$0x0];
	_ =	sdelay $0x2  }
0xb9: {  	s31 =	sshll.u32 s1, $0xD;
	s1 =	sshrl.u32 s1, $0x2  }
0xba: {  	s3 =	sand.u32 $0x4000, s31;
	s1 =	sadd.s32 s1, s30  }
0xbb: {  	s0 =	sor.u32 s3, s0;
	s1 =	sshll.u32 s1, $0x11  }
0xbc: {  	s0 =	sor.u32 s1, s0  }
0xbd: {  	s0 =	sadd.s32 $0x8F2B, s0  }
0xbe: {  	[sflag:s0] =	ssyncadd.remote.s32 $0x1  }
0xbf: {  	_ =	sfence.sel $0xFFFF  }
0xc0: {  	[dreg:$0x0] =	wrdreg $0xFFFFFFFF;
	(pc) =	sbr.abs _section_cstart, $3  }
0xc1: {  	[dreg:$0x1] =	wrdreg $0xFFFFFFFF  }
0xc2: {  	_ =	task.clear_ibuf [dreg:s7], $0x2FFFF;
	_ =	strace $0x9FFFFFFF  }
0xc3: {  	(tm) =	ssettm $0x7FFFFFFF  }
tec
execute0_lowered:
.L_overlay_start_1:
0x0: {  	(tag) =	ssettag $0x1  }
0x1: {  	s9 =	stileid.u32  }
0x2: {  	s3 =	srdreg.scid;
	s7 =	smul.u32 $0x1F400, s9  }
0x3: {  	s1 =	rddreg [dreg:$0x0];
	s3 =	sand.u32 $0x1, s3;
	s15 =	smul.u32 $0x7D000, s9  }
0x4: {  	s0 =	rddreg [dreg:$0x1];
	s6 =	smul.u32 $0x138800, s3  }
0x5: {  	s2 =	rddreg [dreg:$0x2];
	s4 =	simm.s32 $0x0  }
0x6: {  	s28 =	simm.s32 $0x6;
	s6 =	sadd.s32 s7, s6;
	s7 =	sshrl.u32 s15, $0x2  }
0x7: {  	s29 =	simm.s32 $0x7;
	s30 =	simm.s32 $0x8;
	s7 =	sadd.s32 s7, s2  }
0x8: {  	s31 =	simm.s32 $0xA;
	[smem:$0x7FF] =	sst s4;
	s18 =	sadd.s32 $0x1400, s7  }
0x9: {  	_ =	strace $0x8000004D;
	s19 =	sadd.s32 $0x2800, s7;
	[dreg:$0x4] =	wrdreg s18  }
0xa: {  	p0 =	sgt.u32 s9, $0x9;
	s20 =	sadd.s32 $0x3C00, s7;
	[dreg:$0x5] =	wrdreg s19  }
0xb: {  	s5 =	sshll.u32 s3, $0x4;
	s21 =	sadd.s32 $0x5000, s7;
	[dreg:$0x6] =	wrdreg s20  }
0xc: {  	s3 =	ssub.s32 $0x2, s3;
	s22 =	sadd.s32 $0x6400, s7;
	[dreg:$0x7] =	wrdreg s21  }
0xd: {  	s5 =	sor.u32 s9, s5;
	s23 =	sadd.s32 $0x7800, s7;
	[dreg:$0x8] =	wrdreg s22  }
0xe: {  	s17 =	sshrl.u32 s3, $0x1;
	s24 =	sadd.s32 $0x8C00, s7;
	[dreg:$0x9] =	wrdreg s23  }
0xf: {  	s9 =	simm.s32 $0x4E68;
	s25 =	sadd.s32 $0xA000, s7;
	[dreg:$0xa] =	wrdreg s24  }
0x10: {  	s5 =	smul.u32 $0x4E2, s5;
	s26 =	sadd.s32 $0xB400, s7;
	[dreg:$0xb] =	wrdreg s25  }
0x11: {  	s3 =	ssub.s32 s3, s17;
	s10 =	sadd.s32 $0xC800, s7;
	[dreg:$0xc] =	wrdreg s26  }
0x12: {  	s16 =	sshrl.u32 s6, $0x3;
	s11 =	sadd.s32 $0xDC00, s7;
	[dreg:$0xd] =	wrdreg s10  }
0x13: {  	s8 =	sadd.s32 s5, s0;
	s12 =	sadd.s32 $0xF000, s7;
	[dreg:$0xe] =	wrdreg s11  }
0x14: {  	s0 =	sadd.s32 s16, s0;
	s13 =	sadd.s32 $0x10400, s7;
	[dreg:$0xf] =	wrdreg s12  }
0x15: {  	s14 =	sadd.s32 $0x11800, s7;
	s15 =	sadd.s32 $0x12C00, s7;
	[dreg:$0x10] =	wrdreg s13  }
0x16: {  	s16 =	sadd.s32 $0x14000, s7;
	s17 =	sadd.s32 $0x15400, s7;
	[dreg:$0x11] =	wrdreg s14  }
0x17: {  	s5 =	sadd.s32 $0x1E00, s8;
	s6 =	sadd.s32 $0xBC00, s8;
	[dreg:$0x12] =	wrdreg s15  }
0x18: {  	[dreg:$0x13] =	wrdreg s16;
	s24 =	sadd.s32 $0x15A00, s0;
	s25 =	smax.u32 s3, $0x1  }
0x19: {  	[dreg:$0x14] =	wrdreg s17;
	s18 =	sadd.s32 $0x16800, s7;
	s19 =	sadd.s32 $0x17C00, s7  }
0x1a: {  	s20 =	sadd.s32 $0x19000, s7;
	s21 =	sadd.s32 $0x1A400, s7;
	[dreg:$0x15] =	wrdreg s18  }
0x1b: {  	s22 =	sadd.s32 $0x1B800, s7;
	s23 =	sadd.s32 $0x1CC00, s7;
	[dreg:$0x16] =	wrdreg s19  }
0x1c: {  	s26 =	sadd.s32 $0x1E000, s7;
	s11 =	simm.s32 $0x4F00;
	[dreg:$0x17] =	wrdreg s20  }
0x1d: {  	s12 =	simm.s32 $0xB;
	s13 =	simm.s32 $0x1;
	[dreg:$0x18] =	wrdreg s21  }
0x1e: {  	s14 =	simm.s32 $0x2;
	s15 =	simm.s32 $0x28;
	[dreg:$0x19] =	wrdreg s22  }
0x1f: {  	s16 =	simm.s32 $0x6300;
	s10 =	simm.s32 $0x3;
	[dreg:$0x1a] =	wrdreg s23  }
0x20: {  	s17 =	simm.s32 $0x9;
	s8 =	simm.s32 $0x4E40;
	[dreg:$0x1b] =	wrdreg s26  }
0x21: {  	s18 =	simm.s32 $0x7700;
	s20 =	simm.s32 $0x8B00;
	s22 =	simm.s32 $0x9F00  }
0x22: {  	v0 =	vimm.f32 $0.0e+00;
	s23 =	simm.s32 $0x4;
	s26 =	simm.s32 $0x5;
	s21 =	simm.s32 $0x0  }
.LBB2_1:
0x23: {  	[tilespmem:s4], [sflag:$0x1] =	stream.linear.gather [hbm4b:s5+s4], $0x2710, $0x38;
	[tilespmem:$0x1EB80] =	vst v63  }
0x24: {  	s0 =	simm.s32 $0x2780  }
0x25: {  	[tilespmem:s0], [sflag:$0x2] =	stream.linear.gather [hbm4b:s6+s4], $0x2710, $0x38;
	[tilespmem:$0x1EB80] =	vst v63  }
0x26: {  	s3 =	simm.s32 $0x3C0;
	s0 =	simm.s32 $0x70  }
.LBB2_2:
0x27: {  	p1 =	sne.s32 s3, $0x4FC0;
	[tilespmem:s0+$0x4F00] =	vst v0  }
0x28: {  	[tilespmem:s0+$0x4E90] =	vst v0  }
0x29: {  	[tilespmem:s0+$0x4EA0] =	vst v0  }
.Ltmp0:
0x2a: {  	[tilespmem:s0+$0x4EB0] =	vst v0;
	(pc) =	sbr.rel @p1 .LBB2_2-.Ltmp0, $4  }
0x2b: {  	[tilespmem:s0+$0x4EC0] =	vst v0  }
0x2c: {  	[tilespmem:s0+$0x4ED0] =	vst v0  }
0x2d: {  	[tilespmem:s0+$0x4EE0] =	vst v0  }
0x2e: {  	[tilespmem:s0+$0x4EF0] =	vst v0;
	s0 =	sshra.s32 s3, $0x2;
	s3 =	sadd.s32 $0x200, s3  }
0x2f: {  	[tilespmem:s0+$0x4F00] =	vst v0  }
0x30: {  	[tilespmem:s0+$0x4E90] =	vst v0  }
0x31: {  	[tilespmem:s0+$0x4EA0] =	vst v0  }
.Ltmp1:
0x32: {  	[tilespmem:s0+$0x4EB0] =	vst v0;
	(pc) =	sbr.rel @p0 .LBB2_5-.Ltmp1, $4  }
0x33: {  	[tilespmem:s0+$0x4EC0] =	vst v0  }
0x34: {  	[tilespmem:s0+$0x4ED0] =	vst v0  }
0x35: {  	[tilespmem:s0+$0x4EE0] =	vst v0  }
0x36: {  	[tilespmem:s0+$0x4EF0] =	vst v0  }
0x37: {  	[spmem:s7] =	stream.linear.scatter [tilespmem:s11], [sflag:$0xB], $0x1400, $0x38;
	[tilespmem:$0x1EB80] =	vst v63  }
0x38: {  	_ =	swait.ge [sflag:s12], $0x1400  }
0x39: {  	[sflag:s12] =	ssyncset.done $0x0  }
0x3a: {  	s0 =	rddreg [dreg:$0x4];
	[sflag:s12] =	ssyncadd.s32 $0xFFFFEC00  }
0x3b: {  	[spmem:s0] =	stream.linear.scatter [tilespmem:s11], [sflag:$0xB], $0x1400, $0x38;
	[tilespmem:$0x1EB80] =	vst v63  }
0x3c: {  	_ =	swait.ge [sflag:s12], $0x1400  }
0x3d: {  	[sflag:s12] =	ssyncset.done $0x0  }
0x3e: {  	s19 =	rddreg [dreg:$0x5];
	[sflag:s12] =	ssyncadd.s32 $0xFFFFEC00  }
0x3f: {  	[spmem:s19] =	stream.linear.scatter [tilespmem:s11], [sflag:$0xB], $0x1400, $0x38;
	[tilespmem:$0x1EB80] =	vst v63  }
0x40: {  	_ =	swait.ge [sflag:s12], $0x1400  }
0x41: {  	[sflag:s12] =	ssyncset.done $0x0  }
0x42: {  	s3 =	rddreg [dreg:$0x6];
	[sflag:s12] =	ssyncadd.s32 $0xFFFFEC00  }
0x43: {  	[spmem:s3] =	stream.linear.scatter [tilespmem:s11], [sflag:$0xB], $0x1400, $0x38;
	[tilespmem:$0x1EB80] =	vst v63  }
0x44: {  	_ =	swait.ge [sflag:s12], $0x1400  }
0x45: {  	[sflag:s12] =	ssyncset.done $0x0  }
0x46: {  	s19 =	rddreg [dreg:$0x7];
	[sflag:s12] =	ssyncadd.s32 $0xFFFFEC00  }
0x47: {  	[spmem:s19] =	stream.linear.scatter [tilespmem:s11], [sflag:$0xB], $0x1400, $0x38;
	[tilespmem:$0x1EB80] =	vst v63  }
0x48: {  	_ =	swait.ge [sflag:s12], $0x1400  }
0x49: {  	[sflag:s12] =	ssyncset.done $0x0  }
0x4a: {  	s3 =	rddreg [dreg:$0x8];
	[sflag:s12] =	ssyncadd.s32 $0xFFFFEC00  }
0x4b: {  	[spmem:s3] =	stream.linear.scatter [tilespmem:s11], [sflag:$0xB], $0x1400, $0x38;
	[tilespmem:$0x1EB80] =	vst v63  }
0x4c: {  	_ =	swait.ge [sflag:s12], $0x1400  }
0x4d: {  	[sflag:s12] =	ssyncset.done $0x0  }
0x4e: {  	s19 =	rddreg [dreg:$0x9];
	[sflag:s12] =	ssyncadd.s32 $0xFFFFEC00  }
0x4f: {  	[spmem:s19] =	stream.linear.scatter [tilespmem:s11], [sflag:$0xB], $0x1400, $0x38;
	[tilespmem:$0x1EB80] =	vst v63  }
0x50: {  	_ =	swait.ge [sflag:s12], $0x1400  }
0x51: {  	[sflag:s12] =	ssyncset.done $0x0  }
0x52: {  	s3 =	rddreg [dreg:$0xa];
	[sflag:s12] =	ssyncadd.s32 $0xFFFFEC00  }
0x53: {  	[spmem:s3] =	stream.linear.scatter [tilespmem:s11], [sflag:$0xB], $0x1400, $0x38;
	[tilespmem:$0x1EB80] =	vst v63  }
0x54: {  	_ =	swait.ge [sflag:s12], $0x1400  }
0x55: {  	[sflag:s12] =	ssyncset.done $0x0  }
0x56: {  	s19 =	rddreg [dreg:$0xb];
	[sflag:s12] =	ssyncadd.s32 $0xFFFFEC00  }
0x57: {  	[spmem:s19] =	stream.linear.scatter [tilespmem:s11], [sflag:$0xB], $0x1400, $0x38;
	[tilespmem:$0x1EB80] =	vst v63  }
0x58: {  	_ =	swait.ge [sflag:s12], $0x1400  }
0x59: {  	[sflag:s12] =	ssyncset.done $0x0  }
0x5a: {  	s3 =	rddreg [dreg:$0xc];
	[sflag:s12] =	ssyncadd.s32 $0xFFFFEC00  }
0x5b: {  	[spmem:s3] =	stream.linear.scatter [tilespmem:s11], [sflag:$0xB], $0x1400, $0x38;
	[tilespmem:$0x1EB80] =	vst v63  }
0x5c: {  	_ =	swait.ge [sflag:s12], $0x1400  }
0x5d: {  	[sflag:s12] =	ssyncset.done $0x0  }
0x5e: {  	s19 =	rddreg [dreg:$0xd];
	[sflag:s12] =	ssyncadd.s32 $0xFFFFEC00  }
0x5f: {  	[spmem:s19] =	stream.linear.scatter [tilespmem:s11], [sflag:$0xB], $0x1400, $0x38;
	[tilespmem:$0x1EB80] =	vst v63  }
0x60: {  	_ =	swait.ge [sflag:s12], $0x1400  }
0x61: {  	[sflag:s12] =	ssyncset.done $0x0  }
0x62: {  	s3 =	rddreg [dreg:$0xe];
	[sflag:s12] =	ssyncadd.s32 $0xFFFFEC00  }
0x63: {  	[spmem:s3] =	stream.linear.scatter [tilespmem:s11], [sflag:$0xB], $0x1400, $0x38;
	[tilespmem:$0x1EB80] =	vst v63  }
0x64: {  	_ =	swait.ge [sflag:s12], $0x1400  }
0x65: {  	[sflag:s12] =	ssyncset.done $0x0  }
0x66: {  	s19 =	rddreg [dreg:$0xf];
	[sflag:s12] =	ssyncadd.s32 $0xFFFFEC00  }
0x67: {  	[spmem:s19] =	stream.linear.scatter [tilespmem:s11], [sflag:$0xB], $0x1400, $0x38;
	[tilespmem:$0x1EB80] =	vst v63  }
0x68: {  	_ =	swait.ge [sflag:s12], $0x1400  }
0x69: {  	[sflag:s12] =	ssyncset.done $0x0  }
0x6a: {  	s3 =	rddreg [dreg:$0x10];
	[sflag:s12] =	ssyncadd.s32 $0xFFFFEC00  }
0x6b: {  	[spmem:s3] =	stream.linear.scatter [tilespmem:s11], [sflag:$0xB], $0x1400, $0x38;
	[tilespmem:$0x1EB80] =	vst v63  }
0x6c: {  	_ =	swait.ge [sflag:s12], $0x1400  }
0x6d: {  	[sflag:s12] =	ssyncset.done $0x0  }
0x6e: {  	s19 =	rddreg [dreg:$0x11];
	[sflag:s12] =	ssyncadd.s32 $0xFFFFEC00  }
0x6f: {  	[spmem:s19] =	stream.linear.scatter [tilespmem:s11], [sflag:$0xB], $0x1400, $0x38;
	[tilespmem:$0x1EB80] =	vst v63  }
0x70: {  	_ =	swait.ge [sflag:s12], $0x1400  }
0x71: {  	[sflag:s12] =	ssyncset.done $0x0  }
0x72: {  	s3 =	rddreg [dreg:$0x12];
	[sflag:s12] =	ssyncadd.s32 $0xFFFFEC00  }
0x73: {  	[spmem:s3] =	stream.linear.scatter [tilespmem:s11], [sflag:$0xB], $0x1400, $0x38;
	[tilespmem:$0x1EB80] =	vst v63  }
0x74: {  	_ =	swait.ge [sflag:s12], $0x1400  }
0x75: {  	[sflag:s12] =	ssyncset.done $0x0  }
0x76: {  	s19 =	rddreg [dreg:$0x13];
	[sflag:s12] =	ssyncadd.s32 $0xFFFFEC00  }
0x77: {  	[spmem:s19] =	stream.linear.scatter [tilespmem:s11], [sflag:$0xB], $0x1400, $0x38;
	[tilespmem:$0x1EB80] =	vst v63  }
0x78: {  	_ =	swait.ge [sflag:s12], $0x1400  }
0x79: {  	[sflag:s12] =	ssyncset.done $0x0  }
0x7a: {  	s3 =	rddreg [dreg:$0x14];
	[sflag:s12] =	ssyncadd.s32 $0xFFFFEC00  }
0x7b: {  	[spmem:s3] =	stream.linear.scatter [tilespmem:s11], [sflag:$0xB], $0x1400, $0x38;
	[tilespmem:$0x1EB80] =	vst v63  }
0x7c: {  	_ =	swait.ge [sflag:s12], $0x1400  }
0x7d: {  	[sflag:s12] =	ssyncset.done $0x0  }
0x7e: {  	s19 =	rddreg [dreg:$0x15];
	[sflag:s12] =	ssyncadd.s32 $0xFFFFEC00  }
0x7f: {  	[spmem:s19] =	stream.linear.scatter [tilespmem:s11], [sflag:$0xB], $0x1400, $0x38;
	[tilespmem:$0x1EB80] =	vst v63  }
0x80: {  	_ =	swait.ge [sflag:s12], $0x1400  }
0x81: {  	[sflag:s12] =	ssyncset.done $0x0  }
0x82: {  	s3 =	rddreg [dreg:$0x16];
	[sflag:s12] =	ssyncadd.s32 $0xFFFFEC00  }
0x83: {  	[spmem:s3] =	stream.linear.scatter [tilespmem:s11], [sflag:$0xB], $0x1400, $0x38;
	[tilespmem:$0x1EB80] =	vst v63  }
0x84: {  	_ =	swait.ge [sflag:s12], $0x1400  }
0x85: {  	[sflag:s12] =	ssyncset.done $0x0  }
0x86: {  	s19 =	rddreg [dreg:$0x17];
	[sflag:s12] =	ssyncadd.s32 $0xFFFFEC00  }
0x87: {  	[spmem:s19] =	stream.linear.scatter [tilespmem:s11], [sflag:$0xB], $0x1400, $0x38;
	[tilespmem:$0x1EB80] =	vst v63  }
0x88: {  	_ =	swait.ge [sflag:s12], $0x1400  }
0x89: {  	[sflag:s12] =	ssyncset.done $0x0  }
0x8a: {  	s3 =	rddreg [dreg:$0x18];
	[sflag:s12] =	ssyncadd.s32 $0xFFFFEC00  }
0x8b: {  	[spmem:s3] =	stream.linear.scatter [tilespmem:s11], [sflag:$0xB], $0x1400, $0x38;
	[tilespmem:$0x1EB80] =	vst v63  }
0x8c: {  	_ =	swait.ge [sflag:s12], $0x1400  }
0x8d: {  	[sflag:s12] =	ssyncset.done $0x0  }
0x8e: {  	s19 =	rddreg [dreg:$0x19];
	[sflag:s12] =	ssyncadd.s32 $0xFFFFEC00  }
0x8f: {  	[spmem:s19] =	stream.linear.scatter [tilespmem:s11], [sflag:$0xB], $0x1400, $0x38;
	[tilespmem:$0x1EB80] =	vst v63  }
0x90: {  	_ =	swait.ge [sflag:s12], $0x1400  }
0x91: {  	[sflag:s12] =	ssyncset.done $0x0  }
0x92: {  	s3 =	rddreg [dreg:$0x1a];
	[sflag:s12] =	ssyncadd.s32 $0xFFFFEC00  }
0x93: {  	[spmem:s3] =	stream.linear.scatter [tilespmem:s11], [sflag:$0xB], $0x1400, $0x38;
	[tilespmem:$0x1EB80] =	vst v63  }
0x94: {  	_ =	swait.ge [sflag:s12], $0x1400  }
0x95: {  	[sflag:s12] =	ssyncset.done $0x0  }
0x96: {  	s19 =	rddreg [dreg:$0x1b];
	[sflag:s12] =	ssyncadd.s32 $0xFFFFEC00  }
0x97: {  	[spmem:s19] =	stream.linear.scatter [tilespmem:s11], [sflag:$0xB], $0x1400, $0x38;
	[tilespmem:$0x1EB80] =	vst v63  }
0x98: {  	_ =	swait.ge [sflag:s12], $0x1400  }
0x99: {  	[sflag:s12] =	ssyncset.done $0x0  }
0x9a: {  	[sflag:s12] =	ssyncadd.s32 $0xFFFFEC00  }
.LBB2_5:
0x9b: {  	_ =	swait.ge [sflag:s13], $0x2710  }
0x9c: {  	[sflag:s13] =	ssyncset.done $0x0  }
0x9d: {  	[sflag:s13] =	ssyncadd.s32 $0xFFFFD8F0  }
0x9e: {  	_ =	swait.ge [sflag:s14], $0x2710  }
0x9f: {  	[sflag:s14] =	ssyncset.done $0x0  }
0xa0: {  	[sflag:s14] =	ssyncadd.s32 $0xFFFFD8F0  }
0xa1: {  	s0 =	simm.s32 $0x0;
	[bflag:$0x0] =	sbarrier.arrive $0xFFFF  }
0xa2: {  	[tilespmem:s11], [sflag:$0x1] =	stream.indirect.gather [hbm4b:s1+s15], $0x80, s0, s15, $0xb8;
	[tilespmem:$0x1EB80] =	vst v63  }
0xa3: {  	_ = 	snop  }
0xa4: {  	[tilespmem:s16], [sflag:$0x2] =	stream.indirect.gather [hbm4b:s1+s15], $0x80, s15, s15, $0xb8;
	[tilespmem:$0x1EB80] =	vst v63  }
0xa5: {  	s3 =	simm.s32 $0x50  }
0xa6: {  	[tilespmem:s18], [sflag:$0x3] =	stream.indirect.gather [hbm4b:s1+s15], $0x80, s3, s15, $0xb8;
	[tilespmem:$0x1EB80] =	vst v63  }
0xa7: {  	s19 =	simm.s32 $0x78  }
0xa8: {  	[tilespmem:s20], [sflag:$0x4] =	stream.indirect.gather [hbm4b:s1+s15], $0x80, s19, s15, $0xb8;
	[tilespmem:$0x1EB80] =	vst v63  }
0xa9: {  	s3 =	simm.s32 $0xA0  }
0xaa: {  	[tilespmem:s22], [sflag:$0x5] =	stream.indirect.gather [hbm4b:s1+s15], $0x80, s3, s15, $0xb8;
	[tilespmem:$0x1EB80] =	vst v63  }
0xab: {  	_ =	swait.ge [sflag:s13], $0x1400  }
0xac: {  	[sflag:s13] =	ssyncset.done $0x0  }
0xad: {  	s19 =	simm.s32 $0x2780;
	[sflag:s13] =	ssyncadd.s32 $0xFFFFEC00  }
0xae: {  	[spmem:s2] =	stream.indirect.scatter.add.f32 [tilespmem:s11], [sflag:$0x6], $0x80, s19, s15, $0xb8;
	[tilespmem:$0x1EB80] =	vst v63  }
0xaf: {  	_ =	swait.ge [sflag:s14], $0x1400  }
0xb0: {  	[sflag:s14] =	ssyncset.done $0x0  }
0xb1: {  	s3 =	simm.s32 $0x27A8;
	[sflag:s14] =	ssyncadd.s32 $0xFFFFEC00  }
0xb2: {  	[spmem:s2] =	stream.indirect.scatter.add.f32 [tilespmem:s16], [sflag:$0x7], $0x80, s3, s15, $0xb8;
	[tilespmem:$0x1EB80] =	vst v63  }
0xb3: {  	_ =	swait.ge [sflag:s10], $0x1400  }
0xb4: {  	[sflag:s10] =	ssyncset.done $0x0  }
0xb5: {  	s19 =	simm.s32 $0x27D0;
	[sflag:s10] =	ssyncadd.s32 $0xFFFFEC00  }
0xb6: {  	[spmem:s2] =	stream.indirect.scatter.add.f32 [tilespmem:s18], [sflag:$0x8], $0x80, s19, s15, $0xb8;
	[tilespmem:$0x1EB80] =	vst v63  }
0xb7: {  	_ =	swait.ge [sflag:s23], $0x1400  }
0xb8: {  	[sflag:s23] =	ssyncset.done $0x0  }
0xb9: {  	s3 =	simm.s32 $0x27F8;
	[sflag:s23] =	ssyncadd.s32 $0xFFFFEC00  }
0xba: {  	[spmem:s2] =	stream.indirect.scatter.add.f32 [tilespmem:s20], [sflag:$0x9], $0x80, s3, s15, $0xb8;
	[tilespmem:$0x1EB80] =	vst v63  }
0xbb: {  	_ =	swait.ge [sflag:s26], $0x1400  }
0xbc: {  	[sflag:s26] =	ssyncset.done $0x0  }
0xbd: {  	s19 =	simm.s32 $0x2820;
	[sflag:s26] =	ssyncadd.s32 $0xFFFFEC00  }
0xbe: {  	[spmem:s2] =	stream.indirect.scatter.add.f32 [tilespmem:s22], [sflag:$0xA], $0x80, s19, s15, $0xb8;
	[tilespmem:$0x1EB80] =	vst v63  }
0xbf: {  	_ =	swait.ge [sflag:s28], $0x1400  }
0xc0: {  	[sflag:s28] =	ssyncset.done $0x0  }
0xc1: {  	s3 =	simm.s32 $0xC8;
	[sflag:s28] =	ssyncadd.s32 $0xFFFFEC00  }
0xc2: {  	[tilespmem:s11], [sflag:$0x1] =	stream.indirect.gather [hbm4b:s1+s15], $0x80, s3, s15, $0xb8;
	[tilespmem:$0x1EB80] =	vst v63  }
0xc3: {  	_ =	swait.ge [sflag:s29], $0x1400  }
0xc4: {  	[sflag:s29] =	ssyncset.done $0x0  }
0xc5: {  	s19 =	simm.s32 $0xF0;
	[sflag:s29] =	ssyncadd.s32 $0xFFFFEC00  }
0xc6: {  	[tilespmem:s16], [sflag:$0x2] =	stream.indirect.gather [hbm4b:s1+s15], $0x80, s19, s15, $0xb8;
	[tilespmem:$0x1EB80] =	vst v63  }
0xc7: {  	_ =	swait.ge [sflag:s30], $0x1400  }
0xc8: {  	[sflag:s30] =	ssyncset.done $0x0  }
0xc9: {  	s3 =	simm.s32 $0x118;
	[sflag:s30] =	ssyncadd.s32 $0xFFFFEC00  }
0xca: {  	[tilespmem:s18], [sflag:$0x3] =	stream.indirect.gather [hbm4b:s1+s15], $0x80, s3, s15, $0xb8;
	[tilespmem:$0x1EB80] =	vst v63  }
0xcb: {  	_ =	swait.ge [sflag:s17], $0x1400  }
0xcc: {  	[sflag:s17] =	ssyncset.done $0x0  }
0xcd: {  	s19 =	simm.s32 $0x140;
	[sflag:s17] =	ssyncadd.s32 $0xFFFFEC00  }
0xce: {  	[tilespmem:s20], [sflag:$0x4] =	stream.indirect.gather [hbm4b:s1+s15], $0x80, s19, s15, $0xb8;
	[tilespmem:$0x1EB80] =	vst v63  }
0xcf: {  	_ =	swait.ge [sflag:s31], $0x1400  }
0xd0: {  	[sflag:s31] =	ssyncset.done $0x0  }
0xd1: {  	s0 =	simm.s32 $0x168;
	s3 =	simm.s32 $0x320;
	[sflag:s31] =	ssyncadd.s32 $0xFFFFEC00  }
.LBB2_6:
0xd2: {  	[tilespmem:s22], [sflag:$0x5] =	stream.indirect.gather [hbm4b:s1+s15], $0x80, s0, s15, $0xb8;
	[tilespmem:$0x1EB80] =	vst v63  }
0xd3: {  	s0 =	smov.u32 s3  }
0xd4: {  	p1 =	sne.s32 s3, $0x9600;
	s3 =	sadd.s32 $0x320, s3;
	_ =	swait.ge [sflag:s13], $0x1400  }
0xd5: {  	s0 =	sshra.s32 s0, $0x2;
	[sflag:s13] =	ssyncset.done $0x0  }
0xd6: {  	s19 =	sadd.s32 $0x2780, s0;
	[sflag:s13] =	ssyncadd.s32 $0xFFFFEC00  }
0xd7: {  	[spmem:s2] =	stream.indirect.scatter.add.f32 [tilespmem:s11], [sflag:$0x6], $0x80, s19, s15, $0xb8;
	[tilespmem:$0x1EB80] =	vst v63  }
0xd8: {  	_ =	swait.ge [sflag:s14], $0x1400  }
0xd9: {  	[sflag:s14] =	ssyncset.done $0x0  }
0xda: {  	s19 =	sadd.s32 $0x27A8, s0;
	[sflag:s14] =	ssyncadd.s32 $0xFFFFEC00  }
0xdb: {  	[spmem:s2] =	stream.indirect.scatter.add.f32 [tilespmem:s16], [sflag:$0x7], $0x80, s19, s15, $0xb8;
	[tilespmem:$0x1EB80] =	vst v63  }
0xdc: {  	_ =	swait.ge [sflag:s10], $0x1400  }
0xdd: {  	[sflag:s10] =	ssyncset.done $0x0  }
0xde: {  	s19 =	sadd.s32 $0x27D0, s0;
	[sflag:s10] =	ssyncadd.s32 $0xFFFFEC00  }
0xdf: {  	[spmem:s2] =	stream.indirect.scatter.add.f32 [tilespmem:s18], [sflag:$0x8], $0x80, s19, s15, $0xb8;
	[tilespmem:$0x1EB80] =	vst v63  }
0xe0: {  	_ =	swait.ge [sflag:s23], $0x1400  }
0xe1: {  	[sflag:s23] =	ssyncset.done $0x0  }
0xe2: {  	s19 =	sadd.s32 $0x27F8, s0;
	[sflag:s23] =	ssyncadd.s32 $0xFFFFEC00  }
0xe3: {  	[spmem:s2] =	stream.indirect.scatter.add.f32 [tilespmem:s20], [sflag:$0x9], $0x80, s19, s15, $0xb8;
	[tilespmem:$0x1EB80] =	vst v63  }
0xe4: {  	_ =	swait.ge [sflag:s26], $0x1400  }
0xe5: {  	[sflag:s26] =	ssyncset.done $0x0  }
0xe6: {  	s19 =	sadd.s32 $0x2820, s0;
	[sflag:s26] =	ssyncadd.s32 $0xFFFFEC00  }
0xe7: {  	[spmem:s2] =	stream.indirect.scatter.add.f32 [tilespmem:s22], [sflag:$0xA], $0x80, s19, s15, $0xb8;
	[tilespmem:$0x1EB80] =	vst v63  }
0xe8: {  	_ =	swait.ge [sflag:s28], $0x1400  }
0xe9: {  	[sflag:s28] =	ssyncset.done $0x0  }
0xea: {  	s19 =	sadd.s32 $0xC8, s0;
	[sflag:s28] =	ssyncadd.s32 $0xFFFFEC00  }
0xeb: {  	[tilespmem:s11], [sflag:$0x1] =	stream.indirect.gather [hbm4b:s1+s15], $0x80, s19, s15, $0xb8;
	[tilespmem:$0x1EB80] =	vst v63  }
0xec: {  	_ =	swait.ge [sflag:s29], $0x1400  }
0xed: {  	[sflag:s29] =	ssyncset.done $0x0  }
0xee: {  	s19 =	sadd.s32 $0xF0, s0;
	[sflag:s29] =	ssyncadd.s32 $0xFFFFEC00  }
0xef: {  	[tilespmem:s16], [sflag:$0x2] =	stream.indirect.gather [hbm4b:s1+s15], $0x80, s19, s15, $0xb8;
	[tilespmem:$0x1EB80] =	vst v63  }
0xf0: {  	_ =	swait.ge [sflag:s30], $0x1400  }
0xf1: {  	[sflag:s30] =	ssyncset.done $0x0  }
0xf2: {  	s19 =	sadd.s32 $0x118, s0;
	[sflag:s30] =	ssyncadd.s32 $0xFFFFEC00  }
0xf3: {  	[tilespmem:s18], [sflag:$0x3] =	stream.indirect.gather [hbm4b:s1+s15], $0x80, s19, s15, $0xb8;
	[tilespmem:$0x1EB80] =	vst v63  }
0xf4: {  	_ =	swait.ge [sflag:s17], $0x1400  }
0xf5: {  	[sflag:s17] =	ssyncset.done $0x0  }
.Ltmp2:
0xf6: {  	s19 =	sadd.s32 $0x140, s0;
	[sflag:s17] =	ssyncadd.s32 $0xFFFFEC00;
	(pc) =	sbr.rel @p1 .LBB2_6-.Ltmp2, $4  }
0xf7: {  	[tilespmem:s20], [sflag:$0x4] =	stream.indirect.gather [hbm4b:s1+s15], $0x80, s19, s15, $0xb8;
	[tilespmem:$0x1EB80] =	vst v63  }
0xf8: {  	_ =	swait.ge [sflag:s31], $0x1400  }
0xf9: {  	[sflag:s31] =	ssyncset.done $0x0  }
0xfa: {  	s0 =	sadd.s32 $0x168, s0;
	[sflag:s31] =	ssyncadd.s32 $0xFFFFEC00  }
0xfb: {  	[tilespmem:s22], [sflag:$0x5] =	stream.indirect.gather [hbm4b:s1+s15], $0x80, s0, s15, $0xb8;
	[tilespmem:$0x1EB80] =	vst v63  }
0xfc: {  	_ =	swait.ge [sflag:s13], $0x1400  }
0xfd: {  	[sflag:s13] =	ssyncset.done $0x0  }
0xfe: {  	s19 =	simm.s32 $0x4DC8;
	[sflag:s13] =	ssyncadd.s32 $0xFFFFEC00  }
0xff: {  	[spmem:s2] =	stream.indirect.scatter.add.f32 [tilespmem:s11], [sflag:$0x6], $0x80, s19, s15, $0xb8;
	[tilespmem:$0x1EB80] =	vst v63  }
0x100: {  	_ =	swait.ge [sflag:s14], $0x1400  }
0x101: {  	[sflag:s14] =	ssyncset.done $0x0  }
0x102: {  	s3 =	simm.s32 $0x4DF0;
	[sflag:s14] =	ssyncadd.s32 $0xFFFFEC00  }
0x103: {  	[spmem:s2] =	stream.indirect.scatter.add.f32 [tilespmem:s16], [sflag:$0x7], $0x80, s3, s15, $0xb8;
	[tilespmem:$0x1EB80] =	vst v63  }
0x104: {  	_ =	swait.ge [sflag:s10], $0x1400  }
0x105: {  	[sflag:s10] =	ssyncset.done $0x0  }
0x106: {  	s19 =	simm.s32 $0x4E18;
	[sflag:s10] =	ssyncadd.s32 $0xFFFFEC00  }
0x107: {  	[spmem:s2] =	stream.indirect.scatter.add.f32 [tilespmem:s18], [sflag:$0x8], $0x80, s19, s15, $0xb8;
	[tilespmem:$0x1EB80] =	vst v63  }
0x108: {  	_ =	swait.ge [sflag:s23], $0x1400  }
0x109: {  	[sflag:s23] =	ssyncset.done $0x0  }
0x10a: {  	[sflag:s23] =	ssyncadd.s32 $0xFFFFEC00  }
0x10b: {  	[spmem:s2] =	stream.indirect.scatter.add.f32 [tilespmem:s20], [sflag:$0x9], $0x80, s8, s15, $0xb8;
	[tilespmem:$0x1EB80] =	vst v63  }
0x10c: {  	_ =	swait.ge [sflag:s26], $0x1400  }
0x10d: {  	[sflag:s26] =	ssyncset.done $0x0  }
0x10e: {  	[sflag:s26] =	ssyncadd.s32 $0xFFFFEC00  }
0x10f: {  	[spmem:s2] =	stream.indirect.scatter.add.f32 [tilespmem:s22], [sflag:$0xA], $0x80, s9, s15, $0xb8;
	[tilespmem:$0x1EB80] =	vst v63  }
0x110: {  	_ =	swait.ge [sflag:s28], $0x1400  }
0x111: {  	[sflag:s28] =	ssyncset.done $0x0  }
0x112: {  	[sflag:s28] =	ssyncadd.s32 $0xFFFFEC00  }
0x113: {  	_ =	swait.ge [sflag:s29], $0x1400  }
0x114: {  	[sflag:s29] =	ssyncset.done $0x0  }
0x115: {  	[sflag:s29] =	ssyncadd.s32 $0xFFFFEC00  }
0x116: {  	_ =	swait.ge [sflag:s30], $0x1400  }
0x117: {  	[sflag:s30] =	ssyncset.done $0x0  }
0x118: {  	[sflag:s30] =	ssyncadd.s32 $0xFFFFEC00  }
0x119: {  	_ =	swait.ge [sflag:s17], $0x1400  }
0x11a: {  	[sflag:s17] =	ssyncset.done $0x0  }
0x11b: {  	[sflag:s17] =	ssyncadd.s32 $0xFFFFEC00  }
0x11c: {  	_ =	swait.ge [sflag:s31], $0x1400  }
0x11d: {  	s0 =	stileid.u32;
	s21 =	sadd.s32 $0x1, s21;
	[sflag:s31] =	ssyncset.done $0x0  }
0x11e: {  	s0 =	sshll.u32 @!p0 s0, $0x6;
	p1 =	sne.s32 s21, s25;
	[sflag:s31] =	ssyncadd.s32 $0xFFFFEC00  }
0x11f: {  	s0 =	sor.u32 @!p0 $0x1C0B, s0;
	s3 =	sshrl.u32 @!p0 s7, $0x3;
	[bflag:$0x0] =	sbarrier.arrive $0xFFFF  }
0x120: {  	[hbm:s24], [sflag:s0] =	dma.local @!p0 [spmem:s3], $0x3E80  }
.Ltmp3:
0x121: {  	_ = 	snop;
	(pc) =	sbr.rel @p1 .LBB2_1-.Ltmp3, $4  }
0x122: {  	s0 =	simm.s32 @!p0 $0xB  }
0x123: {  	_ =	swait.ge @!p0 [sflag:s0], $0x3E80  }
0x124: {  	[sflag:s0] =	ssyncset.done @!p0 $0x0  }
0x125: {  	[sflag:s0] =	ssyncadd.s32 @!p0 $0xFFFFC180  }
0x126: {  	_ =	sfence.sel $0x180000  }
0x127: {  	[bflag:$0x0] =	sbarrier.arrive $0xFFFF  }
0x128: {  	_ =	strace $0x9000004D  }
0x129: {  	s0 =	stileid.u32;
	[bflag:$0x2] =	sbarrier.arrive $0xFFFF  }
0x12a: {  	p0 =	sne.s32 s0, $0x0;
	s0 =	rddreg [dreg:$0x3]  }
0x12b: {  	s0 =	sadd.s32 @!p0 $0x100000, s0  }
0x12c: {  	[sflag:s0] =	ssyncadd.tile.s32 @!p0 $0x1;
	_ =	shalt  }
.Lfunc_end2:
_tile_overlayer_lowered:
.L_overlay_start_2:
0x12d: {  	(tag) =	ssettag $0x2  }
0x12e: {  	s0 =	rddreg [dreg:$0x0];
	s2 =	stileid.u32  }
0x12f: {  	s1 =	rddreg [dreg:$0x1];
	p0 =	sne.s32 s2, $0x0  }
0x130: {  	s3 =	rddreg [dreg:$0x2];
	[bflag:$0x3] =	sbarrier.arrive $0xFFFF;
	s2 =	simm.s32 @!p0 $0x1C0B  }
0x131: {  	[timem:s3], [sflag:s2] =	dma.local @!p0 [hbm:s0], s1  }
0x132: {  	s0 =	simm.s32 @!p0 $0xB  }
0x133: {  	_ =	swait.ge @!p0 [sflag:s0], s1  }
0x134: {  	s1 =	ssub.s32 @!p0 $0x0, s1;
	[sflag:s0] =	ssyncset.done @!p0 $0x0  }
0x135: {  	[sflag:s0] =	ssyncadd.s32 @!p0 s1  }
0x136: {  	[bflag:$0x3] =	sbarrier.arrive $0xFFFF  }
0x137: {  	_ =	shalt  }

// kernel: kernel.8.cloned.1.call-start
scs
__scs_entry_jumppad:
0x0: {  	(pc) =	sbr.rel $0x88, $3  }
0x1: {  	(tag) =	ssettag $0x0;
	lr =	simm.s32 $0x1  }
0x2: {  	[smem:$0x3F9B] =	sst lr;
	_ =	strace $0xD0000000  }
0x3: {  	_ = 	snop  }
0x4: {  	_ = 	snop  }
0x5: {  	_ = 	snop  }
0x6: {  	_ = 	snop  }
0x7: {  	_ = 	snop  }
__scs_overlays_trampoline_lowered:
0x8: {  	[smem:$0x3FAA] =	sst s0  }
0x9: {  	[smem:$0x3FAB] =	sst s1  }
0xa: {  	[smem:$0x3FAC] =	sst s2  }
0xb: {  	[smem:$0x3FAD] =	sst s3  }
0xc: {  	[smem:$0x3FAE] =	sst s4  }
0xd: {  	[smem:$0x3FAF] =	sst s5  }
0xe: {  	[smem:$0x3FB0] =	sst s6  }
0xf: {  	[smem:$0x3FB1] =	sst s7  }
0x10: {  	[smem:$0x3FB2] =	sst s8  }
0x11: {  	[smem:$0x3FB3] =	sst s9;
	s0 =	simm.s32 @!p0 $0x0  }
0x12: {  	s1 =	sld [smem:$0x3F99];
	s0 =	simm.s32 @p0 $0x1  }
0x13: {  	[smem:$0x3FB4] =	sst s0;
	s0 =	simm.s32 @!p1 $0x0  }
0x14: {  	s2 =	sld [smem:$0x3F98];
	s0 =	simm.s32 @p1 $0x1  }
0x15: {  	[smem:$0x3FB5] =	sst s0;
	s0 =	simm.s32 @!p2 $0x0  }
0x16: {  	s3 =	sld [smem:$0x3FDB];
	s0 =	simm.s32 @p2 $0x1  }
0x17: {  	s4 =	simm.s32 $0x1BF5;
	[smem:$0x3FB7] =	sst s0  }
0x18: {  	s0 =	sld [smem:$0x3F9A];
	_ =	swait.ge [sflag:s4], $0x0  }
0x19: {  	s7 =	sld [smem:$0x3F9B]  }
0x1a: {  	s8 =	sadd.s32 $0xFFFFE003, lr  }
0x1b: {  	s9 =	sadd.s32 $0xFFFFFEF7, lr;
	s5 =	simm.s32 $0xFFFFFFFF;
	p2 =	slt.u32 s8, $0xFFFFF086  }
0x1c: {  	p1 =	slt.u32 s9, $0xF7A;
	s5 =	simm.s32 @!p2 $0x0  }
0x1d: {  	s5 =	simm.s32 @p1 $0x1;
	p0 =	seq.s32 s7, s2  }
0x1e: {  	s7 =	smul.u32 @!p0 $0xF7A, s2;
	p2 =	seq.s32 @!p0 s5, $0x0  }
0x1f: {  	s9 =	smul.u32 $0xF7A, s1;
	s8 =	simm.s32 @!p0 $0x1BF5;
	p2 =	por !p2, p0  }
0x20: {  	[sflag:s8] =	ssyncset.s32 @!p0 $0xFFFFF086;
	s6 =	sadd.s32 @!p0 s3, s7;
	s7 =	simm.s32 @!p0 $0x108  }
0x21: {  	s3 =	sadd.s32 s3, s9;
	s6 =	sadd.s32 @!p0 $0x88, s6;
	s7 =	simm.s32 @p2 $0x1082  }
0x22: {  	[simem:s7], [sflag:s8] =	dma.local @!p0 [hbm:s6], $0xF7A  }
0x23: {  	s9 =	sor.u32 $0xD0000000, s2;
	s6 =	simm.s32 $0x108;
	_ =	swait.ge @!p0 [sflag:s8], $0x0  }
0x24: {  	s3 =	sadd.s32 $0x88, s3;
	s6 =	simm.s32 @!p1 $0x1082;
	[sflag:s4] =	ssyncset.s32 $0xFFFFF086  }
0x25: {  	[simem:s6], [sflag:s4] =	dma.local [hbm:s3], $0xF7A  }
0x26: {  	[smem:$0x3F9B] =	sst s1;
	(tag) =	ssettag s2;
	_ =	strace s9  }
0x27: {  	s1 =	sld [smem:$0x3FAB]  }
0x28: {  	s2 =	sld [smem:$0x3FAC]  }
0x29: {  	s4 =	sld [smem:$0x3FAE]  }
0x2a: {  	p0 =	seq.s32 s5, $0x0;
	s5 =	sld [smem:$0x3FAF]  }
0x2b: {  	s6 =	sld [smem:$0x3FB0]  }
0x2c: {  	s7 =	sld [smem:$0x3FB1]  }
0x2d: {  	s3 =	simm.s32 $0x108;
	s8 =	sld [smem:$0x3FB2]  }
0x2e: {  	s3 =	simm.s32 @!p0 $0x1082;
	s9 =	sld [smem:$0x3FB3]  }
0x2f: {  	lr =	sadd.s32 s0, s3;
	s0 =	sld [smem:$0x3FAA]  }
0x30: {  	s3 =	sld [smem:$0x3FAD]  }
0x31: {  	[smem:$0x3FB6] =	sst s10  }
0x32: {  	s10 =	sld [smem:$0x3FB4];
	_ =	sdelay $0x3  }
0x33: {  	p0 =	seq.s32 s10, $0x1;
	s10 =	sld [smem:$0x3FB6];
	_ =	sdelay $0x3  }
0x34: {  	[smem:$0x3FB6] =	sst s10  }
0x35: {  	s10 =	sld [smem:$0x3FB5];
	_ =	sdelay $0x3  }
0x36: {  	p1 =	seq.s32 s10, $0x1;
	s10 =	sld [smem:$0x3FB6];
	_ =	sdelay $0x3  }
0x37: {  	[smem:$0x3FB6] =	sst s10  }
0x38: {  	s10 =	sld [smem:$0x3FB7]  }
0x39: {  	_ = 	snop;
	(pc) =	sbr.ind lr, $3  }
0x3a: {  	_ = 	snop  }
0x3b: {  	_ = 	snop  }
0x3c: {  	p2 =	seq.s32 s10, $0x1;
	s10 =	sld [smem:$0x3FB6]  }
0x3d: {  	_ =	shalt  }
0x3e: {  	_ =	shalt  }
0x3f: {  	_ =	shalt  }
0x40: {  	_ =	shalt  }
0x41: {  	_ =	shalt  }
0x42: {  	_ =	shalt  }
0x43: {  	_ =	shalt  }
0x44: {  	_ =	shalt  }
0x45: {  	_ =	shalt  }
0x46: {  	_ =	shalt  }
0x47: {  	_ =	shalt  }
0x48: {  	_ =	shalt  }
0x49: {  	_ =	shalt  }
0x4a: {  	_ =	shalt  }
0x4b: {  	_ =	shalt  }
0x4c: {  	_ =	shalt  }
0x4d: {  	_ =	shalt  }
0x4e: {  	_ =	shalt  }
0x4f: {  	_ =	shalt  }
0x50: {  	_ =	shalt  }
0x51: {  	_ =	shalt  }
0x52: {  	_ =	shalt  }
0x53: {  	_ =	shalt  }
0x54: {  	_ =	shalt  }
0x55: {  	_ =	shalt  }
0x56: {  	_ =	shalt  }
0x57: {  	_ =	shalt  }
0x58: {  	_ =	shalt  }
0x59: {  	_ =	shalt  }
0x5a: {  	_ =	shalt  }
0x5b: {  	_ =	shalt  }
0x5c: {  	_ =	shalt  }
0x5d: {  	_ =	shalt  }
0x5e: {  	_ =	shalt  }
0x5f: {  	_ =	shalt  }
0x60: {  	_ =	shalt  }
0x61: {  	_ =	shalt  }
0x62: {  	_ =	shalt  }
0x63: {  	_ =	shalt  }
0x64: {  	_ =	shalt  }
0x65: {  	_ =	shalt  }
0x66: {  	_ =	shalt  }
0x67: {  	_ =	shalt  }
0x68: {  	_ =	shalt  }
0x69: {  	_ =	shalt  }
0x6a: {  	_ =	shalt  }
0x6b: {  	_ =	shalt  }
0x6c: {  	_ =	shalt  }
0x6d: {  	_ =	shalt  }
0x6e: {  	_ =	shalt  }
0x6f: {  	_ =	shalt  }
0x70: {  	_ =	shalt  }
0x71: {  	_ =	shalt  }
0x72: {  	_ =	shalt  }
0x73: {  	_ =	shalt  }
0x74: {  	_ =	shalt  }
0x75: {  	_ =	shalt  }
0x76: {  	_ =	shalt  }
0x77: {  	_ =	shalt  }
0x78: {  	_ =	shalt  }
0x79: {  	_ =	shalt  }
0x7a: {  	_ =	shalt  }
0x7b: {  	_ =	shalt  }
0x7c: {  	_ =	shalt  }
0x7d: {  	_ =	shalt  }
0x7e: {  	_ =	shalt  }
0x7f: {  	_ =	shalt  }
0x80: {  	_ =	shalt  }
0x81: {  	_ =	shalt  }
0x82: {  	_ =	shalt  }
0x83: {  	_ =	shalt  }
0x84: {  	_ =	shalt  }
0x85: {  	_ =	shalt  }
0x86: {  	_ =	shalt  }
0x87: {  	_ =	shalt  }
.Lfunc_end0:
.L_simem_size_0:
called_computation_lowered:
.L_overlay_start_0:
0x88: {  	s2 =	sld [smem:$0x3FD9]  }
0x89: {  	s3 =	sld [smem:$0x3FFE];
	_ =	sdelay $0x1  }
0x8a: {  	s1 =	srdreg.scid  }
0x8b: {  	s0 =	sand.u32 $0x1, s1  }
0x8c: {  	s17 =	sshll.u32 s0, $0xA;
	s2 =	sadd.s32 s3, s2  }
0x8d: {  	s2 =	sadd.s32 s2, s17  }
0x8e: {  	[smem:$0x3FC2] =	sst s2  }
0x8f: {  	_ = 	snop  }
0x90: {  	s2 =	sld [smem:$0x3FD0];
	(tm) =	ssettm $0x1  }
0x91: {  	s18 =	sld [smem:$0x3FFB];
	_ =	sdelay $0x3  }
0x92: {  	_ =	strace s18  }
0x93: {  	s3 =	sld [smem:$0x3FFC];
	_ =	sdelay $0x3  }
0x94: {  	_ =	strace s3  }
0x95: {  	s3 =	sld [smem:$0x3FFD];
	_ =	sdelay $0x3  }
0x96: {  	_ =	strace s3  }
0x97: {  	_ =	strace $0x8FFFFFFF  }
0x98: {  	s19 =	sld [smem:$0x3FDB];
	_ =	sdelay $0x1  }
0x99: {  	s4 =	simm.s32 $_scs_section_size  }
0x9a: {  	s5 =	simm.s32 $_size__tile_overlayer_lowered;
	s6 =	simm.s32 $_tile_overlayer_lowered  }
0x9b: {  	s22 =	simm.s32 $0x1BFF;
	s21 =	sshll.u32 s6, $0x1;
	s3 =	sadd.s32 s4, s19  }
0x9c: {  	s7 =	simm.s32 $0x0;
	s20 =	sshll.u32 s5, $0x1;
	s5 =	sadd.s32 s21, s3  }
0x9d: {  	[timem:s7], [sflag:s22] =	dma.local [hbm:s5], s20  }
0x9e: {  	_ =	swait.ge [sflag:s22], s20  }
0x9f: {  	s4 =	ssub.s32 $0x0, s20;
	[sflag:s22] =	ssyncset.done $0x0  }
0xa0: {  	[sflag:s22] =	ssyncadd.s32 s4;
	_ =	sdelay $0x1  }
0xa1: {  	s23 =	simm.s32 $0x1B8B  }
0xa2: {  	_ =	swait.ge [sflag:s23], $0x1  }
0xa3: {  	[sflag:s23] =	ssyncset.done $0x0  }
0xa4: {  	s25 =	simm.s32 $0x1B8E;
	s24 =	sld [smem:$0x3FFE];
	[sflag:s23] =	ssyncadd.s32 $0xFFFFFFFF  }
0xa5: {  	s26 =	simm.s32 $execute0_lowered;
	[smem:$0x3FD2] =	sst s25  }
0xa6: {  	s5 =	sshll.u32 s26, $0x1;
	_ =	strace $0x80000046;
	[dreg:$0x1] =	wrdreg $0xFFFFFFFF  }
0xa7: {  	s28 =	simm.s32 $_size_execute0_lowered;
	s3 =	sadd.s32 s3, s5;
	[dreg:$0x0] =	wrdreg $0x0  }
0xa8: {  	s5 =	sshll.u32 s28, $0x1;
	[dreg:$0x2] =	wrdreg s3  }
0xa9: {  	[dreg:$0x3] =	wrdreg s5  }
0xaa: {  	[dreg:$0x4] =	wrdreg $0xC0  }
0xab: {  	_ =	task [dreg:s7], $0x5FFFF  }
0xac: {  	[dreg:$0x1] =	wrdreg $0xFFFFFFFF  }
0xad: {  	[dreg:$0x0] =	wrdreg $0x60  }
0xae: {  	[dreg:$0x2] =	wrdreg s24  }
0xaf: {  	[dreg:$0x3] =	wrdreg s2  }
0xb0: {  	[dreg:$0x4] =	wrdreg $0x2C000  }
0xb1: {  	[dreg:$0x5] =	wrdreg $0x9  }
0xb2: {  	_ =	task.clear_ibuf [dreg:s7], $0x6FFFF;
	_ =	strace $0x90000046  }
0xb3: {  	s29 =	simm.s32 $0x9;
	_ =	strace $0x80000048  }
0xb4: {  	_ =	swait.ge [sflag:s29], $0x1  }
0xb5: {  	[sflag:s29] =	ssyncadd.s32 $0xFFFFFFFF  }
0xb6: {  	_ =	strace $0x90000048  }
0xb7: {  	_ =	sfence  }
0xb8: {  	s30 =	sld [smem:$0x0];
	_ =	sdelay $0x2  }
0xb9: {  	s31 =	sshll.u32 s1, $0xD;
	s1 =	sshrl.u32 s1, $0x2  }
0xba: {  	s3 =	sand.u32 $0x4000, s31;
	s1 =	sadd.s32 s1, s30  }
0xbb: {  	s0 =	sor.u32 s3, s0;
	s1 =	sshll.u32 s1, $0x11  }
0xbc: {  	s0 =	sor.u32 s1, s0  }
0xbd: {  	s0 =	sadd.s32 $0x8F2B, s0  }
0xbe: {  	[sflag:s0] =	ssyncadd.remote.s32 $0x1  }
0xbf: {  	_ =	sfence.sel $0xFFFF  }
0xc0: {  	[dreg:$0x0] =	wrdreg $0xFFFFFFFF;
	(pc) =	sbr.abs _section_cstart, $3  }
0xc1: {  	[dreg:$0x1] =	wrdreg $0xFFFFFFFF  }
0xc2: {  	_ =	task.clear_ibuf [dreg:s7], $0x2FFFF;
	_ =	strace $0x9FFFFFFF  }
0xc3: {  	(tm) =	ssettm $0x7FFFFFFF  }
tec
execute0_lowered:
.L_overlay_start_1:
0x0: {  	(tag) =	ssettag $0x1  }
0x1: {  	s5 =	rddreg [dreg:$0x0]  }
0x2: {  	s7 =	rddreg [dreg:$0x1]  }
0x3: {  	s0 =	srdreg.scid;
	s2 =	rddreg [dreg:$0x2]  }
0x4: {  	s3 =	simm.s32 $0x0;
	s4 =	sand.u32 $0x1, s0;
	s0 =	stileid.u32  }
0x5: {  	s11 =	simm.s32 $0x2780;
	s12 =	simm.s32 $0x1;
	s8 =	smul.u32 $0xFA0, s0  }
0x6: {  	s13 =	simm.s32 $0x0;
	[smem:$0x7FF] =	sst s3;
	s9 =	smul.u32 $0x3E8, s0  }
0x7: {  	s1 =	sshll.u32 s4, $0x4;
	s10 =	ssub.s32 $0x2, s4;
	s4 =	smul.u32 $0x2710, s4  }
0x8: {  	p0 =	sgt.u32 s0, $0x9;
	s1 =	sor.u32 s0, s1;
	s29 =	sshrl.u32 s10, $0x1  }
0x9: {  	s6 =	smul.u32 $0x4E2, s1;
	s1 =	rddreg [dreg:$0x3];
	_ =	strace $0x80000047  }
0xa: {  	s10 =	ssub.s32 s10, s29;
	s30 =	sshrl.u32 s8, $0x2;
	s31 =	sadd.s32 s9, s4  }
0xb: {  	s8 =	sshrl.u32 s31, $0x3;
	s5 =	sadd.s32 s6, s5;
	s6 =	sadd.s32 s9, s2  }
0xc: {  	s7 =	sadd.s32 s7, s8;
	s8 =	smax.u32 s10, $0x1;
	s9 =	simm.s32 $0x2  }
0xd: {  	v0 =	vimm.f32 $1.000000000e+00;
	v1 =	vimm.f32 $0.0e+00;
	s10 =	simm.s32 $0x50;
	s4 =	sadd.s32 $0xBC00, s5;
	s5 =	sadd.s32 s30, s2  }
.LBB2_1:
0xe: {  	[tilespmem:$0x2780] =	vst v0  }
0xf: {  	[tilespmem:$0x2790] =	vst v0  }
0x10: {  	[tilespmem:$0x27A0] =	vst v0  }
0x11: {  	[tilespmem:$0x27B0] =	vst v0  }
0x12: {  	[tilespmem:$0x27C0] =	vst v0;
	s14 =	simm.s32 $0x40;
	s15 =	simm.s32 $0x0  }
.LBB2_2:
0x13: {  	p1 =	sne.s32 s14, $0xF80;
	[tilespmem:s15+$0x2800] =	vst v1;
	s15 =	smov.u32 s14;
	s14 =	sadd.s32 $0x40, s14  }
.Ltmp0:
0x14: {  	(pc) =	sbr.rel @p1 .LBB2_2-.Ltmp0, $2  }
0x15: {  	_ =	sdelay $0x2  }
0x16: {  	s15 =	sshra.s32 s15, $0x2  }
0x17: {  	[tilespmem:s15+$0x2800] =	vst v1  }
0x18: {  	[tilespmem:s3], [sflag:$0x2] =	stream.linear.gather [hbm4b:s4+s3], $0x2710, $0x38;
	[tilespmem:$0x2E78] =	vst v63  }
0x19: {  	_ =	swait.ge [sflag:s9], $0x2710  }
0x1a: {  	[sflag:s9] =	ssyncset.done $0x0  }
0x1b: {  	s14 =	simm.s32 @!p0 $0x2800;
	[sflag:s9] =	ssyncadd.s32 $0xFFFFD8F0  }
0x1c: {  	[spmem:s5] =	stream.linear.scatter @!p0 [tilespmem:s14], [sflag:$0x2], $0x3E8, $0x38;
	[tilespmem:$0x2E78] =	vst v63  }
0x1d: {  	s14 =	simm.s32 @!p0 $0x2  }
0x1e: {  	_ =	swait.ge @!p0 [sflag:s14], $0x3E8  }
0x1f: {  	[sflag:s14] =	ssyncset.done @!p0 $0x0  }
0x20: {  	[sflag:s14] =	ssyncadd.s32 @!p0 $0xFFFFFC18  }
0x21: {  	s14 =	simm.s32 $0x0;
	[bflag:$0x0] =	sbarrier.arrive $0xFFFF  }
.LBB2_4:
0x22: {  	p1 =	sne.s32 s14, $0x9B00  }
.Ltmp1:
0x23: {  	_ = 	snop;
	(pc) =	sbr.rel @p1 .LBB2_4-.Ltmp1, $3  }
0x24: {  	_ =	sdelay $0x1  }
0x25: {  	s15 =	sshra.s32 s14, $0x2;
	s14 =	sadd.s32 $0x140, s14  }
0x26: {  	[spmem:s2] =	stream.indirect.scatter.add.f32 [tilespmem:s11], [sflag:$0x1], $0x1, s15, s10, $0xb8;
	[tilespmem:$0x2E78] =	vst v63  }
0x27: {  	_ =	swait.ge [sflag:s12], $0x50  }
0x28: {  	s14 =	simm.s32 $0x7C;
	[sflag:s12] =	ssyncset.done $0x0  }
.LBB2_6:
0x29: {  	p1 =	sne.s32 s14, $0x1;
	s14 =	sadd.s32 $0xFFFFFFFF, s14;
	[sflag:s12] =	ssyncadd.s32 $0xFFFFFFB0  }
.Ltmp2:
0x2a: {  	(pc) =	sbr.rel @p1 .LBB2_6-.Ltmp2, $3  }
0x2b: {  	_ =	sdelay $0x1  }
0x2c: {  	_ =	swait.ge [sflag:s12], $0x50  }
0x2d: {  	[sflag:s12] =	ssyncset.done $0x0  }
0x2e: {  	[sflag:s12] =	ssyncadd.s32 $0xFFFFFFB0  }
0x2f: {  	s14 =	simm.s32 @!p0 $0x2800;
	s15 =	simm.s32 @!p0 $0x2;
	[bflag:$0x0] =	sbarrier.arrive $0xFFFF  }
0x30: {  	[tilespmem:s14], [sflag:$0x2] =	stream.linear.gather @!p0 [spmem:s6], $0x3E8, $0x38;
	[tilespmem:$0x2E78] =	vst v63  }
0x31: {  	s13 =	sadd.s32 $0x1, s13;
	_ =	swait.ge @!p0 [sflag:s15], $0x3E8  }
0x32: {  	p1 =	sne.s32 s13, s8;
	[sflag:s15] =	ssyncset.done @!p0 $0x0  }
.Ltmp3:
0x33: {  	s16 =	simm.s32 @!p0 $0x0;
	[sflag:s15] =	ssyncadd.s32 @!p0 $0xFFFFFC18;
	(pc) =	sbr.rel @p1 .LBB2_1-.Ltmp3, $4  }
0x34: {  	[hbm4b:s7+s16] =	stream.linear.scatter @!p0 [tilespmem:s14], [sflag:$0x2], $0x3E8, $0x38;
	[tilespmem:$0x2E78] =	vst v63  }
0x35: {  	_ =	swait.ge @!p0 [sflag:s15], $0x3E8  }
0x36: {  	[sflag:s15] =	ssyncset.done @!p0 $0x0  }
0x37: {  	[sflag:s15] =	ssyncadd.s32 @!p0 $0xFFFFFC18  }
0x38: {  	_ =	sfence.sel $0x180000  }
0x39: {  	[bflag:$0x0] =	sbarrier.arrive $0xFFFF  }
0x3a: {  	p0 =	sne.s32 s0, $0x0;
	_ =	strace $0x90000047  }
0x3b: {  	s0 =	sadd.s32 @!p0 $0x100000, s1;
	[bflag:$0x2] =	sbarrier.arrive $0xFFFF  }
0x3c: {  	[sflag:s0] =	ssyncadd.tile.s32 @!p0 $0x1;
	_ =	shalt  }
.Lfunc_end2:
_tile_overlayer_lowered:
.L_overlay_start_2:
0x3d: {  	(tag) =	ssettag $0x2  }
0x3e: {  	s0 =	rddreg [dreg:$0x0];
	s2 =	stileid.u32  }
0x3f: {  	s1 =	rddreg [dreg:$0x1];
	p0 =	sne.s32 s2, $0x0  }
0x40: {  	s3 =	rddreg [dreg:$0x2];
	[bflag:$0x3] =	sbarrier.arrive $0xFFFF;
	s2 =	simm.s32 @!p0 $0x1C02  }
0x41: {  	[timem:s3], [sflag:s2] =	dma.local @!p0 [hbm:s0], s1  }
0x42: {  	s0 =	simm.s32 @!p0 $0x2  }
0x43: {  	_ =	swait.ge @!p0 [sflag:s0], s1  }
0x44: {  	s1 =	ssub.s32 @!p0 $0x0, s1;
	[sflag:s0] =	ssyncset.done @!p0 $0x0  }
0x45: {  	[sflag:s0] =	ssyncadd.s32 @!p0 s1  }
0x46: {  	[bflag:$0x3] =	sbarrier.arrive $0xFFFF  }
0x47: {  	_ =	shalt  }

</sc_bundles>
